<compile_context>
chip_gen: v7x
topology: tpu7x:2x2x1
jax: 0.10.2.dev20260603
libtpu: 0.0.44.dev20260713+nightly
codegen_flags: <defaults>
</compile_context>

<pallas_src>
import jax
import jax.numpy as jnp
from jax import lax
from jax.experimental import pallas as pl
from jax.experimental.pallas import tpu as pltpu
import jax.experimental.pallas.tpu_sc as plsc

_N = 10000
_NP = 10240
_E = 320000
_CB = 128
_NSUB = 16
_NW = 2 * _NSUB
_EPT = _E // _NW
_KC = 80
_GB = 80
_NG = _KC // _GB
_RPT = _NP // _NSUB
_PAD_DST = 10200
_EPS = _E // _NSUB
_KS = 160
_NGS = _KS // _GB


def _make_agg(D, with_deg):
  mesh = plsc.VectorSubcoreMesh(core_axis_name="c", subcore_axis_name="s")
  outs = [jax.ShapeDtypeStruct((2 * _NP, D), jnp.float32)]
  scratch = [
      pltpu.VMEM((_GB, _CB), jnp.int32),
      pltpu.VMEM((_GB, _CB), jnp.int32),
      pltpu.VMEM((_CB, D), jnp.float32),
      pltpu.VMEM((_CB, D), jnp.float32),
      pltpu.VMEM_SHARED((_NP, D), jnp.float32),
      pltpu.VMEM_SHARED((_NP, D), jnp.float32),
      pltpu.SemaphoreType.DMA,
      pltpu.SemaphoreType.DMA,
      pltpu.SemaphoreType.DMA,
      pltpu.SemaphoreType.DMA,
      pltpu.SemaphoreType.DMA,
  ]
  if with_deg:
    outs.append(jax.ShapeDtypeStruct((2 * _NP,), jnp.float32))
    scratch += [
        pltpu.VMEM((_CB,), jnp.float32),
        pltpu.VMEM((_RPT,), jnp.float32),
        pltpu.VMEM_SHARED((_NP,), jnp.float32),
    ]

  def body(*refs):
    if with_deg:
      (y_hbm, src_hbm, dst_hbm, s_hbm, deg_hbm,
       idx_s, idx_d, rows, rows2, table, acc, sem, sem2, sems_a, sems_b,
       sem_d, ones_v, dstage, dacc) = refs
    else:
      (y_hbm, src_hbm, dst_hbm, s_hbm,
       idx_s, idx_d, rows, rows2, table, acc, sem, sem2, sems_a, sems_b,
       sem_d) = refs
    c = lax.axis_index("c")
    s = lax.axis_index("s")

    nsub = D // 16
    def _zrow(k, carry):
      rows[k // nsub, pl.ds((k % nsub) * 16, 16)] = jnp.zeros((16,), jnp.float32)
      return carry
    lax.fori_loop(0, _CB * nsub, _zrow, 0)

    base = s * _RPT
    nfull = _RPT // _CB
    for r in range(nfull):
      pltpu.sync_copy(rows, acc.at[pl.ds(base + r * _CB, _CB)])
    pltpu.sync_copy(y_hbm.at[pl.ds(base, _RPT)], table.at[pl.ds(base, _RPT)])

    if with_deg:
      def _fill1(k, carry):
        ones_v[pl.ds(k * 16, 16)] = jnp.ones((16,), jnp.float32)
        return carry
      lax.fori_loop(0, _CB // 16, _fill1, 0)
      def _fillz(k, carry):
        dstage[pl.ds(k * 16, 16)] = jnp.zeros((16,), jnp.float32)
        return carry
      lax.fori_loop(0, _RPT // 16, _fillz, 0)
      pltpu.sync_copy(dstage, dacc.at[pl.ds(base, _RPT)])

    plsc.subcore_barrier()

    def _gather(j, buf, gsem):
      return pltpu.async_copy(table.at[idx_s.at[j]], buf, gsem)

    def _scatter(j, buf, ssem):
      return pltpu.async_copy(buf, acc.at[idx_d.at[j]], ssem, add=True)

    def _deg_scatter(j):
      return pltpu.async_copy(ones_v, dacc.at[idx_d.at[j]], sem_d, add=True)

    def _group(g, carry):
      gbase = c * _KC + g * _GB
      pltpu.sync_copy(src_hbm.at[s, pl.ds(gbase, _GB)], idx_s)
      pltpu.sync_copy(dst_hbm.at[s, pl.ds(gbase, _GB)], idx_d)
      _gather(0, rows, sem)
      _gather(1, rows2, sem2)
      def _pair(p, carry2):
        j0 = 2 * p
        pltpu.make_async_copy(table.at[idx_s.at[j0]], rows, sem).wait()
        sct_a = _scatter(j0, rows, sems_a)
        if with_deg:
          _deg_scatter(j0)
        pltpu.make_async_copy(table.at[idx_s.at[j0 + 1]], rows2, sem2).wait()
        sct_b = _scatter(j0 + 1, rows2, sems_b)
        if with_deg:
          _deg_scatter(j0 + 1)
        sct_a.wait()
        _gather(j0 + 2, rows, sem)
        sct_b.wait()
        _gather(j0 + 3, rows2, sem2)
        return carry2
      lax.fori_loop(0, _GB // 2 - 1, _pair, carry)
      j0 = _GB - 2
      pltpu.make_async_copy(table.at[idx_s.at[j0]], rows, sem).wait()
      sct_a = _scatter(j0, rows, sems_a)
      pltpu.make_async_copy(table.at[idx_s.at[j0 + 1]], rows2, sem2).wait()
      sct_b = _scatter(j0 + 1, rows2, sems_b)
      if with_deg:
        _deg_scatter(j0)
        _deg_scatter(j0 + 1)
        for _ in range(_GB):
          pltpu.make_async_copy(ones_v, dacc.at[idx_d.at[0]], sem_d).wait()
      sct_a.wait()
      sct_b.wait()
      return carry
    lax.fori_loop(0, _NG, _group, 0)

    plsc.subcore_barrier()

    obase = c * _NP + s * _RPT
    pltpu.sync_copy(acc.at[pl.ds(base, _RPT)], s_hbm.at[pl.ds(obase, _RPT)])
    if with_deg:
      pltpu.sync_copy(dacc.at[pl.ds(base, _RPT)], dstage)
      pltpu.sync_copy(dstage, deg_hbm.at[pl.ds(obase, _RPT)])

  return pl.kernel(
      body,
      out_type=tuple(outs) if with_deg else outs[0],
      mesh=mesh,
      scratch_types=scratch,
      compiler_params=pltpu.CompilerParams(
          use_tc_tiling_on_sc=False) if D < 128 else None,
  )




def _make_agg_split(with_deg):
  Dh = 64
  mesh = plsc.VectorSubcoreMesh(core_axis_name="c", subcore_axis_name="s")
  outs = [jax.ShapeDtypeStruct((2, _NP, Dh), jnp.float32)]
  scratch = [
      pltpu.VMEM((_GB, _CB), jnp.int32),
      pltpu.VMEM((_GB, _CB), jnp.int32),
      pltpu.VMEM((_CB, Dh), jnp.float32),
      pltpu.VMEM((_CB, Dh), jnp.float32),
      pltpu.VMEM_SHARED((_NP, Dh), jnp.float32),
      pltpu.VMEM_SHARED((_NP, Dh), jnp.float32),
      pltpu.SemaphoreType.DMA,
      pltpu.SemaphoreType.DMA,
      pltpu.SemaphoreType.DMA,
      pltpu.SemaphoreType.DMA,
      pltpu.SemaphoreType.DMA,
  ]
  if with_deg:
    outs.append(jax.ShapeDtypeStruct((2 * _NP,), jnp.float32))
    scratch += [
        pltpu.VMEM((_CB,), jnp.float32),
        pltpu.VMEM((_RPT,), jnp.float32),
        pltpu.VMEM_SHARED((_NP,), jnp.float32),
    ]

  def body(*refs):
    if with_deg:
      (y_hbm, src_hbm, dst_hbm, s_hbm, deg_hbm,
       idx_s, idx_d, rows, rows2, table, acc, sem, sem2, sems_a, sems_b,
       sem_d, ones_v, dstage, dacc) = refs
    else:
      (y_hbm, src_hbm, dst_hbm, s_hbm,
       idx_s, idx_d, rows, rows2, table, acc, sem, sem2, sems_a, sems_b,
       sem_d) = refs
    c = lax.axis_index("c")
    s = lax.axis_index("s")
    base = s * _RPT
    nfull = _RPT // _CB

    def _zrow(k, carry):
      rows[k // 4, pl.ds((k % 4) * 16, 16)] = jnp.zeros((16,), jnp.float32)
      return carry
    lax.fori_loop(0, _CB * 4, _zrow, 0)
    for r in range(nfull):
      pltpu.sync_copy(rows, acc.at[pl.ds(base + r * _CB, _CB)])
    pltpu.sync_copy(y_hbm.at[c, pl.ds(base, _RPT)], table.at[pl.ds(base, _RPT)])

    if with_deg:
      def _fill1(k, carry):
        ones_v[pl.ds(k * 16, 16)] = jnp.ones((16,), jnp.float32)
        return carry
      lax.fori_loop(0, _CB // 16, _fill1, 0)
      def _fillz(k, carry):
        dstage[pl.ds(k * 16, 16)] = jnp.zeros((16,), jnp.float32)
        return carry
      lax.fori_loop(0, _RPT // 16, _fillz, 0)
      pltpu.sync_copy(dstage, dacc.at[pl.ds(base, _RPT)])

    plsc.subcore_barrier()

    def _gather(j, buf, gsem):
      return pltpu.async_copy(table.at[idx_s.at[j]], buf, gsem)

    def _scatter(j, buf, ssem):
      return pltpu.async_copy(buf, acc.at[idx_d.at[j]], ssem, add=True)

    def _deg_scatter(j):
      return pltpu.async_copy(ones_v, dacc.at[idx_d.at[j]], sem_d, add=True)

    def _group(g, carry):
      pltpu.sync_copy(src_hbm.at[s, pl.ds(g * _GB, _GB)], idx_s)
      pltpu.sync_copy(dst_hbm.at[s, pl.ds(g * _GB, _GB)], idx_d)
      _gather(0, rows, sem)
      _gather(1, rows2, sem2)
      def _pair(p, carry2):
        j0 = 2 * p
        pltpu.make_async_copy(table.at[idx_s.at[j0]], rows, sem).wait()
        sct_a = _scatter(j0, rows, sems_a)
        if with_deg:
          _deg_scatter(j0)
        pltpu.make_async_copy(table.at[idx_s.at[j0 + 1]], rows2, sem2).wait()
        sct_b = _scatter(j0 + 1, rows2, sems_b)
        if with_deg:
          _deg_scatter(j0 + 1)
        sct_a.wait()
        _gather(j0 + 2, rows, sem)
        sct_b.wait()
        _gather(j0 + 3, rows2, sem2)
        return carry2
      lax.fori_loop(0, _GB // 2 - 1, _pair, carry)
      j0 = _GB - 2
      pltpu.make_async_copy(table.at[idx_s.at[j0]], rows, sem).wait()
      sct_a = _scatter(j0, rows, sems_a)
      pltpu.make_async_copy(table.at[idx_s.at[j0 + 1]], rows2, sem2).wait()
      sct_b = _scatter(j0 + 1, rows2, sems_b)
      if with_deg:
        _deg_scatter(j0)
        _deg_scatter(j0 + 1)
        for _ in range(_GB):
          pltpu.make_async_copy(ones_v, dacc.at[idx_d.at[0]], sem_d).wait()
      sct_a.wait()
      sct_b.wait()
      return carry
    lax.fori_loop(0, _NGS, _group, 0)

    plsc.subcore_barrier()

    pltpu.sync_copy(acc.at[pl.ds(base, _RPT)], s_hbm.at[c, pl.ds(base, _RPT)])
    if with_deg:
      obase = c * _NP + base
      pltpu.sync_copy(dacc.at[pl.ds(base, _RPT)], dstage)
      pltpu.sync_copy(dstage, deg_hbm.at[pl.ds(obase, _RPT)])

  return pl.kernel(
      body,
      out_type=tuple(outs) if with_deg else outs[0],
      mesh=mesh,
      scratch_types=scratch,
      compiler_params=pltpu.CompilerParams(use_tc_tiling_on_sc=False),
  )


_aggsplit_deg = _make_agg_split(True)
_aggsplit = _make_agg_split(False)
_agg64 = _make_agg(64, False)

_BN = 1024
_GRID = _NP // _BN


def _half_spec(h):
  return pl.BlockSpec((1, _BN, 64), lambda i, h=h: (h, i, 0))


def _row_spec(d):
  return pl.BlockSpec((_BN, d), lambda i: (i, 0))


def _row_spec_hi(d):
  return pl.BlockSpec((_BN, d), lambda i: (i + _GRID, 0))


def _full_spec(r, c):
  return pl.BlockSpec((r, c), lambda i: (0, 0))


def _invd1(dg_ref):
  return 1.0 / jnp.maximum(dg_ref[...], 1.0)


def _tc_b_body(s0a, s0b, dg, w0t, b0, w1t, out):
  s0 = jnp.concatenate([s0a[0], s0b[0]], axis=-1)
  agg = s0 * _invd1(dg)
  h0 = jnp.dot(agg, w0t[...], preferred_element_type=jnp.float32) + b0[...]
  h0 = jnp.maximum(h0, 0.0)
  y1 = jnp.dot(h0, w1t[...], preferred_element_type=jnp.float32)
  out[0] = y1[:, :64]
  out[1] = y1[:, 64:]


def _tc_c_body(s1a, s1b, dg, b1, w2at, w2bt, out):
  s1 = jnp.concatenate([s1a[0], s1b[0]], axis=-1)
  t = s1 * _invd1(dg) + b1[...]
  z = jnp.dot(t, w2at[...], preferred_element_type=jnp.float32)
  z = z + jnp.dot(jnp.maximum(t, 0.0), w2bt[...],
                  preferred_element_type=jnp.float32)
  out[...] = z


def _tc_d_body(s2a, s2b, dg, b2p, out):
  out[...] = (s2a[...] + s2b[...]) * _invd1(dg) + b2p[...]


def kernel(x, edge_index, W0, b0, W1, b1, W2, b2):
  pad_s = _KS * _CB - _EPS
  src_s = jnp.pad(edge_index[0].reshape(_NSUB, _EPS), ((0, 0), (0, pad_s)),
                  constant_values=0).reshape(_NSUB, _KS, _CB)
  dst_s = jnp.pad(edge_index[1].reshape(_NSUB, _EPS), ((0, 0), (0, pad_s)),
                  constant_values=_PAD_DST).reshape(_NSUB, _KS, _CB)
  x3 = jnp.pad(jnp.stack([x[:, :64], x[:, 64:]], axis=0),
               ((0, 0), (0, _NP - _N), (0, 0)))

  S0, degp = _aggsplit_deg(x3, src_s, dst_s)
  degc = degp[:_NP].reshape(_NP, 1)

  y3 = pl.pallas_call(
      _tc_b_body,
      grid=(_GRID,),
      in_specs=[_half_spec(0), _half_spec(1), _row_spec(1),
                _full_spec(128, 128), _full_spec(1, 128),
                _full_spec(128, 128)],
      out_specs=pl.BlockSpec((2, _BN, 64), lambda i: (0, i, 0)),
      out_shape=jax.ShapeDtypeStruct((2, _NP, 64), jnp.float32),
  )(S0, S0, degc, W0.T, b0.reshape(1, -1), W1.T)

  S1 = _aggsplit(y3, src_s, dst_s)

  W2p = jnp.pad(W2, ((0, 64 - W2.shape[0]), (0, 0)))
  z = pl.pallas_call(
      _tc_c_body,
      grid=(_GRID,),
      in_specs=[_half_spec(0), _half_spec(1), _row_spec(1),
                _full_spec(1, 128), _full_spec(128, 64),
                _full_spec(128, 64)],
      out_specs=_row_spec(64),
      out_shape=jax.ShapeDtypeStruct((_NP, 64), jnp.float32),
  )(S1, S1, degc, b1.reshape(1, -1), W2p[:, :128].T, W2p[:, 128:].T)

  S2 = _agg64(z, src_s, dst_s)

  b2p = jnp.pad(b2, (0, 64 - b2.shape[0]))
  out = pl.pallas_call(
      _tc_d_body,
      grid=(_GRID,),
      in_specs=[_row_spec(64), _row_spec_hi(64), _row_spec(1),
                _full_spec(1, 64)],
      out_specs=_row_spec(64),
      out_shape=jax.ShapeDtypeStruct((_NP, 64), jnp.float32),
  )(S2, S2, degc, b2p.reshape(1, -1))

  return out[:_N, :41]

# --- scband reference (transcript-rebuilt; emitter-appended) ---
"""Pipeline reference for scband-gcnsampling-18141941859028 (READ-ONLY COPY).

The authoritative reference and input builder live on the scoring server;
editing this copy changes nothing except your own understanding.
"""

import jax, jax.numpy as jnp
import numpy as np

N = 10000
E = 320000
D_IN = 128
D_HID = 128
N_CLASSES = 41


def setup_inputs(seed: int = 0) -> dict:
    key = jax.random.key(seed)
    ks = jax.random.split(key, 10)
    x = jax.random.normal(ks[0], (N, D_IN), dtype=jnp.float32)
    edge_index = jax.random.randint(ks[1], (2, E), 0, N, dtype=jnp.int32)
    s0 = 1.0 / np.sqrt(D_IN)
    s1 = 1.0 / np.sqrt(D_HID)
    s2 = 1.0 / np.sqrt(2 * D_HID)
    W0 = jax.random.uniform(ks[2], (D_HID, D_IN), jnp.float32, -s0, s0)
    b0 = jax.random.uniform(ks[3], (D_HID,), jnp.float32, -s0, s0)
    W1 = jax.random.uniform(ks[4], (D_HID, D_HID), jnp.float32, -s1, s1)
    b1 = jax.random.uniform(ks[5], (D_HID,), jnp.float32, -s1, s1)
    W2 = jax.random.uniform(ks[6], (N_CLASSES, 2 * D_HID), jnp.float32, -s2, s2)
    b2 = jax.random.uniform(ks[7], (N_CLASSES,), jnp.float32, -s2, s2)
    return {"x": x, "edge_index": edge_index, "W0": W0, "b0": b0, "W1": W1, "b1": b1, "W2": W2, "b2": b2}


def reference(x, edge_index, W0, b0, W1, b1, W2, b2):
    src = edge_index[0]
    dst = edge_index[1]
    deg = jax.ops.segment_sum(jnp.ones((E,), dtype=jnp.float32), dst, num_segments=N)
    deg = jnp.maximum(deg, 1.0)[:, None]

    def mean_agg(h):
        m = jnp.take(h, src, axis=0)
        return jax.ops.segment_sum(m, dst, num_segments=N) / deg

    # Block 0: NodeUpdate(in_feats, n_hidden, relu, concat=False)
    h = mean_agg(x)
    h = h @ W0.T + b0
    h = jax.nn.relu(h)
    # Block 1: NodeUpdate(n_hidden, n_hidden, relu, concat=True)  (skip_start)
    h = mean_agg(h)
    h = h @ W1.T + b1
    h = jnp.concatenate([h, jax.nn.relu(h)], axis=1)
    # Block 2: NodeUpdate(2*n_hidden, n_classes, activation=None)
    h = mean_agg(h)
    h = h @ W2.T + b2
    return h

if __name__ == "__main__":
    import jax
    _d = setup_inputs()
    print(jax.jit(kernel)(*tuple(_d.values())))

</pallas_src>

<mosaic_0001>
#map = affine_map<(d0, d1) -> (0, 0, 0)>
module attributes {stable_mosaic.version = 14 : i64} {
  func.func @body(%arg0: i32, %arg1: i32, %arg2: memref<2x10240x64xf32, #tpu.memory_space<hbm>>, %arg3: memref<16x160x128xi32, #tpu.memory_space<hbm>>, %arg4: memref<16x160x128xi32, #tpu.memory_space<hbm>>, %arg5: memref<2x10240x64xf32, #tpu.memory_space<hbm>>, %arg6: memref<80x128xi32, #tpu.memory_space<vmem>>, %arg7: memref<80x128xi32, #tpu.memory_space<vmem>>, %arg8: memref<128x64xf32, #tpu.memory_space<vmem>>, %arg9: memref<128x64xf32, #tpu.memory_space<vmem>>, %arg10: memref<10240x64xf32, #tpu.memory_space<vmem_shared>>, %arg11: memref<10240x64xf32, #tpu.memory_space<vmem_shared>>, %arg12: memref<!tpu.dma_semaphore, #tpu.memory_space<semaphore_mem>>, %arg13: memref<!tpu.dma_semaphore, #tpu.memory_space<semaphore_mem>>, %arg14: memref<!tpu.dma_semaphore, #tpu.memory_space<semaphore_mem>>, %arg15: memref<!tpu.dma_semaphore, #tpu.memory_space<semaphore_mem>>, %arg16: memref<!tpu.dma_semaphore, #tpu.memory_space<semaphore_mem>>) attributes {dimension_semantics = [#tpu.dimension_semantics<core_parallel>, #tpu.dimension_semantics<subcore_parallel>], iteration_bounds = array<i64: 2, 16>, scalar_prefetch = 0 : i64, scratch_operands = 11 : i64, tpu.core_type = #tpu.core_type<sc_vector_subcore>, window_params = [{transform_indices = #map}, {transform_indices = #map}, {transform_indices = #map}, {transform_indices = #map}]} {
    %mul3A = arith.constant 640 : i32
    %mul3A_0 = arith.muli %arg1, %mul3A : i32
    %scan3A = arith.constant 0 : i32
    %scan3A_1 = arith.constant 0 : i32
    %scan3A_2 = arith.constant 512 : i32
    %scan3A_3 = arith.addi %scan3A_1, %scan3A_2 : i32
    %scan3A_4 = arith.constant 1 : i32
    scf.for %scan3A_22 = %scan3A_1 to %scan3A_3 step %scan3A_4  : i32 {
      %broadcast_in_dim3A = arith.constant 0.000000e+00 : f32
      %broadcast_in_dim3A_23 = vector.broadcast %broadcast_in_dim3A : f32 to vector<16xf32>
      %jit3A = arith.constant 4 : i32
      %div3A = arith.divsi %scan3A_22, %jit3A : i32
      %sign3A = arith.constant 0 : i32
      %sign3A_24 = arith.cmpi sgt, %scan3A_22, %sign3A : i32
      %sign3A_25 = arith.extui %sign3A_24 : i1 to i32
      %sign3A_26 = arith.constant 0 : i32
      %sign3A_27 = arith.cmpi slt, %scan3A_22, %sign3A_26 : i32
      %sign3A_28 = arith.extui %sign3A_27 : i1 to i32
      %sign3A_29 = arith.subi %sign3A_25, %sign3A_28 : i32
      %sign3A_30 = arith.constant 0 : i32
      %sign3A_31 = arith.cmpi sgt, %jit3A, %sign3A_30 : i32
      %sign3A_32 = arith.extui %sign3A_31 : i1 to i32
      %sign3A_33 = arith.constant 0 : i32
      %sign3A_34 = arith.cmpi slt, %jit3A, %sign3A_33 : i32
      %sign3A_35 = arith.extui %sign3A_34 : i1 to i32
      %sign3A_36 = arith.subi %sign3A_32, %sign3A_35 : i32
      %ne3A = arith.cmpi ne, %sign3A_29, %sign3A_36 : i32
      %rem3A = arith.remsi %scan3A_22, %jit3A : i32
      %ne3A_37 = arith.constant 0 : i32
      %ne3A_38 = arith.cmpi ne, %rem3A, %ne3A_37 : i32
      %and3A = arith.andi %ne3A, %ne3A_38 : i1
      %sub3A = arith.constant 1 : i32
      %sub3A_39 = arith.subi %div3A, %sub3A : i32
      %select_n3A = arith.select %and3A, %sub3A_39, %div3A : i32
      %jit3A_40 = arith.constant 4 : i32
      %eq3A = arith.constant 0 : i32
      %eq3A_41 = arith.cmpi eq, %jit3A_40, %eq3A : i32
      %jit3A_42 = arith.constant 1 : i32
      %select_n3A_43 = arith.select %eq3A_41, %jit3A_42, %jit3A_40 : i32
      %rem3A_44 = arith.remsi %scan3A_22, %select_n3A_43 : i32
      %ne3A_45 = arith.constant 0 : i32
      %ne3A_46 = arith.cmpi ne, %rem3A_44, %ne3A_45 : i32
      %lt3A = arith.constant 0 : i32
      %lt3A_47 = arith.cmpi slt, %rem3A_44, %lt3A : i32
      %lt3A_48 = arith.constant 0 : i32
      %lt3A_49 = arith.cmpi slt, %select_n3A_43, %lt3A_48 : i32
      %ne3A_50 = arith.xori %lt3A_47, %lt3A_49 : i1
      %and3A_51 = arith.andi %ne3A_50, %ne3A_46 : i1
      %add3A_52 = arith.addi %rem3A_44, %select_n3A_43 : i32
      %select_n3A_53 = arith.select %and3A_51, %add3A_52, %rem3A_44 : i32
      %mul3A_54 = arith.constant 16 : i32
      %mul3A_55 = arith.muli %select_n3A_53, %mul3A_54 : i32
      %swap3A = arith.index_cast %select_n3A : i32 to index
      %swap3A_56 = arith.index_cast %mul3A_55 : i32 to index
      %swap3A_57 = tpu.vector_load %arg8[%swap3A, %swap3A_56] {strides = array<i32>} : memref<128x64xf32, #tpu.memory_space<vmem>>, vector<1x16xf32>,
      %swap3A_58 = vector.shape_cast %swap3A_57 : vector<1x16xf32> to vector<16xf32>
      %swap3A_59 = vector.shape_cast %broadcast_in_dim3A_23 : vector<16xf32> to vector<1x16xf32>
      tpu.vector_store %arg8[%swap3A, %swap3A_56], %swap3A_59 {strides = array<i32>} : memref<128x64xf32, #tpu.memory_space<vmem>>, vector<1x16xf32>,
    }
    %scan3A_5 = arith.constant 512 : i32
    %add3A = arith.constant 0 : i32
    %add3A_6 = arith.addi %mul3A_0, %add3A : i32
    "tpu.region"() ({
      %run_scoped3A = tpu.sem_alloc : memref<!tpu.dma_semaphore, #tpu.memory_space<semaphore_mem>>
      %dma_start3A = arith.constant 0 : i32
      %dma_start3A_22 = tpu.memref_slice %arg11[%add3A_6, %dma_start3A] : memref<10240x64xf32, #tpu.memory_space<vmem_shared>> -> memref<128x64xf32, #tpu.memory_space<vmem_shared>>
      %dma_start3A_23 = arith.constant 0 : i32
      %dma_start3A_24 = tpu.memref_slice %arg11[%add3A_6, %dma_start3A_23] : memref<10240x64xf32, #tpu.memory_space<vmem_shared>> -> memref<128x64xf32, #tpu.memory_space<vmem_shared>>
      tpu.enqueue_dma source(%arg8 : memref<128x64xf32, #tpu.memory_space<vmem>>) target(%dma_start3A_24 : memref<128x64xf32, #tpu.memory_space<vmem_shared>>) target_semaphore(%run_scoped3A : memref<!tpu.dma_semaphore, #tpu.memory_space<semaphore_mem>>)
      %dma_wait3A = arith.constant 0 : i32
      %dma_wait3A_25 = tpu.memref_slice %arg11[%add3A_6, %dma_wait3A] : memref<10240x64xf32, #tpu.memory_space<vmem_shared>> -> memref<128x64xf32, #tpu.memory_space<vmem_shared>>
      %dma_wait3A_26 = arith.constant 0 : i32
      %dma_wait3A_27 = tpu.memref_slice %arg11[%add3A_6, %dma_wait3A_26] : memref<10240x64xf32, #tpu.memory_space<vmem_shared>> -> memref<128x64xf32, #tpu.memory_space<vmem_shared>>
      tpu.wait_dma2 semaphore(%run_scoped3A : memref<!tpu.dma_semaphore, #tpu.memory_space<semaphore_mem>>) src(%arg8 : memref<128x64xf32, #tpu.memory_space<vmem>>) dst(%dma_wait3A_27 : memref<128x64xf32, #tpu.memory_space<vmem_shared>>)
      tpu.yield
    }) : () -> ()
    %add3A_7 = arith.constant 128 : i32
    %add3A_8 = arith.addi %mul3A_0, %add3A_7 : i32
    "tpu.region"() ({
      %run_scoped3A = tpu.sem_alloc : memref<!tpu.dma_semaphore, #tpu.memory_space<semaphore_mem>>
      %dma_start3A = arith.constant 0 : i32
      %dma_start3A_22 = tpu.memref_slice %arg11[%add3A_8, %dma_start3A] : memref<10240x64xf32, #tpu.memory_space<vmem_shared>> -> memref<128x64xf32, #tpu.memory_space<vmem_shared>>
      %dma_start3A_23 = arith.constant 0 : i32
      %dma_start3A_24 = tpu.memref_slice %arg11[%add3A_8, %dma_start3A_23] : memref<10240x64xf32, #tpu.memory_space<vmem_shared>> -> memref<128x64xf32, #tpu.memory_space<vmem_shared>>
      tpu.enqueue_dma source(%arg8 : memref<128x64xf32, #tpu.memory_space<vmem>>) target(%dma_start3A_24 : memref<128x64xf32, #tpu.memory_space<vmem_shared>>) target_semaphore(%run_scoped3A : memref<!tpu.dma_semaphore, #tpu.memory_space<semaphore_mem>>)
      %dma_wait3A = arith.constant 0 : i32
      %dma_wait3A_25 = tpu.memref_slice %arg11[%add3A_8, %dma_wait3A] : memref<10240x64xf32, #tpu.memory_space<vmem_shared>> -> memref<128x64xf32, #tpu.memory_space<vmem_shared>>
      %dma_wait3A_26 = arith.constant 0 : i32
      %dma_wait3A_27 = tpu.memref_slice %arg11[%add3A_8, %dma_wait3A_26] : memref<10240x64xf32, #tpu.memory_space<vmem_shared>> -> memref<128x64xf32, #tpu.memory_space<vmem_shared>>
      tpu.wait_dma2 semaphore(%run_scoped3A : memref<!tpu.dma_semaphore, #tpu.memory_space<semaphore_mem>>) src(%arg8 : memref<128x64xf32, #tpu.memory_space<vmem>>) dst(%dma_wait3A_27 : memref<128x64xf32, #tpu.memory_space<vmem_shared>>)
      tpu.yield
    }) : () -> ()
    %add3A_9 = arith.constant 256 : i32
    %add3A_10 = arith.addi %mul3A_0, %add3A_9 : i32
    "tpu.region"() ({
      %run_scoped3A = tpu.sem_alloc : memref<!tpu.dma_semaphore, #tpu.memory_space<semaphore_mem>>
      %dma_start3A = arith.constant 0 : i32
      %dma_start3A_22 = tpu.memref_slice %arg11[%add3A_10, %dma_start3A] : memref<10240x64xf32, #tpu.memory_space<vmem_shared>> -> memref<128x64xf32, #tpu.memory_space<vmem_shared>>
      %dma_start3A_23 = arith.constant 0 : i32
      %dma_start3A_24 = tpu.memref_slice %arg11[%add3A_10, %dma_start3A_23] : memref<10240x64xf32, #tpu.memory_space<vmem_shared>> -> memref<128x64xf32, #tpu.memory_space<vmem_shared>>
      tpu.enqueue_dma source(%arg8 : memref<128x64xf32, #tpu.memory_space<vmem>>) target(%dma_start3A_24 : memref<128x64xf32, #tpu.memory_space<vmem_shared>>) target_semaphore(%run_scoped3A : memref<!tpu.dma_semaphore, #tpu.memory_space<semaphore_mem>>)
      %dma_wait3A = arith.constant 0 : i32
      %dma_wait3A_25 = tpu.memref_slice %arg11[%add3A_10, %dma_wait3A] : memref<10240x64xf32, #tpu.memory_space<vmem_shared>> -> memref<128x64xf32, #tpu.memory_space<vmem_shared>>
      %dma_wait3A_26 = arith.constant 0 : i32
      %dma_wait3A_27 = tpu.memref_slice %arg11[%add3A_10, %dma_wait3A_26] : memref<10240x64xf32, #tpu.memory_space<vmem_shared>> -> memref<128x64xf32, #tpu.memory_space<vmem_shared>>
      tpu.wait_dma2 semaphore(%run_scoped3A : memref<!tpu.dma_semaphore, #tpu.memory_space<semaphore_mem>>) src(%arg8 : memref<128x64xf32, #tpu.memory_space<vmem>>) dst(%dma_wait3A_27 : memref<128x64xf32, #tpu.memory_space<vmem_shared>>)
      tpu.yield
    }) : () -> ()
    %add3A_11 = arith.constant 384 : i32
    %add3A_12 = arith.addi %mul3A_0, %add3A_11 : i32
    "tpu.region"() ({
      %run_scoped3A = tpu.sem_alloc : memref<!tpu.dma_semaphore, #tpu.memory_space<semaphore_mem>>
      %dma_start3A = arith.constant 0 : i32
      %dma_start3A_22 = tpu.memref_slice %arg11[%add3A_12, %dma_start3A] : memref<10240x64xf32, #tpu.memory_space<vmem_shared>> -> memref<128x64xf32, #tpu.memory_space<vmem_shared>>
      %dma_start3A_23 = arith.constant 0 : i32
      %dma_start3A_24 = tpu.memref_slice %arg11[%add3A_12, %dma_start3A_23] : memref<10240x64xf32, #tpu.memory_space<vmem_shared>> -> memref<128x64xf32, #tpu.memory_space<vmem_shared>>
      tpu.enqueue_dma source(%arg8 : memref<128x64xf32, #tpu.memory_space<vmem>>) target(%dma_start3A_24 : memref<128x64xf32, #tpu.memory_space<vmem_shared>>) target_semaphore(%run_scoped3A : memref<!tpu.dma_semaphore, #tpu.memory_space<semaphore_mem>>)
      %dma_wait3A = arith.constant 0 : i32
      %dma_wait3A_25 = tpu.memref_slice %arg11[%add3A_12, %dma_wait3A] : memref<10240x64xf32, #tpu.memory_space<vmem_shared>> -> memref<128x64xf32, #tpu.memory_space<vmem_shared>>
      %dma_wait3A_26 = arith.constant 0 : i32
      %dma_wait3A_27 = tpu.memref_slice %arg11[%add3A_12, %dma_wait3A_26] : memref<10240x64xf32, #tpu.memory_space<vmem_shared>> -> memref<128x64xf32, #tpu.memory_space<vmem_shared>>
      tpu.wait_dma2 semaphore(%run_scoped3A : memref<!tpu.dma_semaphore, #tpu.memory_space<semaphore_mem>>) src(%arg8 : memref<128x64xf32, #tpu.memory_space<vmem>>) dst(%dma_wait3A_27 : memref<128x64xf32, #tpu.memory_space<vmem_shared>>)
      tpu.yield
    }) : () -> ()
    %add3A_13 = arith.constant 512 : i32
    %add3A_14 = arith.addi %mul3A_0, %add3A_13 : i32
    "tpu.region"() ({
      %run_scoped3A = tpu.sem_alloc : memref<!tpu.dma_semaphore, #tpu.memory_space<semaphore_mem>>
      %dma_start3A = arith.constant 0 : i32
      %dma_start3A_22 = tpu.memref_slice %arg11[%add3A_14, %dma_start3A] : memref<10240x64xf32, #tpu.memory_space<vmem_shared>> -> memref<128x64xf32, #tpu.memory_space<vmem_shared>>
      %dma_start3A_23 = arith.constant 0 : i32
      %dma_start3A_24 = tpu.memref_slice %arg11[%add3A_14, %dma_start3A_23] : memref<10240x64xf32, #tpu.memory_space<vmem_shared>> -> memref<128x64xf32, #tpu.memory_space<vmem_shared>>
      tpu.enqueue_dma source(%arg8 : memref<128x64xf32, #tpu.memory_space<vmem>>) target(%dma_start3A_24 : memref<128x64xf32, #tpu.memory_space<vmem_shared>>) target_semaphore(%run_scoped3A : memref<!tpu.dma_semaphore, #tpu.memory_space<semaphore_mem>>)
      %dma_wait3A = arith.constant 0 : i32
      %dma_wait3A_25 = tpu.memref_slice %arg11[%add3A_14, %dma_wait3A] : memref<10240x64xf32, #tpu.memory_space<vmem_shared>> -> memref<128x64xf32, #tpu.memory_space<vmem_shared>>
      %dma_wait3A_26 = arith.constant 0 : i32
      %dma_wait3A_27 = tpu.memref_slice %arg11[%add3A_14, %dma_wait3A_26] : memref<10240x64xf32, #tpu.memory_space<vmem_shared>> -> memref<128x64xf32, #tpu.memory_space<vmem_shared>>
      tpu.wait_dma2 semaphore(%run_scoped3A : memref<!tpu.dma_semaphore, #tpu.memory_space<semaphore_mem>>) src(%arg8 : memref<128x64xf32, #tpu.memory_space<vmem>>) dst(%dma_wait3A_27 : memref<128x64xf32, #tpu.memory_space<vmem_shared>>)
      tpu.yield
    }) : () -> ()
    "tpu.region"() ({
      %run_scoped3A = tpu.sem_alloc : memref<!tpu.dma_semaphore, #tpu.memory_space<semaphore_mem>>
      %dma_start3A = arith.constant 0 : i32
      %dma_start3A_22 = tpu.memref_slice %arg10[%mul3A_0, %dma_start3A] : memref<10240x64xf32, #tpu.memory_space<vmem_shared>> -> memref<640x64xf32, #tpu.memory_space<vmem_shared>>
      %dma_start3A_23 = arith.constant 0 : i32
      %dma_start3A_24 = tpu.memref_slice %arg2[%arg0, %mul3A_0, %dma_start3A_23] : memref<2x10240x64xf32, #tpu.memory_space<hbm>> -> memref<1x640x64xf32, #tpu.memory_space<hbm>>
      %dma_start3A_25 = tpu.memref_squeeze %dma_start3A_24 : memref<1x640x64xf32, #tpu.memory_space<hbm>> -> memref<640x64xf32, #tpu.memory_space<hbm>>
      tpu.enqueue_dma source(%dma_start3A_25 : memref<640x64xf32, #tpu.memory_space<hbm>>) target(%dma_start3A_22 : memref<640x64xf32, #tpu.memory_space<vmem_shared>>) target_semaphore(%run_scoped3A : memref<!tpu.dma_semaphore, #tpu.memory_space<semaphore_mem>>)
      %dma_wait3A = arith.constant 0 : i32
      %dma_wait3A_26 = tpu.memref_slice %arg10[%mul3A_0, %dma_wait3A] : memref<10240x64xf32, #tpu.memory_space<vmem_shared>> -> memref<640x64xf32, #tpu.memory_space<vmem_shared>>
      %dma_wait3A_27 = arith.constant 0 : i32
      %dma_wait3A_28 = tpu.memref_slice %arg2[%arg0, %mul3A_0, %dma_wait3A_27] : memref<2x10240x64xf32, #tpu.memory_space<hbm>> -> memref<1x640x64xf32, #tpu.memory_space<hbm>>
      %dma_wait3A_29 = tpu.memref_squeeze %dma_wait3A_28 : memref<1x640x64xf32, #tpu.memory_space<hbm>> -> memref<640x64xf32, #tpu.memory_space<hbm>>
      tpu.wait_dma2 semaphore(%run_scoped3A : memref<!tpu.dma_semaphore, #tpu.memory_space<semaphore_mem>>) src(%dma_wait3A_29 : memref<640x64xf32, #tpu.memory_space<hbm>>) dst(%dma_wait3A_26 : memref<640x64xf32, #tpu.memory_space<vmem_shared>>)
      tpu.yield
    }) : () -> ()
    %barrier3A = arith.constant 0 : index
    tpu.barrier barrier_id(%barrier3A)
    %scan3A_15 = arith.constant 0 : i32
    %scan3A_16 = arith.constant 0 : i32
    %scan3A_17 = arith.constant 2 : i32
    %scan3A_18 = arith.addi %scan3A_16, %scan3A_17 : i32
    %scan3A_19 = arith.constant 1 : i32
    scf.for %scan3A_22 = %scan3A_16 to %scan3A_18 step %scan3A_19  : i32 {
      %mul3A_23 = arith.constant 80 : i32
      %mul3A_24 = arith.muli %scan3A_22, %mul3A_23 : i32
      "tpu.region"() ({
        %run_scoped3A = tpu.sem_alloc : memref<!tpu.dma_semaphore, #tpu.memory_space<semaphore_mem>>
        %dma_start3A_86 = arith.constant 0 : i32
        %dma_start3A_87 = tpu.memref_slice %arg3[%arg1, %mul3A_24, %dma_start3A_86] : memref<16x160x128xi32, #tpu.memory_space<hbm>> -> memref<1x80x128xi32, #tpu.memory_space<hbm>>
        %dma_start3A_88 = tpu.memref_squeeze %dma_start3A_87 : memref<1x80x128xi32, #tpu.memory_space<hbm>> -> memref<80x128xi32, #tpu.memory_space<hbm>>
        %dma_start3A_89 = arith.constant 0 : i32
        %dma_start3A_90 = tpu.memref_slice %arg3[%arg1, %mul3A_24, %dma_start3A_89] : memref<16x160x128xi32, #tpu.memory_space<hbm>> -> memref<1x80x128xi32, #tpu.memory_space<hbm>>
        %dma_start3A_91 = tpu.memref_squeeze %dma_start3A_90 : memref<1x80x128xi32, #tpu.memory_space<hbm>> -> memref<80x128xi32, #tpu.memory_space<hbm>>
        tpu.enqueue_dma source(%dma_start3A_91 : memref<80x128xi32, #tpu.memory_space<hbm>>) target(%arg6 : memref<80x128xi32, #tpu.memory_space<vmem>>) target_semaphore(%run_scoped3A : memref<!tpu.dma_semaphore, #tpu.memory_space<semaphore_mem>>)
        %dma_wait3A_92 = arith.constant 0 : i32
        %dma_wait3A_93 = tpu.memref_slice %arg3[%arg1, %mul3A_24, %dma_wait3A_92] : memref<16x160x128xi32, #tpu.memory_space<hbm>> -> memref<1x80x128xi32, #tpu.memory_space<hbm>>
        %dma_wait3A_94 = tpu.memref_squeeze %dma_wait3A_93 : memref<1x80x128xi32, #tpu.memory_space<hbm>> -> memref<80x128xi32, #tpu.memory_space<hbm>>
        %dma_wait3A_95 = arith.constant 0 : i32
        %dma_wait3A_96 = tpu.memref_slice %arg3[%arg1, %mul3A_24, %dma_wait3A_95] : memref<16x160x128xi32, #tpu.memory_space<hbm>> -> memref<1x80x128xi32, #tpu.memory_space<hbm>>
        %dma_wait3A_97 = tpu.memref_squeeze %dma_wait3A_96 : memref<1x80x128xi32, #tpu.memory_space<hbm>> -> memref<80x128xi32, #tpu.memory_space<hbm>>
        tpu.wait_dma2 semaphore(%run_scoped3A : memref<!tpu.dma_semaphore, #tpu.memory_space<semaphore_mem>>) src(%dma_wait3A_97 : memref<80x128xi32, #tpu.memory_space<hbm>>) dst(%arg6 : memref<80x128xi32, #tpu.memory_space<vmem>>)
        tpu.yield
      }) : () -> ()
      %mul3A_25 = arith.constant 80 : i32
      %mul3A_26 = arith.muli %scan3A_22, %mul3A_25 : i32
      "tpu.region"() ({
        %run_scoped3A = tpu.sem_alloc : memref<!tpu.dma_semaphore, #tpu.memory_space<semaphore_mem>>
        %dma_start3A_86 = arith.constant 0 : i32
        %dma_start3A_87 = tpu.memref_slice %arg4[%arg1, %mul3A_26, %dma_start3A_86] : memref<16x160x128xi32, #tpu.memory_space<hbm>> -> memref<1x80x128xi32, #tpu.memory_space<hbm>>
        %dma_start3A_88 = tpu.memref_squeeze %dma_start3A_87 : memref<1x80x128xi32, #tpu.memory_space<hbm>> -> memref<80x128xi32, #tpu.memory_space<hbm>>
        %dma_start3A_89 = arith.constant 0 : i32
        %dma_start3A_90 = tpu.memref_slice %arg4[%arg1, %mul3A_26, %dma_start3A_89] : memref<16x160x128xi32, #tpu.memory_space<hbm>> -> memref<1x80x128xi32, #tpu.memory_space<hbm>>
        %dma_start3A_91 = tpu.memref_squeeze %dma_start3A_90 : memref<1x80x128xi32, #tpu.memory_space<hbm>> -> memref<80x128xi32, #tpu.memory_space<hbm>>
        tpu.enqueue_dma source(%dma_start3A_91 : memref<80x128xi32, #tpu.memory_space<hbm>>) target(%arg7 : memref<80x128xi32, #tpu.memory_space<vmem>>) target_semaphore(%run_scoped3A : memref<!tpu.dma_semaphore, #tpu.memory_space<semaphore_mem>>)
        %dma_wait3A_92 = arith.constant 0 : i32
        %dma_wait3A_93 = tpu.memref_slice %arg4[%arg1, %mul3A_26, %dma_wait3A_92] : memref<16x160x128xi32, #tpu.memory_space<hbm>> -> memref<1x80x128xi32, #tpu.memory_space<hbm>>
        %dma_wait3A_94 = tpu.memref_squeeze %dma_wait3A_93 : memref<1x80x128xi32, #tpu.memory_space<hbm>> -> memref<80x128xi32, #tpu.memory_space<hbm>>
        %dma_wait3A_95 = arith.constant 0 : i32
        %dma_wait3A_96 = tpu.memref_slice %arg4[%arg1, %mul3A_26, %dma_wait3A_95] : memref<16x160x128xi32, #tpu.memory_space<hbm>> -> memref<1x80x128xi32, #tpu.memory_space<hbm>>
        %dma_wait3A_97 = tpu.memref_squeeze %dma_wait3A_96 : memref<1x80x128xi32, #tpu.memory_space<hbm>> -> memref<80x128xi32, #tpu.memory_space<hbm>>
        tpu.wait_dma2 semaphore(%run_scoped3A : memref<!tpu.dma_semaphore, #tpu.memory_space<semaphore_mem>>) src(%dma_wait3A_97 : memref<80x128xi32, #tpu.memory_space<hbm>>) dst(%arg7 : memref<80x128xi32, #tpu.memory_space<vmem>>)
        tpu.yield
      }) : () -> ()
      %dma_start3A = arith.constant 0 : i32
      %dma_start3A_27 = arith.constant 0 : i32
      %dma_start3A_28 = tpu.memref_slice %arg6[%dma_start3A, %dma_start3A_27] : memref<80x128xi32, #tpu.memory_space<vmem>> -> memref<1x128xi32, #tpu.memory_space<vmem>>
      %dma_start3A_29 = tpu.memref_squeeze %dma_start3A_28 : memref<1x128xi32, #tpu.memory_space<vmem>> -> memref<128xi32, #tpu.memory_space<vmem>>
      %dma_start3A_30 = arith.constant 0 : i32
      %dma_start3A_31 = arith.constant 0 : i32
      %dma_start3A_32 = tpu.memref_slice %arg10[%dma_start3A_30, %dma_start3A_31] : memref<10240x64xf32, #tpu.memory_space<vmem_shared>> -> memref<10240x64xf32, #tpu.memory_space<vmem_shared>>
      tpu.enqueue_indirect_dma source(%dma_start3A_32 : memref<10240x64xf32, #tpu.memory_space<vmem_shared>>) target(%arg8 : memref<128x64xf32, #tpu.memory_space<vmem>>) offsets(%dma_start3A_29 : memref<128xi32, #tpu.memory_space<vmem>>) semaphore(%arg12 : memref<!tpu.dma_semaphore, #tpu.memory_space<semaphore_mem>>)
      %dma_start3A_33 = arith.constant 1 : i32
      %dma_start3A_34 = arith.constant 0 : i32
      %dma_start3A_35 = tpu.memref_slice %arg6[%dma_start3A_33, %dma_start3A_34] : memref<80x128xi32, #tpu.memory_space<vmem>> -> memref<1x128xi32, #tpu.memory_space<vmem>>
      %dma_start3A_36 = tpu.memref_squeeze %dma_start3A_35 : memref<1x128xi32, #tpu.memory_space<vmem>> -> memref<128xi32, #tpu.memory_space<vmem>>
      %dma_start3A_37 = arith.constant 0 : i32
      %dma_start3A_38 = arith.constant 0 : i32
      %dma_start3A_39 = tpu.memref_slice %arg10[%dma_start3A_37, %dma_start3A_38] : memref<10240x64xf32, #tpu.memory_space<vmem_shared>> -> memref<10240x64xf32, #tpu.memory_space<vmem_shared>>
      tpu.enqueue_indirect_dma source(%dma_start3A_39 : memref<10240x64xf32, #tpu.memory_space<vmem_shared>>) target(%arg9 : memref<128x64xf32, #tpu.memory_space<vmem>>) offsets(%dma_start3A_36 : memref<128xi32, #tpu.memory_space<vmem>>) semaphore(%arg13 : memref<!tpu.dma_semaphore, #tpu.memory_space<semaphore_mem>>)
      %scan3A_40 = arith.constant 0 : i32
      %scan3A_41 = arith.constant 39 : i32
      %scan3A_42 = arith.addi %scan3A_40, %scan3A_41 : i32
      %scan3A_43 = arith.constant 1 : i32
      scf.for %scan3A_86 = %scan3A_40 to %scan3A_42 step %scan3A_43  : i32 {
        %mul3A_87 = arith.constant 2 : i32
        %mul3A_88 = arith.muli %mul3A_87, %scan3A_86 : i32
        %dma_wait3A_89 = arith.constant 0 : i32
        %dma_wait3A_90 = tpu.memref_slice %arg6[%mul3A_88, %dma_wait3A_89] : memref<80x128xi32, #tpu.memory_space<vmem>> -> memref<1x128xi32, #tpu.memory_space<vmem>>
        %dma_wait3A_91 = tpu.memref_squeeze %dma_wait3A_90 : memref<1x128xi32, #tpu.memory_space<vmem>> -> memref<128xi32, #tpu.memory_space<vmem>>
        %dma_wait3A_92 = arith.constant 0 : i32
        %dma_wait3A_93 = arith.constant 0 : i32
        %dma_wait3A_94 = tpu.memref_slice %arg10[%dma_wait3A_92, %dma_wait3A_93] : memref<10240x64xf32, #tpu.memory_space<vmem_shared>> -> memref<10240x64xf32, #tpu.memory_space<vmem_shared>>
        tpu.wait_indirect_dma semaphore(%arg12 : memref<!tpu.dma_semaphore, #tpu.memory_space<semaphore_mem>>) src(%dma_wait3A_94 : memref<10240x64xf32, #tpu.memory_space<vmem_shared>>) dst(%arg8 : memref<128x64xf32, #tpu.memory_space<vmem>>)
        %dma_start3A_95 = arith.constant 0 : i32
        %dma_start3A_96 = tpu.memref_slice %arg7[%mul3A_88, %dma_start3A_95] : memref<80x128xi32, #tpu.memory_space<vmem>> -> memref<1x128xi32, #tpu.memory_space<vmem>>
        %dma_start3A_97 = tpu.memref_squeeze %dma_start3A_96 : memref<1x128xi32, #tpu.memory_space<vmem>> -> memref<128xi32, #tpu.memory_space<vmem>>
        %dma_start3A_98 = arith.constant 0 : i32
        %dma_start3A_99 = arith.constant 0 : i32
        %dma_start3A_100 = tpu.memref_slice %arg11[%dma_start3A_98, %dma_start3A_99] : memref<10240x64xf32, #tpu.memory_space<vmem_shared>> -> memref<10240x64xf32, #tpu.memory_space<vmem_shared>>
        tpu.enqueue_indirect_dma source(%arg8 : memref<128x64xf32, #tpu.memory_space<vmem>>) target(%dma_start3A_100 : memref<10240x64xf32, #tpu.memory_space<vmem_shared>>) offsets(%dma_start3A_97 : memref<128xi32, #tpu.memory_space<vmem>>) semaphore(%arg14 : memref<!tpu.dma_semaphore, #tpu.memory_space<semaphore_mem>>) {add = true}
        %add3A_101 = arith.constant 1 : i32
        %add3A_102 = arith.addi %mul3A_88, %add3A_101 : i32
        %dma_wait3A_103 = arith.constant 0 : i32
        %dma_wait3A_104 = tpu.memref_slice %arg6[%add3A_102, %dma_wait3A_103] : memref<80x128xi32, #tpu.memory_space<vmem>> -> memref<1x128xi32, #tpu.memory_space<vmem>>
        %dma_wait3A_105 = tpu.memref_squeeze %dma_wait3A_104 : memref<1x128xi32, #tpu.memory_space<vmem>> -> memref<128xi32, #tpu.memory_space<vmem>>
        %dma_wait3A_106 = arith.constant 0 : i32
        %dma_wait3A_107 = arith.constant 0 : i32
        %dma_wait3A_108 = tpu.memref_slice %arg10[%dma_wait3A_106, %dma_wait3A_107] : memref<10240x64xf32, #tpu.memory_space<vmem_shared>> -> memref<10240x64xf32, #tpu.memory_space<vmem_shared>>
        tpu.wait_indirect_dma semaphore(%arg13 : memref<!tpu.dma_semaphore, #tpu.memory_space<semaphore_mem>>) src(%dma_wait3A_108 : memref<10240x64xf32, #tpu.memory_space<vmem_shared>>) dst(%arg9 : memref<128x64xf32, #tpu.memory_space<vmem>>)
        %add3A_109 = arith.constant 1 : i32
        %add3A_110 = arith.addi %mul3A_88, %add3A_109 : i32
        %dma_start3A_111 = arith.constant 0 : i32
        %dma_start3A_112 = tpu.memref_slice %arg7[%add3A_110, %dma_start3A_111] : memref<80x128xi32, #tpu.memory_space<vmem>> -> memref<1x128xi32, #tpu.memory_space<vmem>>
        %dma_start3A_113 = tpu.memref_squeeze %dma_start3A_112 : memref<1x128xi32, #tpu.memory_space<vmem>> -> memref<128xi32, #tpu.memory_space<vmem>>
        %dma_start3A_114 = arith.constant 0 : i32
        %dma_start3A_115 = arith.constant 0 : i32
        %dma_start3A_116 = tpu.memref_slice %arg11[%dma_start3A_114, %dma_start3A_115] : memref<10240x64xf32, #tpu.memory_space<vmem_shared>> -> memref<10240x64xf32, #tpu.memory_space<vmem_shared>>
        tpu.enqueue_indirect_dma source(%arg9 : memref<128x64xf32, #tpu.memory_space<vmem>>) target(%dma_start3A_116 : memref<10240x64xf32, #tpu.memory_space<vmem_shared>>) offsets(%dma_start3A_113 : memref<128xi32, #tpu.memory_space<vmem>>) semaphore(%arg15 : memref<!tpu.dma_semaphore, #tpu.memory_space<semaphore_mem>>) {add = true}
        %dma_wait3A_117 = arith.constant 0 : i32
        %dma_wait3A_118 = tpu.memref_slice %arg7[%mul3A_88, %dma_wait3A_117] : memref<80x128xi32, #tpu.memory_space<vmem>> -> memref<1x128xi32, #tpu.memory_space<vmem>>
        %dma_wait3A_119 = tpu.memref_squeeze %dma_wait3A_118 : memref<1x128xi32, #tpu.memory_space<vmem>> -> memref<128xi32, #tpu.memory_space<vmem>>
        %dma_wait3A_120 = arith.constant 0 : i32
        %dma_wait3A_121 = arith.constant 0 : i32
        %dma_wait3A_122 = tpu.memref_slice %arg11[%dma_wait3A_120, %dma_wait3A_121] : memref<10240x64xf32, #tpu.memory_space<vmem_shared>> -> memref<10240x64xf32, #tpu.memory_space<vmem_shared>>
        tpu.wait_indirect_dma semaphore(%arg14 : memref<!tpu.dma_semaphore, #tpu.memory_space<semaphore_mem>>) src(%arg8 : memref<128x64xf32, #tpu.memory_space<vmem>>) dst(%dma_wait3A_122 : memref<10240x64xf32, #tpu.memory_space<vmem_shared>>)
        %add3A_123 = arith.constant 2 : i32
        %add3A_124 = arith.addi %mul3A_88, %add3A_123 : i32
        %dma_start3A_125 = arith.constant 0 : i32
        %dma_start3A_126 = tpu.memref_slice %arg6[%add3A_124, %dma_start3A_125] : memref<80x128xi32, #tpu.memory_space<vmem>> -> memref<1x128xi32, #tpu.memory_space<vmem>>
        %dma_start3A_127 = tpu.memref_squeeze %dma_start3A_126 : memref<1x128xi32, #tpu.memory_space<vmem>> -> memref<128xi32, #tpu.memory_space<vmem>>
        %dma_start3A_128 = arith.constant 0 : i32
        %dma_start3A_129 = arith.constant 0 : i32
        %dma_start3A_130 = tpu.memref_slice %arg10[%dma_start3A_128, %dma_start3A_129] : memref<10240x64xf32, #tpu.memory_space<vmem_shared>> -> memref<10240x64xf32, #tpu.memory_space<vmem_shared>>
        tpu.enqueue_indirect_dma source(%dma_start3A_130 : memref<10240x64xf32, #tpu.memory_space<vmem_shared>>) target(%arg8 : memref<128x64xf32, #tpu.memory_space<vmem>>) offsets(%dma_start3A_127 : memref<128xi32, #tpu.memory_space<vmem>>) semaphore(%arg12 : memref<!tpu.dma_semaphore, #tpu.memory_space<semaphore_mem>>)
        %dma_wait3A_131 = arith.constant 0 : i32
        %dma_wait3A_132 = tpu.memref_slice %arg7[%add3A_110, %dma_wait3A_131] : memref<80x128xi32, #tpu.memory_space<vmem>> -> memref<1x128xi32, #tpu.memory_space<vmem>>
        %dma_wait3A_133 = tpu.memref_squeeze %dma_wait3A_132 : memref<1x128xi32, #tpu.memory_space<vmem>> -> memref<128xi32, #tpu.memory_space<vmem>>
        %dma_wait3A_134 = arith.constant 0 : i32
        %dma_wait3A_135 = arith.constant 0 : i32
        %dma_wait3A_136 = tpu.memref_slice %arg11[%dma_wait3A_134, %dma_wait3A_135] : memref<10240x64xf32, #tpu.memory_space<vmem_shared>> -> memref<10240x64xf32, #tpu.memory_space<vmem_shared>>
        tpu.wait_indirect_dma semaphore(%arg15 : memref<!tpu.dma_semaphore, #tpu.memory_space<semaphore_mem>>) src(%arg9 : memref<128x64xf32, #tpu.memory_space<vmem>>) dst(%dma_wait3A_136 : memref<10240x64xf32, #tpu.memory_space<vmem_shared>>)
        %add3A_137 = arith.constant 3 : i32
        %add3A_138 = arith.addi %mul3A_88, %add3A_137 : i32
        %dma_start3A_139 = arith.constant 0 : i32
        %dma_start3A_140 = tpu.memref_slice %arg6[%add3A_138, %dma_start3A_139] : memref<80x128xi32, #tpu.memory_space<vmem>> -> memref<1x128xi32, #tpu.memory_space<vmem>>
        %dma_start3A_141 = tpu.memref_squeeze %dma_start3A_140 : memref<1x128xi32, #tpu.memory_space<vmem>> -> memref<128xi32, #tpu.memory_space<vmem>>
        %dma_start3A_142 = arith.constant 0 : i32
        %dma_start3A_143 = arith.constant 0 : i32
        %dma_start3A_144 = tpu.memref_slice %arg10[%dma_start3A_142, %dma_start3A_143] : memref<10240x64xf32, #tpu.memory_space<vmem_shared>> -> memref<10240x64xf32, #tpu.memory_space<vmem_shared>>
        tpu.enqueue_indirect_dma source(%dma_start3A_144 : memref<10240x64xf32, #tpu.memory_space<vmem_shared>>) target(%arg9 : memref<128x64xf32, #tpu.memory_space<vmem>>) offsets(%dma_start3A_141 : memref<128xi32, #tpu.memory_space<vmem>>) semaphore(%arg13 : memref<!tpu.dma_semaphore, #tpu.memory_space<semaphore_mem>>)
      }
      %scan3A_44 = arith.constant 39 : i32
      %dma_wait3A = arith.constant 78 : i32
      %dma_wait3A_45 = arith.constant 0 : i32
      %dma_wait3A_46 = tpu.memref_slice %arg6[%dma_wait3A, %dma_wait3A_45] : memref<80x128xi32, #tpu.memory_space<vmem>> -> memref<1x128xi32, #tpu.memory_space<vmem>>
      %dma_wait3A_47 = tpu.memref_squeeze %dma_wait3A_46 : memref<1x128xi32, #tpu.memory_space<vmem>> -> memref<128xi32, #tpu.memory_space<vmem>>
      %dma_wait3A_48 = arith.constant 0 : i32
      %dma_wait3A_49 = arith.constant 0 : i32
      %dma_wait3A_50 = tpu.memref_slice %arg10[%dma_wait3A_48, %dma_wait3A_49] : memref<10240x64xf32, #tpu.memory_space<vmem_shared>> -> memref<10240x64xf32, #tpu.memory_space<vmem_shared>>
      tpu.wait_indirect_dma semaphore(%arg12 : memref<!tpu.dma_semaphore, #tpu.memory_space<semaphore_mem>>) src(%dma_wait3A_50 : memref<10240x64xf32, #tpu.memory_space<vmem_shared>>) dst(%arg8 : memref<128x64xf32, #tpu.memory_space<vmem>>)
      %dma_start3A_51 = arith.constant 78 : i32
      %dma_start3A_52 = arith.constant 0 : i32
      %dma_start3A_53 = tpu.memref_slice %arg7[%dma_start3A_51, %dma_start3A_52] : memref<80x128xi32, #tpu.memory_space<vmem>> -> memref<1x128xi32, #tpu.memory_space<vmem>>
      %dma_start3A_54 = tpu.memref_squeeze %dma_start3A_53 : memref<1x128xi32, #tpu.memory_space<vmem>> -> memref<128xi32, #tpu.memory_space<vmem>>
      %dma_start3A_55 = arith.constant 0 : i32
      %dma_start3A_56 = arith.constant 0 : i32
      %dma_start3A_57 = tpu.memref_slice %arg11[%dma_start3A_55, %dma_start3A_56] : memref<10240x64xf32, #tpu.memory_space<vmem_shared>> -> memref<10240x64xf32, #tpu.memory_space<vmem_shared>>
      tpu.enqueue_indirect_dma source(%arg8 : memref<128x64xf32, #tpu.memory_space<vmem>>) target(%dma_start3A_57 : memref<10240x64xf32, #tpu.memory_space<vmem_shared>>) offsets(%dma_start3A_54 : memref<128xi32, #tpu.memory_space<vmem>>) semaphore(%arg14 : memref<!tpu.dma_semaphore, #tpu.memory_space<semaphore_mem>>) {add = true}
      %dma_wait3A_58 = arith.constant 79 : i32
      %dma_wait3A_59 = arith.constant 0 : i32
      %dma_wait3A_60 = tpu.memref_slice %arg6[%dma_wait3A_58, %dma_wait3A_59] : memref<80x128xi32, #tpu.memory_space<vmem>> -> memref<1x128xi32, #tpu.memory_space<vmem>>
      %dma_wait3A_61 = tpu.memref_squeeze %dma_wait3A_60 : memref<1x128xi32, #tpu.memory_space<vmem>> -> memref<128xi32, #tpu.memory_space<vmem>>
      %dma_wait3A_62 = arith.constant 0 : i32
      %dma_wait3A_63 = arith.constant 0 : i32
      %dma_wait3A_64 = tpu.memref_slice %arg10[%dma_wait3A_62, %dma_wait3A_63] : memref<10240x64xf32, #tpu.memory_space<vmem_shared>> -> memref<10240x64xf32, #tpu.memory_space<vmem_shared>>
      tpu.wait_indirect_dma semaphore(%arg13 : memref<!tpu.dma_semaphore, #tpu.memory_space<semaphore_mem>>) src(%dma_wait3A_64 : memref<10240x64xf32, #tpu.memory_space<vmem_shared>>) dst(%arg9 : memref<128x64xf32, #tpu.memory_space<vmem>>)
      %dma_start3A_65 = arith.constant 79 : i32
      %dma_start3A_66 = arith.constant 0 : i32
      %dma_start3A_67 = tpu.memref_slice %arg7[%dma_start3A_65, %dma_start3A_66] : memref<80x128xi32, #tpu.memory_space<vmem>> -> memref<1x128xi32, #tpu.memory_space<vmem>>
      %dma_start3A_68 = tpu.memref_squeeze %dma_start3A_67 : memref<1x128xi32, #tpu.memory_space<vmem>> -> memref<128xi32, #tpu.memory_space<vmem>>
      %dma_start3A_69 = arith.constant 0 : i32
      %dma_start3A_70 = arith.constant 0 : i32
      %dma_start3A_71 = tpu.memref_slice %arg11[%dma_start3A_69, %dma_start3A_70] : memref<10240x64xf32, #tpu.memory_space<vmem_shared>> -> memref<10240x64xf32, #tpu.memory_space<vmem_shared>>
      tpu.enqueue_indirect_dma source(%arg9 : memref<128x64xf32, #tpu.memory_space<vmem>>) target(%dma_start3A_71 : memref<10240x64xf32, #tpu.memory_space<vmem_shared>>) offsets(%dma_start3A_68 : memref<128xi32, #tpu.memory_space<vmem>>) semaphore(%arg15 : memref<!tpu.dma_semaphore, #tpu.memory_space<semaphore_mem>>) {add = true}
      %dma_wait3A_72 = arith.constant 78 : i32
      %dma_wait3A_73 = arith.constant 0 : i32
      %dma_wait3A_74 = tpu.memref_slice %arg7[%dma_wait3A_72, %dma_wait3A_73] : memref<80x128xi32, #tpu.memory_space<vmem>> -> memref<1x128xi32, #tpu.memory_space<vmem>>
      %dma_wait3A_75 = tpu.memref_squeeze %dma_wait3A_74 : memref<1x128xi32, #tpu.memory_space<vmem>> -> memref<128xi32, #tpu.memory_space<vmem>>
      %dma_wait3A_76 = arith.constant 0 : i32
      %dma_wait3A_77 = arith.constant 0 : i32
      %dma_wait3A_78 = tpu.memref_slice %arg11[%dma_wait3A_76, %dma_wait3A_77] : memref<10240x64xf32, #tpu.memory_space<vmem_shared>> -> memref<10240x64xf32, #tpu.memory_space<vmem_shared>>
      tpu.wait_indirect_dma semaphore(%arg14 : memref<!tpu.dma_semaphore, #tpu.memory_space<semaphore_mem>>) src(%arg8 : memref<128x64xf32, #tpu.memory_space<vmem>>) dst(%dma_wait3A_78 : memref<10240x64xf32, #tpu.memory_space<vmem_shared>>)
      %dma_wait3A_79 = arith.constant 79 : i32
      %dma_wait3A_80 = arith.constant 0 : i32
      %dma_wait3A_81 = tpu.memref_slice %arg7[%dma_wait3A_79, %dma_wait3A_80] : memref<80x128xi32, #tpu.memory_space<vmem>> -> memref<1x128xi32, #tpu.memory_space<vmem>>
      %dma_wait3A_82 = tpu.memref_squeeze %dma_wait3A_81 : memref<1x128xi32, #tpu.memory_space<vmem>> -> memref<128xi32, #tpu.memory_space<vmem>>
      %dma_wait3A_83 = arith.constant 0 : i32
      %dma_wait3A_84 = arith.constant 0 : i32
      %dma_wait3A_85 = tpu.memref_slice %arg11[%dma_wait3A_83, %dma_wait3A_84] : memref<10240x64xf32, #tpu.memory_space<vmem_shared>> -> memref<10240x64xf32, #tpu.memory_space<vmem_shared>>
      tpu.wait_indirect_dma semaphore(%arg15 : memref<!tpu.dma_semaphore, #tpu.memory_space<semaphore_mem>>) src(%arg9 : memref<128x64xf32, #tpu.memory_space<vmem>>) dst(%dma_wait3A_85 : memref<10240x64xf32, #tpu.memory_space<vmem_shared>>)
    }
    %scan3A_20 = arith.constant 2 : i32
    %barrier3A_21 = arith.constant 0 : index
    tpu.barrier barrier_id(%barrier3A_21)
    "tpu.region"() ({
      %run_scoped3A = tpu.sem_alloc : memref<!tpu.dma_semaphore, #tpu.memory_space<semaphore_mem>>
      %dma_start3A = arith.constant 0 : i32
      %dma_start3A_22 = tpu.memref_slice %arg5[%arg0, %mul3A_0, %dma_start3A] : memref<2x10240x64xf32, #tpu.memory_space<hbm>> -> memref<1x640x64xf32, #tpu.memory_space<hbm>>
      %dma_start3A_23 = tpu.memref_squeeze %dma_start3A_22 : memref<1x640x64xf32, #tpu.memory_space<hbm>> -> memref<640x64xf32, #tpu.memory_space<hbm>>
      %dma_start3A_24 = arith.constant 0 : i32
      %dma_start3A_25 = tpu.memref_slice %arg11[%mul3A_0, %dma_start3A_24] : memref<10240x64xf32, #tpu.memory_space<vmem_shared>> -> memref<640x64xf32, #tpu.memory_space<vmem_shared>>
      tpu.enqueue_dma source(%dma_start3A_25 : memref<640x64xf32, #tpu.memory_space<vmem_shared>>) target(%dma_start3A_23 : memref<640x64xf32, #tpu.memory_space<hbm>>) target_semaphore(%run_scoped3A : memref<!tpu.dma_semaphore, #tpu.memory_space<semaphore_mem>>)
      %dma_wait3A = arith.constant 0 : i32
      %dma_wait3A_26 = tpu.memref_slice %arg5[%arg0, %mul3A_0, %dma_wait3A] : memref<2x10240x64xf32, #tpu.memory_space<hbm>> -> memref<1x640x64xf32, #tpu.memory_space<hbm>>
      %dma_wait3A_27 = tpu.memref_squeeze %dma_wait3A_26 : memref<1x640x64xf32, #tpu.memory_space<hbm>> -> memref<640x64xf32, #tpu.memory_space<hbm>>
      %dma_wait3A_28 = arith.constant 0 : i32
      %dma_wait3A_29 = tpu.memref_slice %arg11[%mul3A_0, %dma_wait3A_28] : memref<10240x64xf32, #tpu.memory_space<vmem_shared>> -> memref<640x64xf32, #tpu.memory_space<vmem_shared>>
      tpu.wait_dma2 semaphore(%run_scoped3A : memref<!tpu.dma_semaphore, #tpu.memory_space<semaphore_mem>>) src(%dma_wait3A_29 : memref<640x64xf32, #tpu.memory_space<vmem_shared>>) dst(%dma_wait3A_27 : memref<640x64xf32, #tpu.memory_space<hbm>>)
      tpu.yield
    }) : () -> ()
    return
  }
}

#map = affine_map<(d0, d1) -> (0, 0)>
#map1 = affine_map<(d0, d1) -> (0, 0, 0)>
module attributes {stable_mosaic.version = 14 : i64} {
  func.func @body(%arg0: i32, %arg1: i32, %arg2: memref<10240x64xf32, #tpu.memory_space<hbm>>, %arg3: memref<16x160x128xi32, #tpu.memory_space<hbm>>, %arg4: memref<16x160x128xi32, #tpu.memory_space<hbm>>, %arg5: memref<20480x64xf32, #tpu.memory_space<hbm>>, %arg6: memref<80x128xi32, #tpu.memory_space<vmem>>, %arg7: memref<80x128xi32, #tpu.memory_space<vmem>>, %arg8: memref<128x64xf32, #tpu.memory_space<vmem>>, %arg9: memref<128x64xf32, #tpu.memory_space<vmem>>, %arg10: memref<10240x64xf32, #tpu.memory_space<vmem_shared>>, %arg11: memref<10240x64xf32, #tpu.memory_space<vmem_shared>>, %arg12: memref<!tpu.dma_semaphore, #tpu.memory_space<semaphore_mem>>, %arg13: memref<!tpu.dma_semaphore, #tpu.memory_space<semaphore_mem>>, %arg14: memref<!tpu.dma_semaphore, #tpu.memory_space<semaphore_mem>>, %arg15: memref<!tpu.dma_semaphore, #tpu.memory_space<semaphore_mem>>, %arg16: memref<!tpu.dma_semaphore, #tpu.memory_space<semaphore_mem>>) attributes {dimension_semantics = [#tpu.dimension_semantics<core_parallel>, #tpu.dimension_semantics<subcore_parallel>], iteration_bounds = array<i64: 2, 16>, scalar_prefetch = 0 : i64, scratch_operands = 11 : i64, tpu.core_type = #tpu.core_type<sc_vector_subcore>, window_params = [{transform_indices = #map}, {transform_indices = #map1}, {transform_indices = #map1}, {transform_indices = #map}]} {
    %scan3A = arith.constant 0 : i32
    %scan3A_0 = arith.constant 0 : i32
    %scan3A_1 = arith.constant 512 : i32
    %scan3A_2 = arith.addi %scan3A_0, %scan3A_1 : i32
    %scan3A_3 = arith.constant 1 : i32
    scf.for %scan3A_88 = %scan3A_0 to %scan3A_2 step %scan3A_3  : i32 {
      %broadcast_in_dim3A = arith.constant 0.000000e+00 : f32
      %broadcast_in_dim3A_89 = vector.broadcast %broadcast_in_dim3A : f32 to vector<16xf32>
      %jit3A = arith.constant 4 : i32
      %div3A = arith.divsi %scan3A_88, %jit3A : i32
      %sign3A = arith.constant 0 : i32
      %sign3A_90 = arith.cmpi sgt, %scan3A_88, %sign3A : i32
      %sign3A_91 = arith.extui %sign3A_90 : i1 to i32
      %sign3A_92 = arith.constant 0 : i32
      %sign3A_93 = arith.cmpi slt, %scan3A_88, %sign3A_92 : i32
      %sign3A_94 = arith.extui %sign3A_93 : i1 to i32
      %sign3A_95 = arith.subi %sign3A_91, %sign3A_94 : i32
      %sign3A_96 = arith.constant 0 : i32
      %sign3A_97 = arith.cmpi sgt, %jit3A, %sign3A_96 : i32
      %sign3A_98 = arith.extui %sign3A_97 : i1 to i32
      %sign3A_99 = arith.constant 0 : i32
      %sign3A_100 = arith.cmpi slt, %jit3A, %sign3A_99 : i32
      %sign3A_101 = arith.extui %sign3A_100 : i1 to i32
      %sign3A_102 = arith.subi %sign3A_98, %sign3A_101 : i32
      %ne3A = arith.cmpi ne, %sign3A_95, %sign3A_102 : i32
      %rem3A = arith.remsi %scan3A_88, %jit3A : i32
      %ne3A_103 = arith.constant 0 : i32
      %ne3A_104 = arith.cmpi ne, %rem3A, %ne3A_103 : i32
      %and3A = arith.andi %ne3A, %ne3A_104 : i1
      %sub3A = arith.constant 1 : i32
      %sub3A_105 = arith.subi %div3A, %sub3A : i32
      %select_n3A = arith.select %and3A, %sub3A_105, %div3A : i32
      %jit3A_106 = arith.constant 4 : i32
      %eq3A = arith.constant 0 : i32
      %eq3A_107 = arith.cmpi eq, %jit3A_106, %eq3A : i32
      %jit3A_108 = arith.constant 1 : i32
      %select_n3A_109 = arith.select %eq3A_107, %jit3A_108, %jit3A_106 : i32
      %rem3A_110 = arith.remsi %scan3A_88, %select_n3A_109 : i32
      %ne3A_111 = arith.constant 0 : i32
      %ne3A_112 = arith.cmpi ne, %rem3A_110, %ne3A_111 : i32
      %lt3A = arith.constant 0 : i32
      %lt3A_113 = arith.cmpi slt, %rem3A_110, %lt3A : i32
      %lt3A_114 = arith.constant 0 : i32
      %lt3A_115 = arith.cmpi slt, %select_n3A_109, %lt3A_114 : i32
      %ne3A_116 = arith.xori %lt3A_113, %lt3A_115 : i1
      %and3A_117 = arith.andi %ne3A_116, %ne3A_112 : i1
      %add3A_118 = arith.addi %rem3A_110, %select_n3A_109 : i32
      %select_n3A_119 = arith.select %and3A_117, %add3A_118, %rem3A_110 : i32
      %mul3A_120 = arith.constant 16 : i32
      %mul3A_121 = arith.muli %select_n3A_119, %mul3A_120 : i32
      %swap3A = arith.index_cast %select_n3A : i32 to index
      %swap3A_122 = arith.index_cast %mul3A_121 : i32 to index
      %swap3A_123 = tpu.vector_load %arg8[%swap3A, %swap3A_122] {strides = array<i32>} : memref<128x64xf32, #tpu.memory_space<vmem>>, vector<1x16xf32>,
      %swap3A_124 = vector.shape_cast %swap3A_123 : vector<1x16xf32> to vector<16xf32>
      %swap3A_125 = vector.shape_cast %broadcast_in_dim3A_89 : vector<16xf32> to vector<1x16xf32>
      tpu.vector_store %arg8[%swap3A, %swap3A_122], %swap3A_125 {strides = array<i32>} : memref<128x64xf32, #tpu.memory_space<vmem>>, vector<1x16xf32>,
    }
    %scan3A_4 = arith.constant 512 : i32
    %mul3A = arith.constant 640 : i32
    %mul3A_5 = arith.muli %arg1, %mul3A : i32
    %add3A = arith.constant 0 : i32
    %add3A_6 = arith.addi %mul3A_5, %add3A : i32
    "tpu.region"() ({
      %run_scoped3A = tpu.sem_alloc : memref<!tpu.dma_semaphore, #tpu.memory_space<semaphore_mem>>
      %dma_start3A_88 = arith.constant 0 : i32
      %dma_start3A_89 = tpu.memref_slice %arg11[%add3A_6, %dma_start3A_88] : memref<10240x64xf32, #tpu.memory_space<vmem_shared>> -> memref<128x64xf32, #tpu.memory_space<vmem_shared>>
      %dma_start3A_90 = arith.constant 0 : i32
      %dma_start3A_91 = tpu.memref_slice %arg11[%add3A_6, %dma_start3A_90] : memref<10240x64xf32, #tpu.memory_space<vmem_shared>> -> memref<128x64xf32, #tpu.memory_space<vmem_shared>>
      tpu.enqueue_dma source(%arg8 : memref<128x64xf32, #tpu.memory_space<vmem>>) target(%dma_start3A_91 : memref<128x64xf32, #tpu.memory_space<vmem_shared>>) target_semaphore(%run_scoped3A : memref<!tpu.dma_semaphore, #tpu.memory_space<semaphore_mem>>)
      %dma_wait3A_92 = arith.constant 0 : i32
      %dma_wait3A_93 = tpu.memref_slice %arg11[%add3A_6, %dma_wait3A_92] : memref<10240x64xf32, #tpu.memory_space<vmem_shared>> -> memref<128x64xf32, #tpu.memory_space<vmem_shared>>
      %dma_wait3A_94 = arith.constant 0 : i32
      %dma_wait3A_95 = tpu.memref_slice %arg11[%add3A_6, %dma_wait3A_94] : memref<10240x64xf32, #tpu.memory_space<vmem_shared>> -> memref<128x64xf32, #tpu.memory_space<vmem_shared>>
      tpu.wait_dma2 semaphore(%run_scoped3A : memref<!tpu.dma_semaphore, #tpu.memory_space<semaphore_mem>>) src(%arg8 : memref<128x64xf32, #tpu.memory_space<vmem>>) dst(%dma_wait3A_95 : memref<128x64xf32, #tpu.memory_space<vmem_shared>>)
      tpu.yield
    }) : () -> ()
    %add3A_7 = arith.constant 128 : i32
    %add3A_8 = arith.addi %mul3A_5, %add3A_7 : i32
    "tpu.region"() ({
      %run_scoped3A = tpu.sem_alloc : memref<!tpu.dma_semaphore, #tpu.memory_space<semaphore_mem>>
      %dma_start3A_88 = arith.constant 0 : i32
      %dma_start3A_89 = tpu.memref_slice %arg11[%add3A_8, %dma_start3A_88] : memref<10240x64xf32, #tpu.memory_space<vmem_shared>> -> memref<128x64xf32, #tpu.memory_space<vmem_shared>>
      %dma_start3A_90 = arith.constant 0 : i32
      %dma_start3A_91 = tpu.memref_slice %arg11[%add3A_8, %dma_start3A_90] : memref<10240x64xf32, #tpu.memory_space<vmem_shared>> -> memref<128x64xf32, #tpu.memory_space<vmem_shared>>
      tpu.enqueue_dma source(%arg8 : memref<128x64xf32, #tpu.memory_space<vmem>>) target(%dma_start3A_91 : memref<128x64xf32, #tpu.memory_space<vmem_shared>>) target_semaphore(%run_scoped3A : memref<!tpu.dma_semaphore, #tpu.memory_space<semaphore_mem>>)
      %dma_wait3A_92 = arith.constant 0 : i32
      %dma_wait3A_93 = tpu.memref_slice %arg11[%add3A_8, %dma_wait3A_92] : memref<10240x64xf32, #tpu.memory_space<vmem_shared>> -> memref<128x64xf32, #tpu.memory_space<vmem_shared>>
      %dma_wait3A_94 = arith.constant 0 : i32
      %dma_wait3A_95 = tpu.memref_slice %arg11[%add3A_8, %dma_wait3A_94] : memref<10240x64xf32, #tpu.memory_space<vmem_shared>> -> memref<128x64xf32, #tpu.memory_space<vmem_shared>>
      tpu.wait_dma2 semaphore(%run_scoped3A : memref<!tpu.dma_semaphore, #tpu.memory_space<semaphore_mem>>) src(%arg8 : memref<128x64xf32, #tpu.memory_space<vmem>>) dst(%dma_wait3A_95 : memref<128x64xf32, #tpu.memory_space<vmem_shared>>)
      tpu.yield
    }) : () -> ()
    %add3A_9 = arith.constant 256 : i32
    %add3A_10 = arith.addi %mul3A_5, %add3A_9 : i32
    "tpu.region"() ({
      %run_scoped3A = tpu.sem_alloc : memref<!tpu.dma_semaphore, #tpu.memory_space<semaphore_mem>>
      %dma_start3A_88 = arith.constant 0 : i32
      %dma_start3A_89 = tpu.memref_slice %arg11[%add3A_10, %dma_start3A_88] : memref<10240x64xf32, #tpu.memory_space<vmem_shared>> -> memref<128x64xf32, #tpu.memory_space<vmem_shared>>
      %dma_start3A_90 = arith.constant 0 : i32
      %dma_start3A_91 = tpu.memref_slice %arg11[%add3A_10, %dma_start3A_90] : memref<10240x64xf32, #tpu.memory_space<vmem_shared>> -> memref<128x64xf32, #tpu.memory_space<vmem_shared>>
      tpu.enqueue_dma source(%arg8 : memref<128x64xf32, #tpu.memory_space<vmem>>) target(%dma_start3A_91 : memref<128x64xf32, #tpu.memory_space<vmem_shared>>) target_semaphore(%run_scoped3A : memref<!tpu.dma_semaphore, #tpu.memory_space<semaphore_mem>>)
      %dma_wait3A_92 = arith.constant 0 : i32
      %dma_wait3A_93 = tpu.memref_slice %arg11[%add3A_10, %dma_wait3A_92] : memref<10240x64xf32, #tpu.memory_space<vmem_shared>> -> memref<128x64xf32, #tpu.memory_space<vmem_shared>>
      %dma_wait3A_94 = arith.constant 0 : i32
      %dma_wait3A_95 = tpu.memref_slice %arg11[%add3A_10, %dma_wait3A_94] : memref<10240x64xf32, #tpu.memory_space<vmem_shared>> -> memref<128x64xf32, #tpu.memory_space<vmem_shared>>
      tpu.wait_dma2 semaphore(%run_scoped3A : memref<!tpu.dma_semaphore, #tpu.memory_space<semaphore_mem>>) src(%arg8 : memref<128x64xf32, #tpu.memory_space<vmem>>) dst(%dma_wait3A_95 : memref<128x64xf32, #tpu.memory_space<vmem_shared>>)
      tpu.yield
    }) : () -> ()
    %add3A_11 = arith.constant 384 : i32
    %add3A_12 = arith.addi %mul3A_5, %add3A_11 : i32
    "tpu.region"() ({
      %run_scoped3A = tpu.sem_alloc : memref<!tpu.dma_semaphore, #tpu.memory_space<semaphore_mem>>
      %dma_start3A_88 = arith.constant 0 : i32
      %dma_start3A_89 = tpu.memref_slice %arg11[%add3A_12, %dma_start3A_88] : memref<10240x64xf32, #tpu.memory_space<vmem_shared>> -> memref<128x64xf32, #tpu.memory_space<vmem_shared>>
      %dma_start3A_90 = arith.constant 0 : i32
      %dma_start3A_91 = tpu.memref_slice %arg11[%add3A_12, %dma_start3A_90] : memref<10240x64xf32, #tpu.memory_space<vmem_shared>> -> memref<128x64xf32, #tpu.memory_space<vmem_shared>>
      tpu.enqueue_dma source(%arg8 : memref<128x64xf32, #tpu.memory_space<vmem>>) target(%dma_start3A_91 : memref<128x64xf32, #tpu.memory_space<vmem_shared>>) target_semaphore(%run_scoped3A : memref<!tpu.dma_semaphore, #tpu.memory_space<semaphore_mem>>)
      %dma_wait3A_92 = arith.constant 0 : i32
      %dma_wait3A_93 = tpu.memref_slice %arg11[%add3A_12, %dma_wait3A_92] : memref<10240x64xf32, #tpu.memory_space<vmem_shared>> -> memref<128x64xf32, #tpu.memory_space<vmem_shared>>
      %dma_wait3A_94 = arith.constant 0 : i32
      %dma_wait3A_95 = tpu.memref_slice %arg11[%add3A_12, %dma_wait3A_94] : memref<10240x64xf32, #tpu.memory_space<vmem_shared>> -> memref<128x64xf32, #tpu.memory_space<vmem_shared>>
      tpu.wait_dma2 semaphore(%run_scoped3A : memref<!tpu.dma_semaphore, #tpu.memory_space<semaphore_mem>>) src(%arg8 : memref<128x64xf32, #tpu.memory_space<vmem>>) dst(%dma_wait3A_95 : memref<128x64xf32, #tpu.memory_space<vmem_shared>>)
      tpu.yield
    }) : () -> ()
    %add3A_13 = arith.constant 512 : i32
    %add3A_14 = arith.addi %mul3A_5, %add3A_13 : i32
    "tpu.region"() ({
      %run_scoped3A = tpu.sem_alloc : memref<!tpu.dma_semaphore, #tpu.memory_space<semaphore_mem>>
      %dma_start3A_88 = arith.constant 0 : i32
      %dma_start3A_89 = tpu.memref_slice %arg11[%add3A_14, %dma_start3A_88] : memref<10240x64xf32, #tpu.memory_space<vmem_shared>> -> memref<128x64xf32, #tpu.memory_space<vmem_shared>>
      %dma_start3A_90 = arith.constant 0 : i32
      %dma_start3A_91 = tpu.memref_slice %arg11[%add3A_14, %dma_start3A_90] : memref<10240x64xf32, #tpu.memory_space<vmem_shared>> -> memref<128x64xf32, #tpu.memory_space<vmem_shared>>
      tpu.enqueue_dma source(%arg8 : memref<128x64xf32, #tpu.memory_space<vmem>>) target(%dma_start3A_91 : memref<128x64xf32, #tpu.memory_space<vmem_shared>>) target_semaphore(%run_scoped3A : memref<!tpu.dma_semaphore, #tpu.memory_space<semaphore_mem>>)
      %dma_wait3A_92 = arith.constant 0 : i32
      %dma_wait3A_93 = tpu.memref_slice %arg11[%add3A_14, %dma_wait3A_92] : memref<10240x64xf32, #tpu.memory_space<vmem_shared>> -> memref<128x64xf32, #tpu.memory_space<vmem_shared>>
      %dma_wait3A_94 = arith.constant 0 : i32
      %dma_wait3A_95 = tpu.memref_slice %arg11[%add3A_14, %dma_wait3A_94] : memref<10240x64xf32, #tpu.memory_space<vmem_shared>> -> memref<128x64xf32, #tpu.memory_space<vmem_shared>>
      tpu.wait_dma2 semaphore(%run_scoped3A : memref<!tpu.dma_semaphore, #tpu.memory_space<semaphore_mem>>) src(%arg8 : memref<128x64xf32, #tpu.memory_space<vmem>>) dst(%dma_wait3A_95 : memref<128x64xf32, #tpu.memory_space<vmem_shared>>)
      tpu.yield
    }) : () -> ()
    "tpu.region"() ({
      %run_scoped3A = tpu.sem_alloc : memref<!tpu.dma_semaphore, #tpu.memory_space<semaphore_mem>>
      %dma_start3A_88 = arith.constant 0 : i32
      %dma_start3A_89 = tpu.memref_slice %arg10[%mul3A_5, %dma_start3A_88] : memref<10240x64xf32, #tpu.memory_space<vmem_shared>> -> memref<640x64xf32, #tpu.memory_space<vmem_shared>>
      %dma_start3A_90 = arith.constant 0 : i32
      %dma_start3A_91 = tpu.memref_slice %arg2[%mul3A_5, %dma_start3A_90] : memref<10240x64xf32, #tpu.memory_space<hbm>> -> memref<640x64xf32, #tpu.memory_space<hbm>>
      tpu.enqueue_dma source(%dma_start3A_91 : memref<640x64xf32, #tpu.memory_space<hbm>>) target(%dma_start3A_89 : memref<640x64xf32, #tpu.memory_space<vmem_shared>>) target_semaphore(%run_scoped3A : memref<!tpu.dma_semaphore, #tpu.memory_space<semaphore_mem>>)
      %dma_wait3A_92 = arith.constant 0 : i32
      %dma_wait3A_93 = tpu.memref_slice %arg10[%mul3A_5, %dma_wait3A_92] : memref<10240x64xf32, #tpu.memory_space<vmem_shared>> -> memref<640x64xf32, #tpu.memory_space<vmem_shared>>
      %dma_wait3A_94 = arith.constant 0 : i32
      %dma_wait3A_95 = tpu.memref_slice %arg2[%mul3A_5, %dma_wait3A_94] : memref<10240x64xf32, #tpu.memory_space<hbm>> -> memref<640x64xf32, #tpu.memory_space<hbm>>
      tpu.wait_dma2 semaphore(%run_scoped3A : memref<!tpu.dma_semaphore, #tpu.memory_space<semaphore_mem>>) src(%dma_wait3A_95 : memref<640x64xf32, #tpu.memory_space<hbm>>) dst(%dma_wait3A_93 : memref<640x64xf32, #tpu.memory_space<vmem_shared>>)
      tpu.yield
    }) : () -> ()
    %barrier3A = arith.constant 0 : index
    tpu.barrier barrier_id(%barrier3A)
    %scan3A_15 = arith.constant 0 : i32
    %scan3A_16 = arith.constant 0 : i32
    %mul3A_17 = arith.constant 80 : i32
    %mul3A_18 = arith.muli %arg0, %mul3A_17 : i32
    %mul3A_19 = arith.constant 80 : i32
    %mul3A_20 = arith.muli %scan3A_16, %mul3A_19 : i32
    %add3A_21 = arith.addi %mul3A_18, %mul3A_20 : i32
    "tpu.region"() ({
      %run_scoped3A = tpu.sem_alloc : memref<!tpu.dma_semaphore, #tpu.memory_space<semaphore_mem>>
      %dma_start3A_88 = arith.constant 0 : i32
      %dma_start3A_89 = tpu.memref_slice %arg3[%arg1, %add3A_21, %dma_start3A_88] : memref<16x160x128xi32, #tpu.memory_space<hbm>> -> memref<1x80x128xi32, #tpu.memory_space<hbm>>
      %dma_start3A_90 = tpu.memref_squeeze %dma_start3A_89 : memref<1x80x128xi32, #tpu.memory_space<hbm>> -> memref<80x128xi32, #tpu.memory_space<hbm>>
      %dma_start3A_91 = arith.constant 0 : i32
      %dma_start3A_92 = tpu.memref_slice %arg3[%arg1, %add3A_21, %dma_start3A_91] : memref<16x160x128xi32, #tpu.memory_space<hbm>> -> memref<1x80x128xi32, #tpu.memory_space<hbm>>
      %dma_start3A_93 = tpu.memref_squeeze %dma_start3A_92 : memref<1x80x128xi32, #tpu.memory_space<hbm>> -> memref<80x128xi32, #tpu.memory_space<hbm>>
      tpu.enqueue_dma source(%dma_start3A_93 : memref<80x128xi32, #tpu.memory_space<hbm>>) target(%arg6 : memref<80x128xi32, #tpu.memory_space<vmem>>) target_semaphore(%run_scoped3A : memref<!tpu.dma_semaphore, #tpu.memory_space<semaphore_mem>>)
      %dma_wait3A_94 = arith.constant 0 : i32
      %dma_wait3A_95 = tpu.memref_slice %arg3[%arg1, %add3A_21, %dma_wait3A_94] : memref<16x160x128xi32, #tpu.memory_space<hbm>> -> memref<1x80x128xi32, #tpu.memory_space<hbm>>
      %dma_wait3A_96 = tpu.memref_squeeze %dma_wait3A_95 : memref<1x80x128xi32, #tpu.memory_space<hbm>> -> memref<80x128xi32, #tpu.memory_space<hbm>>
      %dma_wait3A_97 = arith.constant 0 : i32
      %dma_wait3A_98 = tpu.memref_slice %arg3[%arg1, %add3A_21, %dma_wait3A_97] : memref<16x160x128xi32, #tpu.memory_space<hbm>> -> memref<1x80x128xi32, #tpu.memory_space<hbm>>
      %dma_wait3A_99 = tpu.memref_squeeze %dma_wait3A_98 : memref<1x80x128xi32, #tpu.memory_space<hbm>> -> memref<80x128xi32, #tpu.memory_space<hbm>>
      tpu.wait_dma2 semaphore(%run_scoped3A : memref<!tpu.dma_semaphore, #tpu.memory_space<semaphore_mem>>) src(%dma_wait3A_99 : memref<80x128xi32, #tpu.memory_space<hbm>>) dst(%arg6 : memref<80x128xi32, #tpu.memory_space<vmem>>)
      tpu.yield
    }) : () -> ()
    "tpu.region"() ({
      %run_scoped3A = tpu.sem_alloc : memref<!tpu.dma_semaphore, #tpu.memory_space<semaphore_mem>>
      %dma_start3A_88 = arith.constant 0 : i32
      %dma_start3A_89 = tpu.memref_slice %arg4[%arg1, %add3A_21, %dma_start3A_88] : memref<16x160x128xi32, #tpu.memory_space<hbm>> -> memref<1x80x128xi32, #tpu.memory_space<hbm>>
      %dma_start3A_90 = tpu.memref_squeeze %dma_start3A_89 : memref<1x80x128xi32, #tpu.memory_space<hbm>> -> memref<80x128xi32, #tpu.memory_space<hbm>>
      %dma_start3A_91 = arith.constant 0 : i32
      %dma_start3A_92 = tpu.memref_slice %arg4[%arg1, %add3A_21, %dma_start3A_91] : memref<16x160x128xi32, #tpu.memory_space<hbm>> -> memref<1x80x128xi32, #tpu.memory_space<hbm>>
      %dma_start3A_93 = tpu.memref_squeeze %dma_start3A_92 : memref<1x80x128xi32, #tpu.memory_space<hbm>> -> memref<80x128xi32, #tpu.memory_space<hbm>>
      tpu.enqueue_dma source(%dma_start3A_93 : memref<80x128xi32, #tpu.memory_space<hbm>>) target(%arg7 : memref<80x128xi32, #tpu.memory_space<vmem>>) target_semaphore(%run_scoped3A : memref<!tpu.dma_semaphore, #tpu.memory_space<semaphore_mem>>)
      %dma_wait3A_94 = arith.constant 0 : i32
      %dma_wait3A_95 = tpu.memref_slice %arg4[%arg1, %add3A_21, %dma_wait3A_94] : memref<16x160x128xi32, #tpu.memory_space<hbm>> -> memref<1x80x128xi32, #tpu.memory_space<hbm>>
      %dma_wait3A_96 = tpu.memref_squeeze %dma_wait3A_95 : memref<1x80x128xi32, #tpu.memory_space<hbm>> -> memref<80x128xi32, #tpu.memory_space<hbm>>
      %dma_wait3A_97 = arith.constant 0 : i32
      %dma_wait3A_98 = tpu.memref_slice %arg4[%arg1, %add3A_21, %dma_wait3A_97] : memref<16x160x128xi32, #tpu.memory_space<hbm>> -> memref<1x80x128xi32, #tpu.memory_space<hbm>>
      %dma_wait3A_99 = tpu.memref_squeeze %dma_wait3A_98 : memref<1x80x128xi32, #tpu.memory_space<hbm>> -> memref<80x128xi32, #tpu.memory_space<hbm>>
      tpu.wait_dma2 semaphore(%run_scoped3A : memref<!tpu.dma_semaphore, #tpu.memory_space<semaphore_mem>>) src(%dma_wait3A_99 : memref<80x128xi32, #tpu.memory_space<hbm>>) dst(%arg7 : memref<80x128xi32, #tpu.memory_space<vmem>>)
      tpu.yield
    }) : () -> ()
    %dma_start3A = arith.constant 0 : i32
    %dma_start3A_22 = arith.constant 0 : i32
    %dma_start3A_23 = tpu.memref_slice %arg6[%dma_start3A, %dma_start3A_22] : memref<80x128xi32, #tpu.memory_space<vmem>> -> memref<1x128xi32, #tpu.memory_space<vmem>>
    %dma_start3A_24 = tpu.memref_squeeze %dma_start3A_23 : memref<1x128xi32, #tpu.memory_space<vmem>> -> memref<128xi32, #tpu.memory_space<vmem>>
    %dma_start3A_25 = arith.constant 0 : i32
    %dma_start3A_26 = arith.constant 0 : i32
    %dma_start3A_27 = tpu.memref_slice %arg10[%dma_start3A_25, %dma_start3A_26] : memref<10240x64xf32, #tpu.memory_space<vmem_shared>> -> memref<10240x64xf32, #tpu.memory_space<vmem_shared>>
    tpu.enqueue_indirect_dma source(%dma_start3A_27 : memref<10240x64xf32, #tpu.memory_space<vmem_shared>>) target(%arg8 : memref<128x64xf32, #tpu.memory_space<vmem>>) offsets(%dma_start3A_24 : memref<128xi32, #tpu.memory_space<vmem>>) semaphore(%arg12 : memref<!tpu.dma_semaphore, #tpu.memory_space<semaphore_mem>>)
    %dma_start3A_28 = arith.constant 1 : i32
    %dma_start3A_29 = arith.constant 0 : i32
    %dma_start3A_30 = tpu.memref_slice %arg6[%dma_start3A_28, %dma_start3A_29] : memref<80x128xi32, #tpu.memory_space<vmem>> -> memref<1x128xi32, #tpu.memory_space<vmem>>
    %dma_start3A_31 = tpu.memref_squeeze %dma_start3A_30 : memref<1x128xi32, #tpu.memory_space<vmem>> -> memref<128xi32, #tpu.memory_space<vmem>>
    %dma_start3A_32 = arith.constant 0 : i32
    %dma_start3A_33 = arith.constant 0 : i32
    %dma_start3A_34 = tpu.memref_slice %arg10[%dma_start3A_32, %dma_start3A_33] : memref<10240x64xf32, #tpu.memory_space<vmem_shared>> -> memref<10240x64xf32, #tpu.memory_space<vmem_shared>>
    tpu.enqueue_indirect_dma source(%dma_start3A_34 : memref<10240x64xf32, #tpu.memory_space<vmem_shared>>) target(%arg9 : memref<128x64xf32, #tpu.memory_space<vmem>>) offsets(%dma_start3A_31 : memref<128xi32, #tpu.memory_space<vmem>>) semaphore(%arg13 : memref<!tpu.dma_semaphore, #tpu.memory_space<semaphore_mem>>)
    %scan3A_35 = arith.constant 0 : i32
    %scan3A_36 = arith.constant 39 : i32
    %scan3A_37 = arith.addi %scan3A_35, %scan3A_36 : i32
    %scan3A_38 = arith.constant 1 : i32
    scf.for %scan3A_88 = %scan3A_35 to %scan3A_37 step %scan3A_38  : i32 {
      %mul3A_89 = arith.constant 2 : i32
      %mul3A_90 = arith.muli %mul3A_89, %scan3A_88 : i32
      %dma_wait3A_91 = arith.constant 0 : i32
      %dma_wait3A_92 = tpu.memref_slice %arg6[%mul3A_90, %dma_wait3A_91] : memref<80x128xi32, #tpu.memory_space<vmem>> -> memref<1x128xi32, #tpu.memory_space<vmem>>
      %dma_wait3A_93 = tpu.memref_squeeze %dma_wait3A_92 : memref<1x128xi32, #tpu.memory_space<vmem>> -> memref<128xi32, #tpu.memory_space<vmem>>
      %dma_wait3A_94 = arith.constant 0 : i32
      %dma_wait3A_95 = arith.constant 0 : i32
      %dma_wait3A_96 = tpu.memref_slice %arg10[%dma_wait3A_94, %dma_wait3A_95] : memref<10240x64xf32, #tpu.memory_space<vmem_shared>> -> memref<10240x64xf32, #tpu.memory_space<vmem_shared>>
      tpu.wait_indirect_dma semaphore(%arg12 : memref<!tpu.dma_semaphore, #tpu.memory_space<semaphore_mem>>) src(%dma_wait3A_96 : memref<10240x64xf32, #tpu.memory_space<vmem_shared>>) dst(%arg8 : memref<128x64xf32, #tpu.memory_space<vmem>>)
      %dma_start3A_97 = arith.constant 0 : i32
      %dma_start3A_98 = tpu.memref_slice %arg7[%mul3A_90, %dma_start3A_97] : memref<80x128xi32, #tpu.memory_space<vmem>> -> memref<1x128xi32, #tpu.memory_space<vmem>>
      %dma_start3A_99 = tpu.memref_squeeze %dma_start3A_98 : memref<1x128xi32, #tpu.memory_space<vmem>> -> memref<128xi32, #tpu.memory_space<vmem>>
      %dma_start3A_100 = arith.constant 0 : i32
      %dma_start3A_101 = arith.constant 0 : i32
      %dma_start3A_102 = tpu.memref_slice %arg11[%dma_start3A_100, %dma_start3A_101] : memref<10240x64xf32, #tpu.memory_space<vmem_shared>> -> memref<10240x64xf32, #tpu.memory_space<vmem_shared>>
      tpu.enqueue_indirect_dma source(%arg8 : memref<128x64xf32, #tpu.memory_space<vmem>>) target(%dma_start3A_102 : memref<10240x64xf32, #tpu.memory_space<vmem_shared>>) offsets(%dma_start3A_99 : memref<128xi32, #tpu.memory_space<vmem>>) semaphore(%arg14 : memref<!tpu.dma_semaphore, #tpu.memory_space<semaphore_mem>>) {add = true}
      %add3A_103 = arith.constant 1 : i32
      %add3A_104 = arith.addi %mul3A_90, %add3A_103 : i32
      %dma_wait3A_105 = arith.constant 0 : i32
      %dma_wait3A_106 = tpu.memref_slice %arg6[%add3A_104, %dma_wait3A_105] : memref<80x128xi32, #tpu.memory_space<vmem>> -> memref<1x128xi32, #tpu.memory_space<vmem>>
      %dma_wait3A_107 = tpu.memref_squeeze %dma_wait3A_106 : memref<1x128xi32, #tpu.memory_space<vmem>> -> memref<128xi32, #tpu.memory_space<vmem>>
      %dma_wait3A_108 = arith.constant 0 : i32
      %dma_wait3A_109 = arith.constant 0 : i32
      %dma_wait3A_110 = tpu.memref_slice %arg10[%dma_wait3A_108, %dma_wait3A_109] : memref<10240x64xf32, #tpu.memory_space<vmem_shared>> -> memref<10240x64xf32, #tpu.memory_space<vmem_shared>>
      tpu.wait_indirect_dma semaphore(%arg13 : memref<!tpu.dma_semaphore, #tpu.memory_space<semaphore_mem>>) src(%dma_wait3A_110 : memref<10240x64xf32, #tpu.memory_space<vmem_shared>>) dst(%arg9 : memref<128x64xf32, #tpu.memory_space<vmem>>)
      %add3A_111 = arith.constant 1 : i32
      %add3A_112 = arith.addi %mul3A_90, %add3A_111 : i32
      %dma_start3A_113 = arith.constant 0 : i32
      %dma_start3A_114 = tpu.memref_slice %arg7[%add3A_112, %dma_start3A_113] : memref<80x128xi32, #tpu.memory_space<vmem>> -> memref<1x128xi32, #tpu.memory_space<vmem>>
      %dma_start3A_115 = tpu.memref_squeeze %dma_start3A_114 : memref<1x128xi32, #tpu.memory_space<vmem>> -> memref<128xi32, #tpu.memory_space<vmem>>
      %dma_start3A_116 = arith.constant 0 : i32
      %dma_start3A_117 = arith.constant 0 : i32
      %dma_start3A_118 = tpu.memref_slice %arg11[%dma_start3A_116, %dma_start3A_117] : memref<10240x64xf32, #tpu.memory_space<vmem_shared>> -> memref<10240x64xf32, #tpu.memory_space<vmem_shared>>
      tpu.enqueue_indirect_dma source(%arg9 : memref<128x64xf32, #tpu.memory_space<vmem>>) target(%dma_start3A_118 : memref<10240x64xf32, #tpu.memory_space<vmem_shared>>) offsets(%dma_start3A_115 : memref<128xi32, #tpu.memory_space<vmem>>) semaphore(%arg15 : memref<!tpu.dma_semaphore, #tpu.memory_space<semaphore_mem>>) {add = true}
      %dma_wait3A_119 = arith.constant 0 : i32
      %dma_wait3A_120 = tpu.memref_slice %arg7[%mul3A_90, %dma_wait3A_119] : memref<80x128xi32, #tpu.memory_space<vmem>> -> memref<1x128xi32, #tpu.memory_space<vmem>>
      %dma_wait3A_121 = tpu.memref_squeeze %dma_wait3A_120 : memref<1x128xi32, #tpu.memory_space<vmem>> -> memref<128xi32, #tpu.memory_space<vmem>>
      %dma_wait3A_122 = arith.constant 0 : i32
      %dma_wait3A_123 = arith.constant 0 : i32
      %dma_wait3A_124 = tpu.memref_slice %arg11[%dma_wait3A_122, %dma_wait3A_123] : memref<10240x64xf32, #tpu.memory_space<vmem_shared>> -> memref<10240x64xf32, #tpu.memory_space<vmem_shared>>
      tpu.wait_indirect_dma semaphore(%arg14 : memref<!tpu.dma_semaphore, #tpu.memory_space<semaphore_mem>>) src(%arg8 : memref<128x64xf32, #tpu.memory_space<vmem>>) dst(%dma_wait3A_124 : memref<10240x64xf32, #tpu.memory_space<vmem_shared>>)
      %add3A_125 = arith.constant 2 : i32
      %add3A_126 = arith.addi %mul3A_90, %add3A_125 : i32
      %dma_start3A_127 = arith.constant 0 : i32
      %dma_start3A_128 = tpu.memref_slice %arg6[%add3A_126, %dma_start3A_127] : memref<80x128xi32, #tpu.memory_space<vmem>> -> memref<1x128xi32, #tpu.memory_space<vmem>>
      %dma_start3A_129 = tpu.memref_squeeze %dma_start3A_128 : memref<1x128xi32, #tpu.memory_space<vmem>> -> memref<128xi32, #tpu.memory_space<vmem>>
      %dma_start3A_130 = arith.constant 0 : i32
      %dma_start3A_131 = arith.constant 0 : i32
      %dma_start3A_132 = tpu.memref_slice %arg10[%dma_start3A_130, %dma_start3A_131] : memref<10240x64xf32, #tpu.memory_space<vmem_shared>> -> memref<10240x64xf32, #tpu.memory_space<vmem_shared>>
      tpu.enqueue_indirect_dma source(%dma_start3A_132 : memref<10240x64xf32, #tpu.memory_space<vmem_shared>>) target(%arg8 : memref<128x64xf32, #tpu.memory_space<vmem>>) offsets(%dma_start3A_129 : memref<128xi32, #tpu.memory_space<vmem>>) semaphore(%arg12 : memref<!tpu.dma_semaphore, #tpu.memory_space<semaphore_mem>>)
      %dma_wait3A_133 = arith.constant 0 : i32
      %dma_wait3A_134 = tpu.memref_slice %arg7[%add3A_112, %dma_wait3A_133] : memref<80x128xi32, #tpu.memory_space<vmem>> -> memref<1x128xi32, #tpu.memory_space<vmem>>
      %dma_wait3A_135 = tpu.memref_squeeze %dma_wait3A_134 : memref<1x128xi32, #tpu.memory_space<vmem>> -> memref<128xi32, #tpu.memory_space<vmem>>
      %dma_wait3A_136 = arith.constant 0 : i32
      %dma_wait3A_137 = arith.constant 0 : i32
      %dma_wait3A_138 = tpu.memref_slice %arg11[%dma_wait3A_136, %dma_wait3A_137] : memref<10240x64xf32, #tpu.memory_space<vmem_shared>> -> memref<10240x64xf32, #tpu.memory_space<vmem_shared>>
      tpu.wait_indirect_dma semaphore(%arg15 : memref<!tpu.dma_semaphore, #tpu.memory_space<semaphore_mem>>) src(%arg9 : memref<128x64xf32, #tpu.memory_space<vmem>>) dst(%dma_wait3A_138 : memref<10240x64xf32, #tpu.memory_space<vmem_shared>>)
      %add3A_139 = arith.constant 3 : i32
      %add3A_140 = arith.addi %mul3A_90, %add3A_139 : i32
      %dma_start3A_141 = arith.constant 0 : i32
      %dma_start3A_142 = tpu.memref_slice %arg6[%add3A_140, %dma_start3A_141] : memref<80x128xi32, #tpu.memory_space<vmem>> -> memref<1x128xi32, #tpu.memory_space<vmem>>
      %dma_start3A_143 = tpu.memref_squeeze %dma_start3A_142 : memref<1x128xi32, #tpu.memory_space<vmem>> -> memref<128xi32, #tpu.memory_space<vmem>>
      %dma_start3A_144 = arith.constant 0 : i32
      %dma_start3A_145 = arith.constant 0 : i32
      %dma_start3A_146 = tpu.memref_slice %arg10[%dma_start3A_144, %dma_start3A_145] : memref<10240x64xf32, #tpu.memory_space<vmem_shared>> -> memref<10240x64xf32, #tpu.memory_space<vmem_shared>>
      tpu.enqueue_indirect_dma source(%dma_start3A_146 : memref<10240x64xf32, #tpu.memory_space<vmem_shared>>) target(%arg9 : memref<128x64xf32, #tpu.memory_space<vmem>>) offsets(%dma_start3A_143 : memref<128xi32, #tpu.memory_space<vmem>>) semaphore(%arg13 : memref<!tpu.dma_semaphore, #tpu.memory_space<semaphore_mem>>)
    }
    %scan3A_39 = arith.constant 39 : i32
    %dma_wait3A = arith.constant 78 : i32
    %dma_wait3A_40 = arith.constant 0 : i32
    %dma_wait3A_41 = tpu.memref_slice %arg6[%dma_wait3A, %dma_wait3A_40] : memref<80x128xi32, #tpu.memory_space<vmem>> -> memref<1x128xi32, #tpu.memory_space<vmem>>
    %dma_wait3A_42 = tpu.memref_squeeze %dma_wait3A_41 : memref<1x128xi32, #tpu.memory_space<vmem>> -> memref<128xi32, #tpu.memory_space<vmem>>
    %dma_wait3A_43 = arith.constant 0 : i32
    %dma_wait3A_44 = arith.constant 0 : i32
    %dma_wait3A_45 = tpu.memref_slice %arg10[%dma_wait3A_43, %dma_wait3A_44] : memref<10240x64xf32, #tpu.memory_space<vmem_shared>> -> memref<10240x64xf32, #tpu.memory_space<vmem_shared>>
    tpu.wait_indirect_dma semaphore(%arg12 : memref<!tpu.dma_semaphore, #tpu.memory_space<semaphore_mem>>) src(%dma_wait3A_45 : memref<10240x64xf32, #tpu.memory_space<vmem_shared>>) dst(%arg8 : memref<128x64xf32, #tpu.memory_space<vmem>>)
    %dma_start3A_46 = arith.constant 78 : i32
    %dma_start3A_47 = arith.constant 0 : i32
    %dma_start3A_48 = tpu.memref_slice %arg7[%dma_start3A_46, %dma_start3A_47] : memref<80x128xi32, #tpu.memory_space<vmem>> -> memref<1x128xi32, #tpu.memory_space<vmem>>
    %dma_start3A_49 = tpu.memref_squeeze %dma_start3A_48 : memref<1x128xi32, #tpu.memory_space<vmem>> -> memref<128xi32, #tpu.memory_space<vmem>>
    %dma_start3A_50 = arith.constant 0 : i32
    %dma_start3A_51 = arith.constant 0 : i32
    %dma_start3A_52 = tpu.memref_slice %arg11[%dma_start3A_50, %dma_start3A_51] : memref<10240x64xf32, #tpu.memory_space<vmem_shared>> -> memref<10240x64xf32, #tpu.memory_space<vmem_shared>>
    tpu.enqueue_indirect_dma source(%arg8 : memref<128x64xf32, #tpu.memory_space<vmem>>) target(%dma_start3A_52 : memref<10240x64xf32, #tpu.memory_space<vmem_shared>>) offsets(%dma_start3A_49 : memref<128xi32, #tpu.memory_space<vmem>>) semaphore(%arg14 : memref<!tpu.dma_semaphore, #tpu.memory_space<semaphore_mem>>) {add = true}
    %dma_wait3A_53 = arith.constant 79 : i32
    %dma_wait3A_54 = arith.constant 0 : i32
    %dma_wait3A_55 = tpu.memref_slice %arg6[%dma_wait3A_53, %dma_wait3A_54] : memref<80x128xi32, #tpu.memory_space<vmem>> -> memref<1x128xi32, #tpu.memory_space<vmem>>
    %dma_wait3A_56 = tpu.memref_squeeze %dma_wait3A_55 : memref<1x128xi32, #tpu.memory_space<vmem>> -> memref<128xi32, #tpu.memory_space<vmem>>
    %dma_wait3A_57 = arith.constant 0 : i32
    %dma_wait3A_58 = arith.constant 0 : i32
    %dma_wait3A_59 = tpu.memref_slice %arg10[%dma_wait3A_57, %dma_wait3A_58] : memref<10240x64xf32, #tpu.memory_space<vmem_shared>> -> memref<10240x64xf32, #tpu.memory_space<vmem_shared>>
    tpu.wait_indirect_dma semaphore(%arg13 : memref<!tpu.dma_semaphore, #tpu.memory_space<semaphore_mem>>) src(%dma_wait3A_59 : memref<10240x64xf32, #tpu.memory_space<vmem_shared>>) dst(%arg9 : memref<128x64xf32, #tpu.memory_space<vmem>>)
    %dma_start3A_60 = arith.constant 79 : i32
    %dma_start3A_61 = arith.constant 0 : i32
    %dma_start3A_62 = tpu.memref_slice %arg7[%dma_start3A_60, %dma_start3A_61] : memref<80x128xi32, #tpu.memory_space<vmem>> -> memref<1x128xi32, #tpu.memory_space<vmem>>
    %dma_start3A_63 = tpu.memref_squeeze %dma_start3A_62 : memref<1x128xi32, #tpu.memory_space<vmem>> -> memref<128xi32, #tpu.memory_space<vmem>>
    %dma_start3A_64 = arith.constant 0 : i32
    %dma_start3A_65 = arith.constant 0 : i32
    %dma_start3A_66 = tpu.memref_slice %arg11[%dma_start3A_64, %dma_start3A_65] : memref<10240x64xf32, #tpu.memory_space<vmem_shared>> -> memref<10240x64xf32, #tpu.memory_space<vmem_shared>>
    tpu.enqueue_indirect_dma source(%arg9 : memref<128x64xf32, #tpu.memory_space<vmem>>) target(%dma_start3A_66 : memref<10240x64xf32, #tpu.memory_space<vmem_shared>>) offsets(%dma_start3A_63 : memref<128xi32, #tpu.memory_space<vmem>>) semaphore(%arg15 : memref<!tpu.dma_semaphore, #tpu.memory_space<semaphore_mem>>) {add = true}
    %dma_wait3A_67 = arith.constant 78 : i32
    %dma_wait3A_68 = arith.constant 0 : i32
    %dma_wait3A_69 = tpu.memref_slice %arg7[%dma_wait3A_67, %dma_wait3A_68] : memref<80x128xi32, #tpu.memory_space<vmem>> -> memref<1x128xi32, #tpu.memory_space<vmem>>
    %dma_wait3A_70 = tpu.memref_squeeze %dma_wait3A_69 : memref<1x128xi32, #tpu.memory_space<vmem>> -> memref<128xi32, #tpu.memory_space<vmem>>
    %dma_wait3A_71 = arith.constant 0 : i32
    %dma_wait3A_72 = arith.constant 0 : i32
    %dma_wait3A_73 = tpu.memref_slice %arg11[%dma_wait3A_71, %dma_wait3A_72] : memref<10240x64xf32, #tpu.memory_space<vmem_shared>> -> memref<10240x64xf32, #tpu.memory_space<vmem_shared>>
    tpu.wait_indirect_dma semaphore(%arg14 : memref<!tpu.dma_semaphore, #tpu.memory_space<semaphore_mem>>) src(%arg8 : memref<128x64xf32, #tpu.memory_space<vmem>>) dst(%dma_wait3A_73 : memref<10240x64xf32, #tpu.memory_space<vmem_shared>>)
    %dma_wait3A_74 = arith.constant 79 : i32
    %dma_wait3A_75 = arith.constant 0 : i32
    %dma_wait3A_76 = tpu.memref_slice %arg7[%dma_wait3A_74, %dma_wait3A_75] : memref<80x128xi32, #tpu.memory_space<vmem>> -> memref<1x128xi32, #tpu.memory_space<vmem>>
    %dma_wait3A_77 = tpu.memref_squeeze %dma_wait3A_76 : memref<1x128xi32, #tpu.memory_space<vmem>> -> memref<128xi32, #tpu.memory_space<vmem>>
    %dma_wait3A_78 = arith.constant 0 : i32
    %dma_wait3A_79 = arith.constant 0 : i32
    %dma_wait3A_80 = tpu.memref_slice %arg11[%dma_wait3A_78, %dma_wait3A_79] : memref<10240x64xf32, #tpu.memory_space<vmem_shared>> -> memref<10240x64xf32, #tpu.memory_space<vmem_shared>>
    tpu.wait_indirect_dma semaphore(%arg15 : memref<!tpu.dma_semaphore, #tpu.memory_space<semaphore_mem>>) src(%arg9 : memref<128x64xf32, #tpu.memory_space<vmem>>) dst(%dma_wait3A_80 : memref<10240x64xf32, #tpu.memory_space<vmem_shared>>)
    %scan3A_81 = arith.constant 1 : i32
    %barrier3A_82 = arith.constant 0 : index
    tpu.barrier barrier_id(%barrier3A_82)
    %mul3A_83 = arith.constant 10240 : i32
    %mul3A_84 = arith.muli %arg0, %mul3A_83 : i32
    %mul3A_85 = arith.constant 640 : i32
    %mul3A_86 = arith.muli %arg1, %mul3A_85 : i32
    %add3A_87 = arith.addi %mul3A_84, %mul3A_86 : i32
    "tpu.region"() ({
      %run_scoped3A = tpu.sem_alloc : memref<!tpu.dma_semaphore, #tpu.memory_space<semaphore_mem>>
      %dma_start3A_88 = arith.constant 0 : i32
      %dma_start3A_89 = tpu.memref_slice %arg5[%add3A_87, %dma_start3A_88] : memref<20480x64xf32, #tpu.memory_space<hbm>> -> memref<640x64xf32, #tpu.memory_space<hbm>>
      %dma_start3A_90 = arith.constant 0 : i32
      %dma_start3A_91 = tpu.memref_slice %arg11[%mul3A_5, %dma_start3A_90] : memref<10240x64xf32, #tpu.memory_space<vmem_shared>> -> memref<640x64xf32, #tpu.memory_space<vmem_shared>>
      tpu.enqueue_dma source(%dma_start3A_91 : memref<640x64xf32, #tpu.memory_space<vmem_shared>>) target(%dma_start3A_89 : memref<640x64xf32, #tpu.memory_space<hbm>>) target_semaphore(%run_scoped3A : memref<!tpu.dma_semaphore, #tpu.memory_space<semaphore_mem>>)
      %dma_wait3A_92 = arith.constant 0 : i32
      %dma_wait3A_93 = tpu.memref_slice %arg5[%add3A_87, %dma_wait3A_92] : memref<20480x64xf32, #tpu.memory_space<hbm>> -> memref<640x64xf32, #tpu.memory_space<hbm>>
      %dma_wait3A_94 = arith.constant 0 : i32
      %dma_wait3A_95 = tpu.memref_slice %arg11[%mul3A_5, %dma_wait3A_94] : memref<10240x64xf32, #tpu.memory_space<vmem_shared>> -> memref<640x64xf32, #tpu.memory_space<vmem_shared>>
      tpu.wait_dma2 semaphore(%run_scoped3A : memref<!tpu.dma_semaphore, #tpu.memory_space<semaphore_mem>>) src(%dma_wait3A_95 : memref<640x64xf32, #tpu.memory_space<vmem_shared>>) dst(%dma_wait3A_93 : memref<640x64xf32, #tpu.memory_space<hbm>>)
      tpu.yield
    }) : () -> ()
    return
  }
}

#map = affine_map<(d0, d1) -> (0, 0, 0)>
#map1 = affine_map<(d0, d1) -> (0)>
module attributes {stable_mosaic.version = 14 : i64} {
  func.func @body(%arg0: i32, %arg1: i32, %arg2: memref<2x10240x64xf32, #tpu.memory_space<hbm>>, %arg3: memref<16x160x128xi32, #tpu.memory_space<hbm>>, %arg4: memref<16x160x128xi32, #tpu.memory_space<hbm>>, %arg5: memref<2x10240x64xf32, #tpu.memory_space<hbm>>, %arg6: memref<20480xf32, #tpu.memory_space<hbm>>, %arg7: memref<80x128xi32, #tpu.memory_space<vmem>>, %arg8: memref<80x128xi32, #tpu.memory_space<vmem>>, %arg9: memref<128x64xf32, #tpu.memory_space<vmem>>, %arg10: memref<128x64xf32, #tpu.memory_space<vmem>>, %arg11: memref<10240x64xf32, #tpu.memory_space<vmem_shared>>, %arg12: memref<10240x64xf32, #tpu.memory_space<vmem_shared>>, %arg13: memref<!tpu.dma_semaphore, #tpu.memory_space<semaphore_mem>>, %arg14: memref<!tpu.dma_semaphore, #tpu.memory_space<semaphore_mem>>, %arg15: memref<!tpu.dma_semaphore, #tpu.memory_space<semaphore_mem>>, %arg16: memref<!tpu.dma_semaphore, #tpu.memory_space<semaphore_mem>>, %arg17: memref<!tpu.dma_semaphore, #tpu.memory_space<semaphore_mem>>, %arg18: memref<128xf32, #tpu.memory_space<vmem>>, %arg19: memref<640xf32, #tpu.memory_space<vmem>>, %arg20: memref<10240xf32, #tpu.memory_space<vmem_shared>>) attributes {dimension_semantics = [#tpu.dimension_semantics<core_parallel>, #tpu.dimension_semantics<subcore_parallel>], iteration_bounds = array<i64: 2, 16>, scalar_prefetch = 0 : i64, scratch_operands = 14 : i64, tpu.core_type = #tpu.core_type<sc_vector_subcore>, window_params = [{transform_indices = #map}, {transform_indices = #map}, {transform_indices = #map}, {transform_indices = #map}, {transform_indices = #map1}]} {
    %mul3A = arith.constant 640 : i32
    %mul3A_0 = arith.muli %arg1, %mul3A : i32
    %scan3A = arith.constant 0 : i32
    %scan3A_1 = arith.constant 0 : i32
    %scan3A_2 = arith.constant 512 : i32
    %scan3A_3 = arith.addi %scan3A_1, %scan3A_2 : i32
    %scan3A_4 = arith.constant 1 : i32
    scf.for %scan3A_37 = %scan3A_1 to %scan3A_3 step %scan3A_4  : i32 {
      %broadcast_in_dim3A = arith.constant 0.000000e+00 : f32
      %broadcast_in_dim3A_38 = vector.broadcast %broadcast_in_dim3A : f32 to vector<16xf32>
      %jit3A = arith.constant 4 : i32
      %div3A = arith.divsi %scan3A_37, %jit3A : i32
      %sign3A = arith.constant 0 : i32
      %sign3A_39 = arith.cmpi sgt, %scan3A_37, %sign3A : i32
      %sign3A_40 = arith.extui %sign3A_39 : i1 to i32
      %sign3A_41 = arith.constant 0 : i32
      %sign3A_42 = arith.cmpi slt, %scan3A_37, %sign3A_41 : i32
      %sign3A_43 = arith.extui %sign3A_42 : i1 to i32
      %sign3A_44 = arith.subi %sign3A_40, %sign3A_43 : i32
      %sign3A_45 = arith.constant 0 : i32
      %sign3A_46 = arith.cmpi sgt, %jit3A, %sign3A_45 : i32
      %sign3A_47 = arith.extui %sign3A_46 : i1 to i32
      %sign3A_48 = arith.constant 0 : i32
      %sign3A_49 = arith.cmpi slt, %jit3A, %sign3A_48 : i32
      %sign3A_50 = arith.extui %sign3A_49 : i1 to i32
      %sign3A_51 = arith.subi %sign3A_47, %sign3A_50 : i32
      %ne3A = arith.cmpi ne, %sign3A_44, %sign3A_51 : i32
      %rem3A = arith.remsi %scan3A_37, %jit3A : i32
      %ne3A_52 = arith.constant 0 : i32
      %ne3A_53 = arith.cmpi ne, %rem3A, %ne3A_52 : i32
      %and3A = arith.andi %ne3A, %ne3A_53 : i1
      %sub3A = arith.constant 1 : i32
      %sub3A_54 = arith.subi %div3A, %sub3A : i32
      %select_n3A = arith.select %and3A, %sub3A_54, %div3A : i32
      %jit3A_55 = arith.constant 4 : i32
      %eq3A = arith.constant 0 : i32
      %eq3A_56 = arith.cmpi eq, %jit3A_55, %eq3A : i32
      %jit3A_57 = arith.constant 1 : i32
      %select_n3A_58 = arith.select %eq3A_56, %jit3A_57, %jit3A_55 : i32
      %rem3A_59 = arith.remsi %scan3A_37, %select_n3A_58 : i32
      %ne3A_60 = arith.constant 0 : i32
      %ne3A_61 = arith.cmpi ne, %rem3A_59, %ne3A_60 : i32
      %lt3A = arith.constant 0 : i32
      %lt3A_62 = arith.cmpi slt, %rem3A_59, %lt3A : i32
      %lt3A_63 = arith.constant 0 : i32
      %lt3A_64 = arith.cmpi slt, %select_n3A_58, %lt3A_63 : i32
      %ne3A_65 = arith.xori %lt3A_62, %lt3A_64 : i1
      %and3A_66 = arith.andi %ne3A_65, %ne3A_61 : i1
      %add3A_67 = arith.addi %rem3A_59, %select_n3A_58 : i32
      %select_n3A_68 = arith.select %and3A_66, %add3A_67, %rem3A_59 : i32
      %mul3A_69 = arith.constant 16 : i32
      %mul3A_70 = arith.muli %select_n3A_68, %mul3A_69 : i32
      %swap3A = arith.index_cast %select_n3A : i32 to index
      %swap3A_71 = arith.index_cast %mul3A_70 : i32 to index
      %swap3A_72 = tpu.vector_load %arg9[%swap3A, %swap3A_71] {strides = array<i32>} : memref<128x64xf32, #tpu.memory_space<vmem>>, vector<1x16xf32>,
      %swap3A_73 = vector.shape_cast %swap3A_72 : vector<1x16xf32> to vector<16xf32>
      %swap3A_74 = vector.shape_cast %broadcast_in_dim3A_38 : vector<16xf32> to vector<1x16xf32>
      tpu.vector_store %arg9[%swap3A, %swap3A_71], %swap3A_74 {strides = array<i32>} : memref<128x64xf32, #tpu.memory_space<vmem>>, vector<1x16xf32>,
    }
    %scan3A_5 = arith.constant 512 : i32
    %add3A = arith.constant 0 : i32
    %add3A_6 = arith.addi %mul3A_0, %add3A : i32
    "tpu.region"() ({
      %run_scoped3A = tpu.sem_alloc : memref<!tpu.dma_semaphore, #tpu.memory_space<semaphore_mem>>
      %dma_start3A = arith.constant 0 : i32
      %dma_start3A_37 = tpu.memref_slice %arg12[%add3A_6, %dma_start3A] : memref<10240x64xf32, #tpu.memory_space<vmem_shared>> -> memref<128x64xf32, #tpu.memory_space<vmem_shared>>
      %dma_start3A_38 = arith.constant 0 : i32
      %dma_start3A_39 = tpu.memref_slice %arg12[%add3A_6, %dma_start3A_38] : memref<10240x64xf32, #tpu.memory_space<vmem_shared>> -> memref<128x64xf32, #tpu.memory_space<vmem_shared>>
      tpu.enqueue_dma source(%arg9 : memref<128x64xf32, #tpu.memory_space<vmem>>) target(%dma_start3A_39 : memref<128x64xf32, #tpu.memory_space<vmem_shared>>) target_semaphore(%run_scoped3A : memref<!tpu.dma_semaphore, #tpu.memory_space<semaphore_mem>>)
      %dma_wait3A = arith.constant 0 : i32
      %dma_wait3A_40 = tpu.memref_slice %arg12[%add3A_6, %dma_wait3A] : memref<10240x64xf32, #tpu.memory_space<vmem_shared>> -> memref<128x64xf32, #tpu.memory_space<vmem_shared>>
      %dma_wait3A_41 = arith.constant 0 : i32
      %dma_wait3A_42 = tpu.memref_slice %arg12[%add3A_6, %dma_wait3A_41] : memref<10240x64xf32, #tpu.memory_space<vmem_shared>> -> memref<128x64xf32, #tpu.memory_space<vmem_shared>>
      tpu.wait_dma2 semaphore(%run_scoped3A : memref<!tpu.dma_semaphore, #tpu.memory_space<semaphore_mem>>) src(%arg9 : memref<128x64xf32, #tpu.memory_space<vmem>>) dst(%dma_wait3A_42 : memref<128x64xf32, #tpu.memory_space<vmem_shared>>)
      tpu.yield
    }) : () -> ()
    %add3A_7 = arith.constant 128 : i32
    %add3A_8 = arith.addi %mul3A_0, %add3A_7 : i32
    "tpu.region"() ({
      %run_scoped3A = tpu.sem_alloc : memref<!tpu.dma_semaphore, #tpu.memory_space<semaphore_mem>>
      %dma_start3A = arith.constant 0 : i32
      %dma_start3A_37 = tpu.memref_slice %arg12[%add3A_8, %dma_start3A] : memref<10240x64xf32, #tpu.memory_space<vmem_shared>> -> memref<128x64xf32, #tpu.memory_space<vmem_shared>>
      %dma_start3A_38 = arith.constant 0 : i32
      %dma_start3A_39 = tpu.memref_slice %arg12[%add3A_8, %dma_start3A_38] : memref<10240x64xf32, #tpu.memory_space<vmem_shared>> -> memref<128x64xf32, #tpu.memory_space<vmem_shared>>
      tpu.enqueue_dma source(%arg9 : memref<128x64xf32, #tpu.memory_space<vmem>>) target(%dma_start3A_39 : memref<128x64xf32, #tpu.memory_space<vmem_shared>>) target_semaphore(%run_scoped3A : memref<!tpu.dma_semaphore, #tpu.memory_space<semaphore_mem>>)
      %dma_wait3A = arith.constant 0 : i32
      %dma_wait3A_40 = tpu.memref_slice %arg12[%add3A_8, %dma_wait3A] : memref<10240x64xf32, #tpu.memory_space<vmem_shared>> -> memref<128x64xf32, #tpu.memory_space<vmem_shared>>
      %dma_wait3A_41 = arith.constant 0 : i32
      %dma_wait3A_42 = tpu.memref_slice %arg12[%add3A_8, %dma_wait3A_41] : memref<10240x64xf32, #tpu.memory_space<vmem_shared>> -> memref<128x64xf32, #tpu.memory_space<vmem_shared>>
      tpu.wait_dma2 semaphore(%run_scoped3A : memref<!tpu.dma_semaphore, #tpu.memory_space<semaphore_mem>>) src(%arg9 : memref<128x64xf32, #tpu.memory_space<vmem>>) dst(%dma_wait3A_42 : memref<128x64xf32, #tpu.memory_space<vmem_shared>>)
      tpu.yield
    }) : () -> ()
    %add3A_9 = arith.constant 256 : i32
    %add3A_10 = arith.addi %mul3A_0, %add3A_9 : i32
    "tpu.region"() ({
      %run_scoped3A = tpu.sem_alloc : memref<!tpu.dma_semaphore, #tpu.memory_space<semaphore_mem>>
      %dma_start3A = arith.constant 0 : i32
      %dma_start3A_37 = tpu.memref_slice %arg12[%add3A_10, %dma_start3A] : memref<10240x64xf32, #tpu.memory_space<vmem_shared>> -> memref<128x64xf32, #tpu.memory_space<vmem_shared>>
      %dma_start3A_38 = arith.constant 0 : i32
      %dma_start3A_39 = tpu.memref_slice %arg12[%add3A_10, %dma_start3A_38] : memref<10240x64xf32, #tpu.memory_space<vmem_shared>> -> memref<128x64xf32, #tpu.memory_space<vmem_shared>>
      tpu.enqueue_dma source(%arg9 : memref<128x64xf32, #tpu.memory_space<vmem>>) target(%dma_start3A_39 : memref<128x64xf32, #tpu.memory_space<vmem_shared>>) target_semaphore(%run_scoped3A : memref<!tpu.dma_semaphore, #tpu.memory_space<semaphore_mem>>)
      %dma_wait3A = arith.constant 0 : i32
      %dma_wait3A_40 = tpu.memref_slice %arg12[%add3A_10, %dma_wait3A] : memref<10240x64xf32, #tpu.memory_space<vmem_shared>> -> memref<128x64xf32, #tpu.memory_space<vmem_shared>>
      %dma_wait3A_41 = arith.constant 0 : i32
      %dma_wait3A_42 = tpu.memref_slice %arg12[%add3A_10, %dma_wait3A_41] : memref<10240x64xf32, #tpu.memory_space<vmem_shared>> -> memref<128x64xf32, #tpu.memory_space<vmem_shared>>
      tpu.wait_dma2 semaphore(%run_scoped3A : memref<!tpu.dma_semaphore, #tpu.memory_space<semaphore_mem>>) src(%arg9 : memref<128x64xf32, #tpu.memory_space<vmem>>) dst(%dma_wait3A_42 : memref<128x64xf32, #tpu.memory_space<vmem_shared>>)
      tpu.yield
    }) : () -> ()
    %add3A_11 = arith.constant 384 : i32
    %add3A_12 = arith.addi %mul3A_0, %add3A_11 : i32
    "tpu.region"() ({
      %run_scoped3A = tpu.sem_alloc : memref<!tpu.dma_semaphore, #tpu.memory_space<semaphore_mem>>
      %dma_start3A = arith.constant 0 : i32
      %dma_start3A_37 = tpu.memref_slice %arg12[%add3A_12, %dma_start3A] : memref<10240x64xf32, #tpu.memory_space<vmem_shared>> -> memref<128x64xf32, #tpu.memory_space<vmem_shared>>
      %dma_start3A_38 = arith.constant 0 : i32
      %dma_start3A_39 = tpu.memref_slice %arg12[%add3A_12, %dma_start3A_38] : memref<10240x64xf32, #tpu.memory_space<vmem_shared>> -> memref<128x64xf32, #tpu.memory_space<vmem_shared>>
      tpu.enqueue_dma source(%arg9 : memref<128x64xf32, #tpu.memory_space<vmem>>) target(%dma_start3A_39 : memref<128x64xf32, #tpu.memory_space<vmem_shared>>) target_semaphore(%run_scoped3A : memref<!tpu.dma_semaphore, #tpu.memory_space<semaphore_mem>>)
      %dma_wait3A = arith.constant 0 : i32
      %dma_wait3A_40 = tpu.memref_slice %arg12[%add3A_12, %dma_wait3A] : memref<10240x64xf32, #tpu.memory_space<vmem_shared>> -> memref<128x64xf32, #tpu.memory_space<vmem_shared>>
      %dma_wait3A_41 = arith.constant 0 : i32
      %dma_wait3A_42 = tpu.memref_slice %arg12[%add3A_12, %dma_wait3A_41] : memref<10240x64xf32, #tpu.memory_space<vmem_shared>> -> memref<128x64xf32, #tpu.memory_space<vmem_shared>>
      tpu.wait_dma2 semaphore(%run_scoped3A : memref<!tpu.dma_semaphore, #tpu.memory_space<semaphore_mem>>) src(%arg9 : memref<128x64xf32, #tpu.memory_space<vmem>>) dst(%dma_wait3A_42 : memref<128x64xf32, #tpu.memory_space<vmem_shared>>)
      tpu.yield
    }) : () -> ()
    %add3A_13 = arith.constant 512 : i32
    %add3A_14 = arith.addi %mul3A_0, %add3A_13 : i32
    "tpu.region"() ({
      %run_scoped3A = tpu.sem_alloc : memref<!tpu.dma_semaphore, #tpu.memory_space<semaphore_mem>>
      %dma_start3A = arith.constant 0 : i32
      %dma_start3A_37 = tpu.memref_slice %arg12[%add3A_14, %dma_start3A] : memref<10240x64xf32, #tpu.memory_space<vmem_shared>> -> memref<128x64xf32, #tpu.memory_space<vmem_shared>>
      %dma_start3A_38 = arith.constant 0 : i32
      %dma_start3A_39 = tpu.memref_slice %arg12[%add3A_14, %dma_start3A_38] : memref<10240x64xf32, #tpu.memory_space<vmem_shared>> -> memref<128x64xf32, #tpu.memory_space<vmem_shared>>
      tpu.enqueue_dma source(%arg9 : memref<128x64xf32, #tpu.memory_space<vmem>>) target(%dma_start3A_39 : memref<128x64xf32, #tpu.memory_space<vmem_shared>>) target_semaphore(%run_scoped3A : memref<!tpu.dma_semaphore, #tpu.memory_space<semaphore_mem>>)
      %dma_wait3A = arith.constant 0 : i32
      %dma_wait3A_40 = tpu.memref_slice %arg12[%add3A_14, %dma_wait3A] : memref<10240x64xf32, #tpu.memory_space<vmem_shared>> -> memref<128x64xf32, #tpu.memory_space<vmem_shared>>
      %dma_wait3A_41 = arith.constant 0 : i32
      %dma_wait3A_42 = tpu.memref_slice %arg12[%add3A_14, %dma_wait3A_41] : memref<10240x64xf32, #tpu.memory_space<vmem_shared>> -> memref<128x64xf32, #tpu.memory_space<vmem_shared>>
      tpu.wait_dma2 semaphore(%run_scoped3A : memref<!tpu.dma_semaphore, #tpu.memory_space<semaphore_mem>>) src(%arg9 : memref<128x64xf32, #tpu.memory_space<vmem>>) dst(%dma_wait3A_42 : memref<128x64xf32, #tpu.memory_space<vmem_shared>>)
      tpu.yield
    }) : () -> ()
    "tpu.region"() ({
      %run_scoped3A = tpu.sem_alloc : memref<!tpu.dma_semaphore, #tpu.memory_space<semaphore_mem>>
      %dma_start3A = arith.constant 0 : i32
      %dma_start3A_37 = tpu.memref_slice %arg11[%mul3A_0, %dma_start3A] : memref<10240x64xf32, #tpu.memory_space<vmem_shared>> -> memref<640x64xf32, #tpu.memory_space<vmem_shared>>
      %dma_start3A_38 = arith.constant 0 : i32
      %dma_start3A_39 = tpu.memref_slice %arg2[%arg0, %mul3A_0, %dma_start3A_38] : memref<2x10240x64xf32, #tpu.memory_space<hbm>> -> memref<1x640x64xf32, #tpu.memory_space<hbm>>
      %dma_start3A_40 = tpu.memref_squeeze %dma_start3A_39 : memref<1x640x64xf32, #tpu.memory_space<hbm>> -> memref<640x64xf32, #tpu.memory_space<hbm>>
      tpu.enqueue_dma source(%dma_start3A_40 : memref<640x64xf32, #tpu.memory_space<hbm>>) target(%dma_start3A_37 : memref<640x64xf32, #tpu.memory_space<vmem_shared>>) target_semaphore(%run_scoped3A : memref<!tpu.dma_semaphore, #tpu.memory_space<semaphore_mem>>)
      %dma_wait3A = arith.constant 0 : i32
      %dma_wait3A_41 = tpu.memref_slice %arg11[%mul3A_0, %dma_wait3A] : memref<10240x64xf32, #tpu.memory_space<vmem_shared>> -> memref<640x64xf32, #tpu.memory_space<vmem_shared>>
      %dma_wait3A_42 = arith.constant 0 : i32
      %dma_wait3A_43 = tpu.memref_slice %arg2[%arg0, %mul3A_0, %dma_wait3A_42] : memref<2x10240x64xf32, #tpu.memory_space<hbm>> -> memref<1x640x64xf32, #tpu.memory_space<hbm>>
      %dma_wait3A_44 = tpu.memref_squeeze %dma_wait3A_43 : memref<1x640x64xf32, #tpu.memory_space<hbm>> -> memref<640x64xf32, #tpu.memory_space<hbm>>
      tpu.wait_dma2 semaphore(%run_scoped3A : memref<!tpu.dma_semaphore, #tpu.memory_space<semaphore_mem>>) src(%dma_wait3A_44 : memref<640x64xf32, #tpu.memory_space<hbm>>) dst(%dma_wait3A_41 : memref<640x64xf32, #tpu.memory_space<vmem_shared>>)
      tpu.yield
    }) : () -> ()
    %scan3A_15 = arith.constant 0 : i32
    %scan3A_16 = arith.constant 0 : i32
    %scan3A_17 = arith.constant 8 : i32
    %scan3A_18 = arith.addi %scan3A_16, %scan3A_17 : i32
    %scan3A_19 = arith.constant 1 : i32
    scf.for %scan3A_37 = %scan3A_16 to %scan3A_18 step %scan3A_19  : i32 {
      %broadcast_in_dim3A = arith.constant 1.000000e+00 : f32
      %broadcast_in_dim3A_38 = vector.broadcast %broadcast_in_dim3A : f32 to vector<16xf32>
      %mul3A_39 = arith.constant 16 : i32
      %mul3A_40 = arith.muli %scan3A_37, %mul3A_39 : i32
      %swap3A = arith.index_cast %mul3A_40 : i32 to index
      %swap3A_41 = tpu.vector_load %arg18[%swap3A] {strides = array<i32>} : memref<128xf32, #tpu.memory_space<vmem>>, vector<16xf32>,
      %swap3A_42 = vector.shape_cast %swap3A_41 : vector<16xf32> to vector<16xf32>
      %swap3A_43 = vector.shape_cast %broadcast_in_dim3A_38 : vector<16xf32> to vector<16xf32>
      tpu.vector_store %arg18[%swap3A], %swap3A_43 {strides = array<i32>} : memref<128xf32, #tpu.memory_space<vmem>>, vector<16xf32>,
    }
    %scan3A_20 = arith.constant 8 : i32
    %scan3A_21 = arith.constant 0 : i32
    %scan3A_22 = arith.constant 0 : i32
    %scan3A_23 = arith.constant 40 : i32
    %scan3A_24 = arith.addi %scan3A_22, %scan3A_23 : i32
    %scan3A_25 = arith.constant 1 : i32
    scf.for %scan3A_37 = %scan3A_22 to %scan3A_24 step %scan3A_25  : i32 {
      %broadcast_in_dim3A = arith.constant 0.000000e+00 : f32
      %broadcast_in_dim3A_38 = vector.broadcast %broadcast_in_dim3A : f32 to vector<16xf32>
      %mul3A_39 = arith.constant 16 : i32
      %mul3A_40 = arith.muli %scan3A_37, %mul3A_39 : i32
      %swap3A = arith.index_cast %mul3A_40 : i32 to index
      %swap3A_41 = tpu.vector_load %arg19[%swap3A] {strides = array<i32>} : memref<640xf32, #tpu.memory_space<vmem>>, vector<16xf32>,
      %swap3A_42 = vector.shape_cast %swap3A_41 : vector<16xf32> to vector<16xf32>
      %swap3A_43 = vector.shape_cast %broadcast_in_dim3A_38 : vector<16xf32> to vector<16xf32>
      tpu.vector_store %arg19[%swap3A], %swap3A_43 {strides = array<i32>} : memref<640xf32, #tpu.memory_space<vmem>>, vector<16xf32>,
    }
    %scan3A_26 = arith.constant 40 : i32
    "tpu.region"() ({
      %run_scoped3A = tpu.sem_alloc : memref<!tpu.dma_semaphore, #tpu.memory_space<semaphore_mem>>
      %dma_start3A = tpu.memref_slice %arg20[%mul3A_0] : memref<10240xf32, #tpu.memory_space<vmem_shared>> -> memref<640xf32, #tpu.memory_space<vmem_shared>>
      %dma_start3A_37 = tpu.memref_slice %arg20[%mul3A_0] : memref<10240xf32, #tpu.memory_space<vmem_shared>> -> memref<640xf32, #tpu.memory_space<vmem_shared>>
      tpu.enqueue_dma source(%arg19 : memref<640xf32, #tpu.memory_space<vmem>>) target(%dma_start3A_37 : memref<640xf32, #tpu.memory_space<vmem_shared>>) target_semaphore(%run_scoped3A : memref<!tpu.dma_semaphore, #tpu.memory_space<semaphore_mem>>)
      %dma_wait3A = tpu.memref_slice %arg20[%mul3A_0] : memref<10240xf32, #tpu.memory_space<vmem_shared>> -> memref<640xf32, #tpu.memory_space<vmem_shared>>
      %dma_wait3A_38 = tpu.memref_slice %arg20[%mul3A_0] : memref<10240xf32, #tpu.memory_space<vmem_shared>> -> memref<640xf32, #tpu.memory_space<vmem_shared>>
      tpu.wait_dma2 semaphore(%run_scoped3A : memref<!tpu.dma_semaphore, #tpu.memory_space<semaphore_mem>>) src(%arg19 : memref<640xf32, #tpu.memory_space<vmem>>) dst(%dma_wait3A_38 : memref<640xf32, #tpu.memory_space<vmem_shared>>)
      tpu.yield
    }) : () -> ()
    %barrier3A = arith.constant 0 : index
    tpu.barrier barrier_id(%barrier3A)
    %scan3A_27 = arith.constant 0 : i32
    %scan3A_28 = arith.constant 0 : i32
    %scan3A_29 = arith.constant 2 : i32
    %scan3A_30 = arith.addi %scan3A_28, %scan3A_29 : i32
    %scan3A_31 = arith.constant 1 : i32
    scf.for %scan3A_37 = %scan3A_28 to %scan3A_30 step %scan3A_31  : i32 {
      %mul3A_38 = arith.constant 80 : i32
      %mul3A_39 = arith.muli %scan3A_37, %mul3A_38 : i32
      "tpu.region"() ({
        %run_scoped3A = tpu.sem_alloc : memref<!tpu.dma_semaphore, #tpu.memory_space<semaphore_mem>>
        %dma_start3A_593 = arith.constant 0 : i32
        %dma_start3A_594 = tpu.memref_slice %arg3[%arg1, %mul3A_39, %dma_start3A_593] : memref<16x160x128xi32, #tpu.memory_space<hbm>> -> memref<1x80x128xi32, #tpu.memory_space<hbm>>
        %dma_start3A_595 = tpu.memref_squeeze %dma_start3A_594 : memref<1x80x128xi32, #tpu.memory_space<hbm>> -> memref<80x128xi32, #tpu.memory_space<hbm>>
        %dma_start3A_596 = arith.constant 0 : i32
        %dma_start3A_597 = tpu.memref_slice %arg3[%arg1, %mul3A_39, %dma_start3A_596] : memref<16x160x128xi32, #tpu.memory_space<hbm>> -> memref<1x80x128xi32, #tpu.memory_space<hbm>>
        %dma_start3A_598 = tpu.memref_squeeze %dma_start3A_597 : memref<1x80x128xi32, #tpu.memory_space<hbm>> -> memref<80x128xi32, #tpu.memory_space<hbm>>
        tpu.enqueue_dma source(%dma_start3A_598 : memref<80x128xi32, #tpu.memory_space<hbm>>) target(%arg7 : memref<80x128xi32, #tpu.memory_space<vmem>>) target_semaphore(%run_scoped3A : memref<!tpu.dma_semaphore, #tpu.memory_space<semaphore_mem>>)
        %dma_wait3A_599 = arith.constant 0 : i32
        %dma_wait3A_600 = tpu.memref_slice %arg3[%arg1, %mul3A_39, %dma_wait3A_599] : memref<16x160x128xi32, #tpu.memory_space<hbm>> -> memref<1x80x128xi32, #tpu.memory_space<hbm>>
        %dma_wait3A_601 = tpu.memref_squeeze %dma_wait3A_600 : memref<1x80x128xi32, #tpu.memory_space<hbm>> -> memref<80x128xi32, #tpu.memory_space<hbm>>
        %dma_wait3A_602 = arith.constant 0 : i32
        %dma_wait3A_603 = tpu.memref_slice %arg3[%arg1, %mul3A_39, %dma_wait3A_602] : memref<16x160x128xi32, #tpu.memory_space<hbm>> -> memref<1x80x128xi32, #tpu.memory_space<hbm>>
        %dma_wait3A_604 = tpu.memref_squeeze %dma_wait3A_603 : memref<1x80x128xi32, #tpu.memory_space<hbm>> -> memref<80x128xi32, #tpu.memory_space<hbm>>
        tpu.wait_dma2 semaphore(%run_scoped3A : memref<!tpu.dma_semaphore, #tpu.memory_space<semaphore_mem>>) src(%dma_wait3A_604 : memref<80x128xi32, #tpu.memory_space<hbm>>) dst(%arg7 : memref<80x128xi32, #tpu.memory_space<vmem>>)
        tpu.yield
      }) : () -> ()
      %mul3A_40 = arith.constant 80 : i32
      %mul3A_41 = arith.muli %scan3A_37, %mul3A_40 : i32
      "tpu.region"() ({
        %run_scoped3A = tpu.sem_alloc : memref<!tpu.dma_semaphore, #tpu.memory_space<semaphore_mem>>
        %dma_start3A_593 = arith.constant 0 : i32
        %dma_start3A_594 = tpu.memref_slice %arg4[%arg1, %mul3A_41, %dma_start3A_593] : memref<16x160x128xi32, #tpu.memory_space<hbm>> -> memref<1x80x128xi32, #tpu.memory_space<hbm>>
        %dma_start3A_595 = tpu.memref_squeeze %dma_start3A_594 : memref<1x80x128xi32, #tpu.memory_space<hbm>> -> memref<80x128xi32, #tpu.memory_space<hbm>>
        %dma_start3A_596 = arith.constant 0 : i32
        %dma_start3A_597 = tpu.memref_slice %arg4[%arg1, %mul3A_41, %dma_start3A_596] : memref<16x160x128xi32, #tpu.memory_space<hbm>> -> memref<1x80x128xi32, #tpu.memory_space<hbm>>
        %dma_start3A_598 = tpu.memref_squeeze %dma_start3A_597 : memref<1x80x128xi32, #tpu.memory_space<hbm>> -> memref<80x128xi32, #tpu.memory_space<hbm>>
        tpu.enqueue_dma source(%dma_start3A_598 : memref<80x128xi32, #tpu.memory_space<hbm>>) target(%arg8 : memref<80x128xi32, #tpu.memory_space<vmem>>) target_semaphore(%run_scoped3A : memref<!tpu.dma_semaphore, #tpu.memory_space<semaphore_mem>>)
        %dma_wait3A_599 = arith.constant 0 : i32
        %dma_wait3A_600 = tpu.memref_slice %arg4[%arg1, %mul3A_41, %dma_wait3A_599] : memref<16x160x128xi32, #tpu.memory_space<hbm>> -> memref<1x80x128xi32, #tpu.memory_space<hbm>>
        %dma_wait3A_601 = tpu.memref_squeeze %dma_wait3A_600 : memref<1x80x128xi32, #tpu.memory_space<hbm>> -> memref<80x128xi32, #tpu.memory_space<hbm>>
        %dma_wait3A_602 = arith.constant 0 : i32
        %dma_wait3A_603 = tpu.memref_slice %arg4[%arg1, %mul3A_41, %dma_wait3A_602] : memref<16x160x128xi32, #tpu.memory_space<hbm>> -> memref<1x80x128xi32, #tpu.memory_space<hbm>>
        %dma_wait3A_604 = tpu.memref_squeeze %dma_wait3A_603 : memref<1x80x128xi32, #tpu.memory_space<hbm>> -> memref<80x128xi32, #tpu.memory_space<hbm>>
        tpu.wait_dma2 semaphore(%run_scoped3A : memref<!tpu.dma_semaphore, #tpu.memory_space<semaphore_mem>>) src(%dma_wait3A_604 : memref<80x128xi32, #tpu.memory_space<hbm>>) dst(%arg8 : memref<80x128xi32, #tpu.memory_space<vmem>>)
        tpu.yield
      }) : () -> ()
      %dma_start3A = arith.constant 0 : i32
      %dma_start3A_42 = arith.constant 0 : i32
      %dma_start3A_43 = tpu.memref_slice %arg7[%dma_start3A, %dma_start3A_42] : memref<80x128xi32, #tpu.memory_space<vmem>> -> memref<1x128xi32, #tpu.memory_space<vmem>>
      %dma_start3A_44 = tpu.memref_squeeze %dma_start3A_43 : memref<1x128xi32, #tpu.memory_space<vmem>> -> memref<128xi32, #tpu.memory_space<vmem>>
      %dma_start3A_45 = arith.constant 0 : i32
      %dma_start3A_46 = arith.constant 0 : i32
      %dma_start3A_47 = tpu.memref_slice %arg11[%dma_start3A_45, %dma_start3A_46] : memref<10240x64xf32, #tpu.memory_space<vmem_shared>> -> memref<10240x64xf32, #tpu.memory_space<vmem_shared>>
      tpu.enqueue_indirect_dma source(%dma_start3A_47 : memref<10240x64xf32, #tpu.memory_space<vmem_shared>>) target(%arg9 : memref<128x64xf32, #tpu.memory_space<vmem>>) offsets(%dma_start3A_44 : memref<128xi32, #tpu.memory_space<vmem>>) semaphore(%arg13 : memref<!tpu.dma_semaphore, #tpu.memory_space<semaphore_mem>>)
      %dma_start3A_48 = arith.constant 1 : i32
      %dma_start3A_49 = arith.constant 0 : i32
      %dma_start3A_50 = tpu.memref_slice %arg7[%dma_start3A_48, %dma_start3A_49] : memref<80x128xi32, #tpu.memory_space<vmem>> -> memref<1x128xi32, #tpu.memory_space<vmem>>
      %dma_start3A_51 = tpu.memref_squeeze %dma_start3A_50 : memref<1x128xi32, #tpu.memory_space<vmem>> -> memref<128xi32, #tpu.memory_space<vmem>>
      %dma_start3A_52 = arith.constant 0 : i32
      %dma_start3A_53 = arith.constant 0 : i32
      %dma_start3A_54 = tpu.memref_slice %arg11[%dma_start3A_52, %dma_start3A_53] : memref<10240x64xf32, #tpu.memory_space<vmem_shared>> -> memref<10240x64xf32, #tpu.memory_space<vmem_shared>>
      tpu.enqueue_indirect_dma source(%dma_start3A_54 : memref<10240x64xf32, #tpu.memory_space<vmem_shared>>) target(%arg10 : memref<128x64xf32, #tpu.memory_space<vmem>>) offsets(%dma_start3A_51 : memref<128xi32, #tpu.memory_space<vmem>>) semaphore(%arg14 : memref<!tpu.dma_semaphore, #tpu.memory_space<semaphore_mem>>)
      %scan3A_55 = arith.constant 0 : i32
      %scan3A_56 = arith.constant 39 : i32
      %scan3A_57 = arith.addi %scan3A_55, %scan3A_56 : i32
      %scan3A_58 = arith.constant 1 : i32
      scf.for %scan3A_593 = %scan3A_55 to %scan3A_57 step %scan3A_58  : i32 {
        %mul3A_594 = arith.constant 2 : i32
        %mul3A_595 = arith.muli %mul3A_594, %scan3A_593 : i32
        %dma_wait3A_596 = arith.constant 0 : i32
        %dma_wait3A_597 = tpu.memref_slice %arg7[%mul3A_595, %dma_wait3A_596] : memref<80x128xi32, #tpu.memory_space<vmem>> -> memref<1x128xi32, #tpu.memory_space<vmem>>
        %dma_wait3A_598 = tpu.memref_squeeze %dma_wait3A_597 : memref<1x128xi32, #tpu.memory_space<vmem>> -> memref<128xi32, #tpu.memory_space<vmem>>
        %dma_wait3A_599 = arith.constant 0 : i32
        %dma_wait3A_600 = arith.constant 0 : i32
        %dma_wait3A_601 = tpu.memref_slice %arg11[%dma_wait3A_599, %dma_wait3A_600] : memref<10240x64xf32, #tpu.memory_space<vmem_shared>> -> memref<10240x64xf32, #tpu.memory_space<vmem_shared>>
        tpu.wait_indirect_dma semaphore(%arg13 : memref<!tpu.dma_semaphore, #tpu.memory_space<semaphore_mem>>) src(%dma_wait3A_601 : memref<10240x64xf32, #tpu.memory_space<vmem_shared>>) dst(%arg9 : memref<128x64xf32, #tpu.memory_space<vmem>>)
        %dma_start3A_602 = arith.constant 0 : i32
        %dma_start3A_603 = tpu.memref_slice %arg8[%mul3A_595, %dma_start3A_602] : memref<80x128xi32, #tpu.memory_space<vmem>> -> memref<1x128xi32, #tpu.memory_space<vmem>>
        %dma_start3A_604 = tpu.memref_squeeze %dma_start3A_603 : memref<1x128xi32, #tpu.memory_space<vmem>> -> memref<128xi32, #tpu.memory_space<vmem>>
        %dma_start3A_605 = arith.constant 0 : i32
        %dma_start3A_606 = arith.constant 0 : i32
        %dma_start3A_607 = tpu.memref_slice %arg12[%dma_start3A_605, %dma_start3A_606] : memref<10240x64xf32, #tpu.memory_space<vmem_shared>> -> memref<10240x64xf32, #tpu.memory_space<vmem_shared>>
        tpu.enqueue_indirect_dma source(%arg9 : memref<128x64xf32, #tpu.memory_space<vmem>>) target(%dma_start3A_607 : memref<10240x64xf32, #tpu.memory_space<vmem_shared>>) offsets(%dma_start3A_604 : memref<128xi32, #tpu.memory_space<vmem>>) semaphore(%arg15 : memref<!tpu.dma_semaphore, #tpu.memory_space<semaphore_mem>>) {add = true}
        %dma_start3A_608 = arith.constant 0 : i32
        %dma_start3A_609 = tpu.memref_slice %arg8[%mul3A_595, %dma_start3A_608] : memref<80x128xi32, #tpu.memory_space<vmem>> -> memref<1x128xi32, #tpu.memory_space<vmem>>
        %dma_start3A_610 = tpu.memref_squeeze %dma_start3A_609 : memref<1x128xi32, #tpu.memory_space<vmem>> -> memref<128xi32, #tpu.memory_space<vmem>>
        %dma_start3A_611 = arith.constant 0 : i32
        %dma_start3A_612 = tpu.memref_slice %arg20[%dma_start3A_611] : memref<10240xf32, #tpu.memory_space<vmem_shared>> -> memref<10240xf32, #tpu.memory_space<vmem_shared>>
        tpu.enqueue_indirect_dma source(%arg18 : memref<128xf32, #tpu.memory_space<vmem>>) target(%dma_start3A_612 : memref<10240xf32, #tpu.memory_space<vmem_shared>>) offsets(%dma_start3A_610 : memref<128xi32, #tpu.memory_space<vmem>>) semaphore(%arg17 : memref<!tpu.dma_semaphore, #tpu.memory_space<semaphore_mem>>) {add = true}
        %add3A_613 = arith.constant 1 : i32
        %add3A_614 = arith.addi %mul3A_595, %add3A_613 : i32
        %dma_wait3A_615 = arith.constant 0 : i32
        %dma_wait3A_616 = tpu.memref_slice %arg7[%add3A_614, %dma_wait3A_615] : memref<80x128xi32, #tpu.memory_space<vmem>> -> memref<1x128xi32, #tpu.memory_space<vmem>>
        %dma_wait3A_617 = tpu.memref_squeeze %dma_wait3A_616 : memref<1x128xi32, #tpu.memory_space<vmem>> -> memref<128xi32, #tpu.memory_space<vmem>>
        %dma_wait3A_618 = arith.constant 0 : i32
        %dma_wait3A_619 = arith.constant 0 : i32
        %dma_wait3A_620 = tpu.memref_slice %arg11[%dma_wait3A_618, %dma_wait3A_619] : memref<10240x64xf32, #tpu.memory_space<vmem_shared>> -> memref<10240x64xf32, #tpu.memory_space<vmem_shared>>
        tpu.wait_indirect_dma semaphore(%arg14 : memref<!tpu.dma_semaphore, #tpu.memory_space<semaphore_mem>>) src(%dma_wait3A_620 : memref<10240x64xf32, #tpu.memory_space<vmem_shared>>) dst(%arg10 : memref<128x64xf32, #tpu.memory_space<vmem>>)
        %add3A_621 = arith.constant 1 : i32
        %add3A_622 = arith.addi %mul3A_595, %add3A_621 : i32
        %dma_start3A_623 = arith.constant 0 : i32
        %dma_start3A_624 = tpu.memref_slice %arg8[%add3A_622, %dma_start3A_623] : memref<80x128xi32, #tpu.memory_space<vmem>> -> memref<1x128xi32, #tpu.memory_space<vmem>>
        %dma_start3A_625 = tpu.memref_squeeze %dma_start3A_624 : memref<1x128xi32, #tpu.memory_space<vmem>> -> memref<128xi32, #tpu.memory_space<vmem>>
        %dma_start3A_626 = arith.constant 0 : i32
        %dma_start3A_627 = arith.constant 0 : i32
        %dma_start3A_628 = tpu.memref_slice %arg12[%dma_start3A_626, %dma_start3A_627] : memref<10240x64xf32, #tpu.memory_space<vmem_shared>> -> memref<10240x64xf32, #tpu.memory_space<vmem_shared>>
        tpu.enqueue_indirect_dma source(%arg10 : memref<128x64xf32, #tpu.memory_space<vmem>>) target(%dma_start3A_628 : memref<10240x64xf32, #tpu.memory_space<vmem_shared>>) offsets(%dma_start3A_625 : memref<128xi32, #tpu.memory_space<vmem>>) semaphore(%arg16 : memref<!tpu.dma_semaphore, #tpu.memory_space<semaphore_mem>>) {add = true}
        %add3A_629 = arith.constant 1 : i32
        %add3A_630 = arith.addi %mul3A_595, %add3A_629 : i32
        %dma_start3A_631 = arith.constant 0 : i32
        %dma_start3A_632 = tpu.memref_slice %arg8[%add3A_630, %dma_start3A_631] : memref<80x128xi32, #tpu.memory_space<vmem>> -> memref<1x128xi32, #tpu.memory_space<vmem>>
        %dma_start3A_633 = tpu.memref_squeeze %dma_start3A_632 : memref<1x128xi32, #tpu.memory_space<vmem>> -> memref<128xi32, #tpu.memory_space<vmem>>
        %dma_start3A_634 = arith.constant 0 : i32
        %dma_start3A_635 = tpu.memref_slice %arg20[%dma_start3A_634] : memref<10240xf32, #tpu.memory_space<vmem_shared>> -> memref<10240xf32, #tpu.memory_space<vmem_shared>>
        tpu.enqueue_indirect_dma source(%arg18 : memref<128xf32, #tpu.memory_space<vmem>>) target(%dma_start3A_635 : memref<10240xf32, #tpu.memory_space<vmem_shared>>) offsets(%dma_start3A_633 : memref<128xi32, #tpu.memory_space<vmem>>) semaphore(%arg17 : memref<!tpu.dma_semaphore, #tpu.memory_space<semaphore_mem>>) {add = true}
        %dma_wait3A_636 = arith.constant 0 : i32
        %dma_wait3A_637 = tpu.memref_slice %arg8[%mul3A_595, %dma_wait3A_636] : memref<80x128xi32, #tpu.memory_space<vmem>> -> memref<1x128xi32, #tpu.memory_space<vmem>>
        %dma_wait3A_638 = tpu.memref_squeeze %dma_wait3A_637 : memref<1x128xi32, #tpu.memory_space<vmem>> -> memref<128xi32, #tpu.memory_space<vmem>>
        %dma_wait3A_639 = arith.constant 0 : i32
        %dma_wait3A_640 = arith.constant 0 : i32
        %dma_wait3A_641 = tpu.memref_slice %arg12[%dma_wait3A_639, %dma_wait3A_640] : memref<10240x64xf32, #tpu.memory_space<vmem_shared>> -> memref<10240x64xf32, #tpu.memory_space<vmem_shared>>
        tpu.wait_indirect_dma semaphore(%arg15 : memref<!tpu.dma_semaphore, #tpu.memory_space<semaphore_mem>>) src(%arg9 : memref<128x64xf32, #tpu.memory_space<vmem>>) dst(%dma_wait3A_641 : memref<10240x64xf32, #tpu.memory_space<vmem_shared>>)
        %add3A_642 = arith.constant 2 : i32
        %add3A_643 = arith.addi %mul3A_595, %add3A_642 : i32
        %dma_start3A_644 = arith.constant 0 : i32
        %dma_start3A_645 = tpu.memref_slice %arg7[%add3A_643, %dma_start3A_644] : memref<80x128xi32, #tpu.memory_space<vmem>> -> memref<1x128xi32, #tpu.memory_space<vmem>>
        %dma_start3A_646 = tpu.memref_squeeze %dma_start3A_645 : memref<1x128xi32, #tpu.memory_space<vmem>> -> memref<128xi32, #tpu.memory_space<vmem>>
        %dma_start3A_647 = arith.constant 0 : i32
        %dma_start3A_648 = arith.constant 0 : i32
        %dma_start3A_649 = tpu.memref_slice %arg11[%dma_start3A_647, %dma_start3A_648] : memref<10240x64xf32, #tpu.memory_space<vmem_shared>> -> memref<10240x64xf32, #tpu.memory_space<vmem_shared>>
        tpu.enqueue_indirect_dma source(%dma_start3A_649 : memref<10240x64xf32, #tpu.memory_space<vmem_shared>>) target(%arg9 : memref<128x64xf32, #tpu.memory_space<vmem>>) offsets(%dma_start3A_646 : memref<128xi32, #tpu.memory_space<vmem>>) semaphore(%arg13 : memref<!tpu.dma_semaphore, #tpu.memory_space<semaphore_mem>>)
        %dma_wait3A_650 = arith.constant 0 : i32
        %dma_wait3A_651 = tpu.memref_slice %arg8[%add3A_622, %dma_wait3A_650] : memref<80x128xi32, #tpu.memory_space<vmem>> -> memref<1x128xi32, #tpu.memory_space<vmem>>
        %dma_wait3A_652 = tpu.memref_squeeze %dma_wait3A_651 : memref<1x128xi32, #tpu.memory_space<vmem>> -> memref<128xi32, #tpu.memory_space<vmem>>
        %dma_wait3A_653 = arith.constant 0 : i32
        %dma_wait3A_654 = arith.constant 0 : i32
        %dma_wait3A_655 = tpu.memref_slice %arg12[%dma_wait3A_653, %dma_wait3A_654] : memref<10240x64xf32, #tpu.memory_space<vmem_shared>> -> memref<10240x64xf32, #tpu.memory_space<vmem_shared>>
        tpu.wait_indirect_dma semaphore(%arg16 : memref<!tpu.dma_semaphore, #tpu.memory_space<semaphore_mem>>) src(%arg10 : memref<128x64xf32, #tpu.memory_space<vmem>>) dst(%dma_wait3A_655 : memref<10240x64xf32, #tpu.memory_space<vmem_shared>>)
        %add3A_656 = arith.constant 3 : i32
        %add3A_657 = arith.addi %mul3A_595, %add3A_656 : i32
        %dma_start3A_658 = arith.constant 0 : i32
        %dma_start3A_659 = tpu.memref_slice %arg7[%add3A_657, %dma_start3A_658] : memref<80x128xi32, #tpu.memory_space<vmem>> -> memref<1x128xi32, #tpu.memory_space<vmem>>
        %dma_start3A_660 = tpu.memref_squeeze %dma_start3A_659 : memref<1x128xi32, #tpu.memory_space<vmem>> -> memref<128xi32, #tpu.memory_space<vmem>>
        %dma_start3A_661 = arith.constant 0 : i32
        %dma_start3A_662 = arith.constant 0 : i32
        %dma_start3A_663 = tpu.memref_slice %arg11[%dma_start3A_661, %dma_start3A_662] : memref<10240x64xf32, #tpu.memory_space<vmem_shared>> -> memref<10240x64xf32, #tpu.memory_space<vmem_shared>>
        tpu.enqueue_indirect_dma source(%dma_start3A_663 : memref<10240x64xf32, #tpu.memory_space<vmem_shared>>) target(%arg10 : memref<128x64xf32, #tpu.memory_space<vmem>>) offsets(%dma_start3A_660 : memref<128xi32, #tpu.memory_space<vmem>>) semaphore(%arg14 : memref<!tpu.dma_semaphore, #tpu.memory_space<semaphore_mem>>)
      }
      %scan3A_59 = arith.constant 39 : i32
      %dma_wait3A = arith.constant 78 : i32
      %dma_wait3A_60 = arith.constant 0 : i32
      %dma_wait3A_61 = tpu.memref_slice %arg7[%dma_wait3A, %dma_wait3A_60] : memref<80x128xi32, #tpu.memory_space<vmem>> -> memref<1x128xi32, #tpu.memory_space<vmem>>
      %dma_wait3A_62 = tpu.memref_squeeze %dma_wait3A_61 : memref<1x128xi32, #tpu.memory_space<vmem>> -> memref<128xi32, #tpu.memory_space<vmem>>
      %dma_wait3A_63 = arith.constant 0 : i32
      %dma_wait3A_64 = arith.constant 0 : i32
      %dma_wait3A_65 = tpu.memref_slice %arg11[%dma_wait3A_63, %dma_wait3A_64] : memref<10240x64xf32, #tpu.memory_space<vmem_shared>> -> memref<10240x64xf32, #tpu.memory_space<vmem_shared>>
      tpu.wait_indirect_dma semaphore(%arg13 : memref<!tpu.dma_semaphore, #tpu.memory_space<semaphore_mem>>) src(%dma_wait3A_65 : memref<10240x64xf32, #tpu.memory_space<vmem_shared>>) dst(%arg9 : memref<128x64xf32, #tpu.memory_space<vmem>>)
      %dma_start3A_66 = arith.constant 78 : i32
      %dma_start3A_67 = arith.constant 0 : i32
      %dma_start3A_68 = tpu.memref_slice %arg8[%dma_start3A_66, %dma_start3A_67] : memref<80x128xi32, #tpu.memory_space<vmem>> -> memref<1x128xi32, #tpu.memory_space<vmem>>
      %dma_start3A_69 = tpu.memref_squeeze %dma_start3A_68 : memref<1x128xi32, #tpu.memory_space<vmem>> -> memref<128xi32, #tpu.memory_space<vmem>>
      %dma_start3A_70 = arith.constant 0 : i32
      %dma_start3A_71 = arith.constant 0 : i32
      %dma_start3A_72 = tpu.memref_slice %arg12[%dma_start3A_70, %dma_start3A_71] : memref<10240x64xf32, #tpu.memory_space<vmem_shared>> -> memref<10240x64xf32, #tpu.memory_space<vmem_shared>>
      tpu.enqueue_indirect_dma source(%arg9 : memref<128x64xf32, #tpu.memory_space<vmem>>) target(%dma_start3A_72 : memref<10240x64xf32, #tpu.memory_space<vmem_shared>>) offsets(%dma_start3A_69 : memref<128xi32, #tpu.memory_space<vmem>>) semaphore(%arg15 : memref<!tpu.dma_semaphore, #tpu.memory_space<semaphore_mem>>) {add = true}
      %dma_wait3A_73 = arith.constant 79 : i32
      %dma_wait3A_74 = arith.constant 0 : i32
      %dma_wait3A_75 = tpu.memref_slice %arg7[%dma_wait3A_73, %dma_wait3A_74] : memref<80x128xi32, #tpu.memory_space<vmem>> -> memref<1x128xi32, #tpu.memory_space<vmem>>
      %dma_wait3A_76 = tpu.memref_squeeze %dma_wait3A_75 : memref<1x128xi32, #tpu.memory_space<vmem>> -> memref<128xi32, #tpu.memory_space<vmem>>
      %dma_wait3A_77 = arith.constant 0 : i32
      %dma_wait3A_78 = arith.constant 0 : i32
      %dma_wait3A_79 = tpu.memref_slice %arg11[%dma_wait3A_77, %dma_wait3A_78] : memref<10240x64xf32, #tpu.memory_space<vmem_shared>> -> memref<10240x64xf32, #tpu.memory_space<vmem_shared>>
      tpu.wait_indirect_dma semaphore(%arg14 : memref<!tpu.dma_semaphore, #tpu.memory_space<semaphore_mem>>) src(%dma_wait3A_79 : memref<10240x64xf32, #tpu.memory_space<vmem_shared>>) dst(%arg10 : memref<128x64xf32, #tpu.memory_space<vmem>>)
      %dma_start3A_80 = arith.constant 79 : i32
      %dma_start3A_81 = arith.constant 0 : i32
      %dma_start3A_82 = tpu.memref_slice %arg8[%dma_start3A_80, %dma_start3A_81] : memref<80x128xi32, #tpu.memory_space<vmem>> -> memref<1x128xi32, #tpu.memory_space<vmem>>
      %dma_start3A_83 = tpu.memref_squeeze %dma_start3A_82 : memref<1x128xi32, #tpu.memory_space<vmem>> -> memref<128xi32, #tpu.memory_space<vmem>>
      %dma_start3A_84 = arith.constant 0 : i32
      %dma_start3A_85 = arith.constant 0 : i32
      %dma_start3A_86 = tpu.memref_slice %arg12[%dma_start3A_84, %dma_start3A_85] : memref<10240x64xf32, #tpu.memory_space<vmem_shared>> -> memref<10240x64xf32, #tpu.memory_space<vmem_shared>>
      tpu.enqueue_indirect_dma source(%arg10 : memref<128x64xf32, #tpu.memory_space<vmem>>) target(%dma_start3A_86 : memref<10240x64xf32, #tpu.memory_space<vmem_shared>>) offsets(%dma_start3A_83 : memref<128xi32, #tpu.memory_space<vmem>>) semaphore(%arg16 : memref<!tpu.dma_semaphore, #tpu.memory_space<semaphore_mem>>) {add = true}
      %dma_start3A_87 = arith.constant 78 : i32
      %dma_start3A_88 = arith.constant 0 : i32
      %dma_start3A_89 = tpu.memref_slice %arg8[%dma_start3A_87, %dma_start3A_88] : memref<80x128xi32, #tpu.memory_space<vmem>> -> memref<1x128xi32, #tpu.memory_space<vmem>>
      %dma_start3A_90 = tpu.memref_squeeze %dma_start3A_89 : memref<1x128xi32, #tpu.memory_space<vmem>> -> memref<128xi32, #tpu.memory_space<vmem>>
      %dma_start3A_91 = arith.constant 0 : i32
      %dma_start3A_92 = tpu.memref_slice %arg20[%dma_start3A_91] : memref<10240xf32, #tpu.memory_space<vmem_shared>> -> memref<10240xf32, #tpu.memory_space<vmem_shared>>
      tpu.enqueue_indirect_dma source(%arg18 : memref<128xf32, #tpu.memory_space<vmem>>) target(%dma_start3A_92 : memref<10240xf32, #tpu.memory_space<vmem_shared>>) offsets(%dma_start3A_90 : memref<128xi32, #tpu.memory_space<vmem>>) semaphore(%arg17 : memref<!tpu.dma_semaphore, #tpu.memory_space<semaphore_mem>>) {add = true}
      %dma_start3A_93 = arith.constant 79 : i32
      %dma_start3A_94 = arith.constant 0 : i32
      %dma_start3A_95 = tpu.memref_slice %arg8[%dma_start3A_93, %dma_start3A_94] : memref<80x128xi32, #tpu.memory_space<vmem>> -> memref<1x128xi32, #tpu.memory_space<vmem>>
      %dma_start3A_96 = tpu.memref_squeeze %dma_start3A_95 : memref<1x128xi32, #tpu.memory_space<vmem>> -> memref<128xi32, #tpu.memory_space<vmem>>
      %dma_start3A_97 = arith.constant 0 : i32
      %dma_start3A_98 = tpu.memref_slice %arg20[%dma_start3A_97] : memref<10240xf32, #tpu.memory_space<vmem_shared>> -> memref<10240xf32, #tpu.memory_space<vmem_shared>>
      tpu.enqueue_indirect_dma source(%arg18 : memref<128xf32, #tpu.memory_space<vmem>>) target(%dma_start3A_98 : memref<10240xf32, #tpu.memory_space<vmem_shared>>) offsets(%dma_start3A_96 : memref<128xi32, #tpu.memory_space<vmem>>) semaphore(%arg17 : memref<!tpu.dma_semaphore, #tpu.memory_space<semaphore_mem>>) {add = true}
      %dma_wait3A_99 = arith.constant 0 : i32
      %dma_wait3A_100 = arith.constant 0 : i32
      %dma_wait3A_101 = tpu.memref_slice %arg8[%dma_wait3A_99, %dma_wait3A_100] : memref<80x128xi32, #tpu.memory_space<vmem>> -> memref<1x128xi32, #tpu.memory_space<vmem>>
      %dma_wait3A_102 = tpu.memref_squeeze %dma_wait3A_101 : memref<1x128xi32, #tpu.memory_space<vmem>> -> memref<128xi32, #tpu.memory_space<vmem>>
      %dma_wait3A_103 = arith.constant 0 : i32
      %dma_wait3A_104 = tpu.memref_slice %arg20[%dma_wait3A_103] : memref<10240xf32, #tpu.memory_space<vmem_shared>> -> memref<10240xf32, #tpu.memory_space<vmem_shared>>
      tpu.wait_indirect_dma semaphore(%arg17 : memref<!tpu.dma_semaphore, #tpu.memory_space<semaphore_mem>>) src(%arg18 : memref<128xf32, #tpu.memory_space<vmem>>) dst(%dma_wait3A_104 : memref<10240xf32, #tpu.memory_space<vmem_shared>>)
      %dma_wait3A_105 = arith.constant 0 : i32
      %dma_wait3A_106 = arith.constant 0 : i32
      %dma_wait3A_107 = tpu.memref_slice %arg8[%dma_wait3A_105, %dma_wait3A_106] : memref<80x128xi32, #tpu.memory_space<vmem>> -> memref<1x128xi32, #tpu.memory_space<vmem>>
      %dma_wait3A_108 = tpu.memref_squeeze %dma_wait3A_107 : memref<1x128xi32, #tpu.memory_space<vmem>> -> memref<128xi32, #tpu.memory_space<vmem>>
      %dma_wait3A_109 = arith.constant 0 : i32
      %dma_wait3A_110 = tpu.memref_slice %arg20[%dma_wait3A_109] : memref<10240xf32, #tpu.memory_space<vmem_shared>> -> memref<10240xf32, #tpu.memory_space<vmem_shared>>
      tpu.wait_indirect_dma semaphore(%arg17 : memref<!tpu.dma_semaphore, #tpu.memory_space<semaphore_mem>>) src(%arg18 : memref<128xf32, #tpu.memory_space<vmem>>) dst(%dma_wait3A_110 : memref<10240xf32, #tpu.memory_space<vmem_shared>>)
      %dma_wait3A_111 = arith.constant 0 : i32
      %dma_wait3A_112 = arith.constant 0 : i32
      %dma_wait3A_113 = tpu.memref_slice %arg8[%dma_wait3A_111, %dma_wait3A_112] : memref<80x128xi32, #tpu.memory_space<vmem>> -> memref<1x128xi32, #tpu.memory_space<vmem>>
      %dma_wait3A_114 = tpu.memref_squeeze %dma_wait3A_113 : memref<1x128xi32, #tpu.memory_space<vmem>> -> memref<128xi32, #tpu.memory_space<vmem>>
      %dma_wait3A_115 = arith.constant 0 : i32
      %dma_wait3A_116 = tpu.memref_slice %arg20[%dma_wait3A_115] : memref<10240xf32, #tpu.memory_space<vmem_shared>> -> memref<10240xf32, #tpu.memory_space<vmem_shared>>
      tpu.wait_indirect_dma semaphore(%arg17 : memref<!tpu.dma_semaphore, #tpu.memory_space<semaphore_mem>>) src(%arg18 : memref<128xf32, #tpu.memory_space<vmem>>) dst(%dma_wait3A_116 : memref<10240xf32, #tpu.memory_space<vmem_shared>>)
      %dma_wait3A_117 = arith.constant 0 : i32
      %dma_wait3A_118 = arith.constant 0 : i32
      %dma_wait3A_119 = tpu.memref_slice %arg8[%dma_wait3A_117, %dma_wait3A_118] : memref<80x128xi32, #tpu.memory_space<vmem>> -> memref<1x128xi32, #tpu.memory_space<vmem>>
      %dma_wait3A_120 = tpu.memref_squeeze %dma_wait3A_119 : memref<1x128xi32, #tpu.memory_space<vmem>> -> memref<128xi32, #tpu.memory_space<vmem>>
      %dma_wait3A_121 = arith.constant 0 : i32
      %dma_wait3A_122 = tpu.memref_slice %arg20[%dma_wait3A_121] : memref<10240xf32, #tpu.memory_space<vmem_shared>> -> memref<10240xf32, #tpu.memory_space<vmem_shared>>
      tpu.wait_indirect_dma semaphore(%arg17 : memref<!tpu.dma_semaphore, #tpu.memory_space<semaphore_mem>>) src(%arg18 : memref<128xf32, #tpu.memory_space<vmem>>) dst(%dma_wait3A_122 : memref<10240xf32, #tpu.memory_space<vmem_shared>>)
      %dma_wait3A_123 = arith.constant 0 : i32
      %dma_wait3A_124 = arith.constant 0 : i32
      %dma_wait3A_125 = tpu.memref_slice %arg8[%dma_wait3A_123, %dma_wait3A_124] : memref<80x128xi32, #tpu.memory_space<vmem>> -> memref<1x128xi32, #tpu.memory_space<vmem>>
      %dma_wait3A_126 = tpu.memref_squeeze %dma_wait3A_125 : memref<1x128xi32, #tpu.memory_space<vmem>> -> memref<128xi32, #tpu.memory_space<vmem>>
      %dma_wait3A_127 = arith.constant 0 : i32
      %dma_wait3A_128 = tpu.memref_slice %arg20[%dma_wait3A_127] : memref<10240xf32, #tpu.memory_space<vmem_shared>> -> memref<10240xf32, #tpu.memory_space<vmem_shared>>
      tpu.wait_indirect_dma semaphore(%arg17 : memref<!tpu.dma_semaphore, #tpu.memory_space<semaphore_mem>>) src(%arg18 : memref<128xf32, #tpu.memory_space<vmem>>) dst(%dma_wait3A_128 : memref<10240xf32, #tpu.memory_space<vmem_shared>>)
      %dma_wait3A_129 = arith.constant 0 : i32
      %dma_wait3A_130 = arith.constant 0 : i32
      %dma_wait3A_131 = tpu.memref_slice %arg8[%dma_wait3A_129, %dma_wait3A_130] : memref<80x128xi32, #tpu.memory_space<vmem>> -> memref<1x128xi32, #tpu.memory_space<vmem>>
      %dma_wait3A_132 = tpu.memref_squeeze %dma_wait3A_131 : memref<1x128xi32, #tpu.memory_space<vmem>> -> memref<128xi32, #tpu.memory_space<vmem>>
      %dma_wait3A_133 = arith.constant 0 : i32
      %dma_wait3A_134 = tpu.memref_slice %arg20[%dma_wait3A_133] : memref<10240xf32, #tpu.memory_space<vmem_shared>> -> memref<10240xf32, #tpu.memory_space<vmem_shared>>
      tpu.wait_indirect_dma semaphore(%arg17 : memref<!tpu.dma_semaphore, #tpu.memory_space<semaphore_mem>>) src(%arg18 : memref<128xf32, #tpu.memory_space<vmem>>) dst(%dma_wait3A_134 : memref<10240xf32, #tpu.memory_space<vmem_shared>>)
      %dma_wait3A_135 = arith.constant 0 : i32
      %dma_wait3A_136 = arith.constant 0 : i32
      %dma_wait3A_137 = tpu.memref_slice %arg8[%dma_wait3A_135, %dma_wait3A_136] : memref<80x128xi32, #tpu.memory_space<vmem>> -> memref<1x128xi32, #tpu.memory_space<vmem>>
      %dma_wait3A_138 = tpu.memref_squeeze %dma_wait3A_137 : memref<1x128xi32, #tpu.memory_space<vmem>> -> memref<128xi32, #tpu.memory_space<vmem>>
      %dma_wait3A_139 = arith.constant 0 : i32
      %dma_wait3A_140 = tpu.memref_slice %arg20[%dma_wait3A_139] : memref<10240xf32, #tpu.memory_space<vmem_shared>> -> memref<10240xf32, #tpu.memory_space<vmem_shared>>
      tpu.wait_indirect_dma semaphore(%arg17 : memref<!tpu.dma_semaphore, #tpu.memory_space<semaphore_mem>>) src(%arg18 : memref<128xf32, #tpu.memory_space<vmem>>) dst(%dma_wait3A_140 : memref<10240xf32, #tpu.memory_space<vmem_shared>>)
      %dma_wait3A_141 = arith.constant 0 : i32
      %dma_wait3A_142 = arith.constant 0 : i32
      %dma_wait3A_143 = tpu.memref_slice %arg8[%dma_wait3A_141, %dma_wait3A_142] : memref<80x128xi32, #tpu.memory_space<vmem>> -> memref<1x128xi32, #tpu.memory_space<vmem>>
      %dma_wait3A_144 = tpu.memref_squeeze %dma_wait3A_143 : memref<1x128xi32, #tpu.memory_space<vmem>> -> memref<128xi32, #tpu.memory_space<vmem>>
      %dma_wait3A_145 = arith.constant 0 : i32
      %dma_wait3A_146 = tpu.memref_slice %arg20[%dma_wait3A_145] : memref<10240xf32, #tpu.memory_space<vmem_shared>> -> memref<10240xf32, #tpu.memory_space<vmem_shared>>
      tpu.wait_indirect_dma semaphore(%arg17 : memref<!tpu.dma_semaphore, #tpu.memory_space<semaphore_mem>>) src(%arg18 : memref<128xf32, #tpu.memory_space<vmem>>) dst(%dma_wait3A_146 : memref<10240xf32, #tpu.memory_space<vmem_shared>>)
      %dma_wait3A_147 = arith.constant 0 : i32
      %dma_wait3A_148 = arith.constant 0 : i32
      %dma_wait3A_149 = tpu.memref_slice %arg8[%dma_wait3A_147, %dma_wait3A_148] : memref<80x128xi32, #tpu.memory_space<vmem>> -> memref<1x128xi32, #tpu.memory_space<vmem>>
      %dma_wait3A_150 = tpu.memref_squeeze %dma_wait3A_149 : memref<1x128xi32, #tpu.memory_space<vmem>> -> memref<128xi32, #tpu.memory_space<vmem>>
      %dma_wait3A_151 = arith.constant 0 : i32
      %dma_wait3A_152 = tpu.memref_slice %arg20[%dma_wait3A_151] : memref<10240xf32, #tpu.memory_space<vmem_shared>> -> memref<10240xf32, #tpu.memory_space<vmem_shared>>
      tpu.wait_indirect_dma semaphore(%arg17 : memref<!tpu.dma_semaphore, #tpu.memory_space<semaphore_mem>>) src(%arg18 : memref<128xf32, #tpu.memory_space<vmem>>) dst(%dma_wait3A_152 : memref<10240xf32, #tpu.memory_space<vmem_shared>>)
      %dma_wait3A_153 = arith.constant 0 : i32
      %dma_wait3A_154 = arith.constant 0 : i32
      %dma_wait3A_155 = tpu.memref_slice %arg8[%dma_wait3A_153, %dma_wait3A_154] : memref<80x128xi32, #tpu.memory_space<vmem>> -> memref<1x128xi32, #tpu.memory_space<vmem>>
      %dma_wait3A_156 = tpu.memref_squeeze %dma_wait3A_155 : memref<1x128xi32, #tpu.memory_space<vmem>> -> memref<128xi32, #tpu.memory_space<vmem>>
      %dma_wait3A_157 = arith.constant 0 : i32
      %dma_wait3A_158 = tpu.memref_slice %arg20[%dma_wait3A_157] : memref<10240xf32, #tpu.memory_space<vmem_shared>> -> memref<10240xf32, #tpu.memory_space<vmem_shared>>
      tpu.wait_indirect_dma semaphore(%arg17 : memref<!tpu.dma_semaphore, #tpu.memory_space<semaphore_mem>>) src(%arg18 : memref<128xf32, #tpu.memory_space<vmem>>) dst(%dma_wait3A_158 : memref<10240xf32, #tpu.memory_space<vmem_shared>>)
      %dma_wait3A_159 = arith.constant 0 : i32
      %dma_wait3A_160 = arith.constant 0 : i32
      %dma_wait3A_161 = tpu.memref_slice %arg8[%dma_wait3A_159, %dma_wait3A_160] : memref<80x128xi32, #tpu.memory_space<vmem>> -> memref<1x128xi32, #tpu.memory_space<vmem>>
      %dma_wait3A_162 = tpu.memref_squeeze %dma_wait3A_161 : memref<1x128xi32, #tpu.memory_space<vmem>> -> memref<128xi32, #tpu.memory_space<vmem>>
      %dma_wait3A_163 = arith.constant 0 : i32
      %dma_wait3A_164 = tpu.memref_slice %arg20[%dma_wait3A_163] : memref<10240xf32, #tpu.memory_space<vmem_shared>> -> memref<10240xf32, #tpu.memory_space<vmem_shared>>
      tpu.wait_indirect_dma semaphore(%arg17 : memref<!tpu.dma_semaphore, #tpu.memory_space<semaphore_mem>>) src(%arg18 : memref<128xf32, #tpu.memory_space<vmem>>) dst(%dma_wait3A_164 : memref<10240xf32, #tpu.memory_space<vmem_shared>>)
      %dma_wait3A_165 = arith.constant 0 : i32
      %dma_wait3A_166 = arith.constant 0 : i32
      %dma_wait3A_167 = tpu.memref_slice %arg8[%dma_wait3A_165, %dma_wait3A_166] : memref<80x128xi32, #tpu.memory_space<vmem>> -> memref<1x128xi32, #tpu.memory_space<vmem>>
      %dma_wait3A_168 = tpu.memref_squeeze %dma_wait3A_167 : memref<1x128xi32, #tpu.memory_space<vmem>> -> memref<128xi32, #tpu.memory_space<vmem>>
      %dma_wait3A_169 = arith.constant 0 : i32
      %dma_wait3A_170 = tpu.memref_slice %arg20[%dma_wait3A_169] : memref<10240xf32, #tpu.memory_space<vmem_shared>> -> memref<10240xf32, #tpu.memory_space<vmem_shared>>
      tpu.wait_indirect_dma semaphore(%arg17 : memref<!tpu.dma_semaphore, #tpu.memory_space<semaphore_mem>>) src(%arg18 : memref<128xf32, #tpu.memory_space<vmem>>) dst(%dma_wait3A_170 : memref<10240xf32, #tpu.memory_space<vmem_shared>>)
      %dma_wait3A_171 = arith.constant 0 : i32
      %dma_wait3A_172 = arith.constant 0 : i32
      %dma_wait3A_173 = tpu.memref_slice %arg8[%dma_wait3A_171, %dma_wait3A_172] : memref<80x128xi32, #tpu.memory_space<vmem>> -> memref<1x128xi32, #tpu.memory_space<vmem>>
      %dma_wait3A_174 = tpu.memref_squeeze %dma_wait3A_173 : memref<1x128xi32, #tpu.memory_space<vmem>> -> memref<128xi32, #tpu.memory_space<vmem>>
      %dma_wait3A_175 = arith.constant 0 : i32
      %dma_wait3A_176 = tpu.memref_slice %arg20[%dma_wait3A_175] : memref<10240xf32, #tpu.memory_space<vmem_shared>> -> memref<10240xf32, #tpu.memory_space<vmem_shared>>
      tpu.wait_indirect_dma semaphore(%arg17 : memref<!tpu.dma_semaphore, #tpu.memory_space<semaphore_mem>>) src(%arg18 : memref<128xf32, #tpu.memory_space<vmem>>) dst(%dma_wait3A_176 : memref<10240xf32, #tpu.memory_space<vmem_shared>>)
      %dma_wait3A_177 = arith.constant 0 : i32
      %dma_wait3A_178 = arith.constant 0 : i32
      %dma_wait3A_179 = tpu.memref_slice %arg8[%dma_wait3A_177, %dma_wait3A_178] : memref<80x128xi32, #tpu.memory_space<vmem>> -> memref<1x128xi32, #tpu.memory_space<vmem>>
      %dma_wait3A_180 = tpu.memref_squeeze %dma_wait3A_179 : memref<1x128xi32, #tpu.memory_space<vmem>> -> memref<128xi32, #tpu.memory_space<vmem>>
      %dma_wait3A_181 = arith.constant 0 : i32
      %dma_wait3A_182 = tpu.memref_slice %arg20[%dma_wait3A_181] : memref<10240xf32, #tpu.memory_space<vmem_shared>> -> memref<10240xf32, #tpu.memory_space<vmem_shared>>
      tpu.wait_indirect_dma semaphore(%arg17 : memref<!tpu.dma_semaphore, #tpu.memory_space<semaphore_mem>>) src(%arg18 : memref<128xf32, #tpu.memory_space<vmem>>) dst(%dma_wait3A_182 : memref<10240xf32, #tpu.memory_space<vmem_shared>>)
      %dma_wait3A_183 = arith.constant 0 : i32
      %dma_wait3A_184 = arith.constant 0 : i32
      %dma_wait3A_185 = tpu.memref_slice %arg8[%dma_wait3A_183, %dma_wait3A_184] : memref<80x128xi32, #tpu.memory_space<vmem>> -> memref<1x128xi32, #tpu.memory_space<vmem>>
      %dma_wait3A_186 = tpu.memref_squeeze %dma_wait3A_185 : memref<1x128xi32, #tpu.memory_space<vmem>> -> memref<128xi32, #tpu.memory_space<vmem>>
      %dma_wait3A_187 = arith.constant 0 : i32
      %dma_wait3A_188 = tpu.memref_slice %arg20[%dma_wait3A_187] : memref<10240xf32, #tpu.memory_space<vmem_shared>> -> memref<10240xf32, #tpu.memory_space<vmem_shared>>
      tpu.wait_indirect_dma semaphore(%arg17 : memref<!tpu.dma_semaphore, #tpu.memory_space<semaphore_mem>>) src(%arg18 : memref<128xf32, #tpu.memory_space<vmem>>) dst(%dma_wait3A_188 : memref<10240xf32, #tpu.memory_space<vmem_shared>>)
      %dma_wait3A_189 = arith.constant 0 : i32
      %dma_wait3A_190 = arith.constant 0 : i32
      %dma_wait3A_191 = tpu.memref_slice %arg8[%dma_wait3A_189, %dma_wait3A_190] : memref<80x128xi32, #tpu.memory_space<vmem>> -> memref<1x128xi32, #tpu.memory_space<vmem>>
      %dma_wait3A_192 = tpu.memref_squeeze %dma_wait3A_191 : memref<1x128xi32, #tpu.memory_space<vmem>> -> memref<128xi32, #tpu.memory_space<vmem>>
      %dma_wait3A_193 = arith.constant 0 : i32
      %dma_wait3A_194 = tpu.memref_slice %arg20[%dma_wait3A_193] : memref<10240xf32, #tpu.memory_space<vmem_shared>> -> memref<10240xf32, #tpu.memory_space<vmem_shared>>
      tpu.wait_indirect_dma semaphore(%arg17 : memref<!tpu.dma_semaphore, #tpu.memory_space<semaphore_mem>>) src(%arg18 : memref<128xf32, #tpu.memory_space<vmem>>) dst(%dma_wait3A_194 : memref<10240xf32, #tpu.memory_space<vmem_shared>>)
      %dma_wait3A_195 = arith.constant 0 : i32
      %dma_wait3A_196 = arith.constant 0 : i32
      %dma_wait3A_197 = tpu.memref_slice %arg8[%dma_wait3A_195, %dma_wait3A_196] : memref<80x128xi32, #tpu.memory_space<vmem>> -> memref<1x128xi32, #tpu.memory_space<vmem>>
      %dma_wait3A_198 = tpu.memref_squeeze %dma_wait3A_197 : memref<1x128xi32, #tpu.memory_space<vmem>> -> memref<128xi32, #tpu.memory_space<vmem>>
      %dma_wait3A_199 = arith.constant 0 : i32
      %dma_wait3A_200 = tpu.memref_slice %arg20[%dma_wait3A_199] : memref<10240xf32, #tpu.memory_space<vmem_shared>> -> memref<10240xf32, #tpu.memory_space<vmem_shared>>
      tpu.wait_indirect_dma semaphore(%arg17 : memref<!tpu.dma_semaphore, #tpu.memory_space<semaphore_mem>>) src(%arg18 : memref<128xf32, #tpu.memory_space<vmem>>) dst(%dma_wait3A_200 : memref<10240xf32, #tpu.memory_space<vmem_shared>>)
      %dma_wait3A_201 = arith.constant 0 : i32
      %dma_wait3A_202 = arith.constant 0 : i32
      %dma_wait3A_203 = tpu.memref_slice %arg8[%dma_wait3A_201, %dma_wait3A_202] : memref<80x128xi32, #tpu.memory_space<vmem>> -> memref<1x128xi32, #tpu.memory_space<vmem>>
      %dma_wait3A_204 = tpu.memref_squeeze %dma_wait3A_203 : memref<1x128xi32, #tpu.memory_space<vmem>> -> memref<128xi32, #tpu.memory_space<vmem>>
      %dma_wait3A_205 = arith.constant 0 : i32
      %dma_wait3A_206 = tpu.memref_slice %arg20[%dma_wait3A_205] : memref<10240xf32, #tpu.memory_space<vmem_shared>> -> memref<10240xf32, #tpu.memory_space<vmem_shared>>
      tpu.wait_indirect_dma semaphore(%arg17 : memref<!tpu.dma_semaphore, #tpu.memory_space<semaphore_mem>>) src(%arg18 : memref<128xf32, #tpu.memory_space<vmem>>) dst(%dma_wait3A_206 : memref<10240xf32, #tpu.memory_space<vmem_shared>>)
      %dma_wait3A_207 = arith.constant 0 : i32
      %dma_wait3A_208 = arith.constant 0 : i32
      %dma_wait3A_209 = tpu.memref_slice %arg8[%dma_wait3A_207, %dma_wait3A_208] : memref<80x128xi32, #tpu.memory_space<vmem>> -> memref<1x128xi32, #tpu.memory_space<vmem>>
      %dma_wait3A_210 = tpu.memref_squeeze %dma_wait3A_209 : memref<1x128xi32, #tpu.memory_space<vmem>> -> memref<128xi32, #tpu.memory_space<vmem>>
      %dma_wait3A_211 = arith.constant 0 : i32
      %dma_wait3A_212 = tpu.memref_slice %arg20[%dma_wait3A_211] : memref<10240xf32, #tpu.memory_space<vmem_shared>> -> memref<10240xf32, #tpu.memory_space<vmem_shared>>
      tpu.wait_indirect_dma semaphore(%arg17 : memref<!tpu.dma_semaphore, #tpu.memory_space<semaphore_mem>>) src(%arg18 : memref<128xf32, #tpu.memory_space<vmem>>) dst(%dma_wait3A_212 : memref<10240xf32, #tpu.memory_space<vmem_shared>>)
      %dma_wait3A_213 = arith.constant 0 : i32
      %dma_wait3A_214 = arith.constant 0 : i32
      %dma_wait3A_215 = tpu.memref_slice %arg8[%dma_wait3A_213, %dma_wait3A_214] : memref<80x128xi32, #tpu.memory_space<vmem>> -> memref<1x128xi32, #tpu.memory_space<vmem>>
      %dma_wait3A_216 = tpu.memref_squeeze %dma_wait3A_215 : memref<1x128xi32, #tpu.memory_space<vmem>> -> memref<128xi32, #tpu.memory_space<vmem>>
      %dma_wait3A_217 = arith.constant 0 : i32
      %dma_wait3A_218 = tpu.memref_slice %arg20[%dma_wait3A_217] : memref<10240xf32, #tpu.memory_space<vmem_shared>> -> memref<10240xf32, #tpu.memory_space<vmem_shared>>
      tpu.wait_indirect_dma semaphore(%arg17 : memref<!tpu.dma_semaphore, #tpu.memory_space<semaphore_mem>>) src(%arg18 : memref<128xf32, #tpu.memory_space<vmem>>) dst(%dma_wait3A_218 : memref<10240xf32, #tpu.memory_space<vmem_shared>>)
      %dma_wait3A_219 = arith.constant 0 : i32
      %dma_wait3A_220 = arith.constant 0 : i32
      %dma_wait3A_221 = tpu.memref_slice %arg8[%dma_wait3A_219, %dma_wait3A_220] : memref<80x128xi32, #tpu.memory_space<vmem>> -> memref<1x128xi32, #tpu.memory_space<vmem>>
      %dma_wait3A_222 = tpu.memref_squeeze %dma_wait3A_221 : memref<1x128xi32, #tpu.memory_space<vmem>> -> memref<128xi32, #tpu.memory_space<vmem>>
      %dma_wait3A_223 = arith.constant 0 : i32
      %dma_wait3A_224 = tpu.memref_slice %arg20[%dma_wait3A_223] : memref<10240xf32, #tpu.memory_space<vmem_shared>> -> memref<10240xf32, #tpu.memory_space<vmem_shared>>
      tpu.wait_indirect_dma semaphore(%arg17 : memref<!tpu.dma_semaphore, #tpu.memory_space<semaphore_mem>>) src(%arg18 : memref<128xf32, #tpu.memory_space<vmem>>) dst(%dma_wait3A_224 : memref<10240xf32, #tpu.memory_space<vmem_shared>>)
      %dma_wait3A_225 = arith.constant 0 : i32
      %dma_wait3A_226 = arith.constant 0 : i32
      %dma_wait3A_227 = tpu.memref_slice %arg8[%dma_wait3A_225, %dma_wait3A_226] : memref<80x128xi32, #tpu.memory_space<vmem>> -> memref<1x128xi32, #tpu.memory_space<vmem>>
      %dma_wait3A_228 = tpu.memref_squeeze %dma_wait3A_227 : memref<1x128xi32, #tpu.memory_space<vmem>> -> memref<128xi32, #tpu.memory_space<vmem>>
      %dma_wait3A_229 = arith.constant 0 : i32
      %dma_wait3A_230 = tpu.memref_slice %arg20[%dma_wait3A_229] : memref<10240xf32, #tpu.memory_space<vmem_shared>> -> memref<10240xf32, #tpu.memory_space<vmem_shared>>
      tpu.wait_indirect_dma semaphore(%arg17 : memref<!tpu.dma_semaphore, #tpu.memory_space<semaphore_mem>>) src(%arg18 : memref<128xf32, #tpu.memory_space<vmem>>) dst(%dma_wait3A_230 : memref<10240xf32, #tpu.memory_space<vmem_shared>>)
      %dma_wait3A_231 = arith.constant 0 : i32
      %dma_wait3A_232 = arith.constant 0 : i32
      %dma_wait3A_233 = tpu.memref_slice %arg8[%dma_wait3A_231, %dma_wait3A_232] : memref<80x128xi32, #tpu.memory_space<vmem>> -> memref<1x128xi32, #tpu.memory_space<vmem>>
      %dma_wait3A_234 = tpu.memref_squeeze %dma_wait3A_233 : memref<1x128xi32, #tpu.memory_space<vmem>> -> memref<128xi32, #tpu.memory_space<vmem>>
      %dma_wait3A_235 = arith.constant 0 : i32
      %dma_wait3A_236 = tpu.memref_slice %arg20[%dma_wait3A_235] : memref<10240xf32, #tpu.memory_space<vmem_shared>> -> memref<10240xf32, #tpu.memory_space<vmem_shared>>
      tpu.wait_indirect_dma semaphore(%arg17 : memref<!tpu.dma_semaphore, #tpu.memory_space<semaphore_mem>>) src(%arg18 : memref<128xf32, #tpu.memory_space<vmem>>) dst(%dma_wait3A_236 : memref<10240xf32, #tpu.memory_space<vmem_shared>>)
      %dma_wait3A_237 = arith.constant 0 : i32
      %dma_wait3A_238 = arith.constant 0 : i32
      %dma_wait3A_239 = tpu.memref_slice %arg8[%dma_wait3A_237, %dma_wait3A_238] : memref<80x128xi32, #tpu.memory_space<vmem>> -> memref<1x128xi32, #tpu.memory_space<vmem>>
      %dma_wait3A_240 = tpu.memref_squeeze %dma_wait3A_239 : memref<1x128xi32, #tpu.memory_space<vmem>> -> memref<128xi32, #tpu.memory_space<vmem>>
      %dma_wait3A_241 = arith.constant 0 : i32
      %dma_wait3A_242 = tpu.memref_slice %arg20[%dma_wait3A_241] : memref<10240xf32, #tpu.memory_space<vmem_shared>> -> memref<10240xf32, #tpu.memory_space<vmem_shared>>
      tpu.wait_indirect_dma semaphore(%arg17 : memref<!tpu.dma_semaphore, #tpu.memory_space<semaphore_mem>>) src(%arg18 : memref<128xf32, #tpu.memory_space<vmem>>) dst(%dma_wait3A_242 : memref<10240xf32, #tpu.memory_space<vmem_shared>>)
      %dma_wait3A_243 = arith.constant 0 : i32
      %dma_wait3A_244 = arith.constant 0 : i32
      %dma_wait3A_245 = tpu.memref_slice %arg8[%dma_wait3A_243, %dma_wait3A_244] : memref<80x128xi32, #tpu.memory_space<vmem>> -> memref<1x128xi32, #tpu.memory_space<vmem>>
      %dma_wait3A_246 = tpu.memref_squeeze %dma_wait3A_245 : memref<1x128xi32, #tpu.memory_space<vmem>> -> memref<128xi32, #tpu.memory_space<vmem>>
      %dma_wait3A_247 = arith.constant 0 : i32
      %dma_wait3A_248 = tpu.memref_slice %arg20[%dma_wait3A_247] : memref<10240xf32, #tpu.memory_space<vmem_shared>> -> memref<10240xf32, #tpu.memory_space<vmem_shared>>
      tpu.wait_indirect_dma semaphore(%arg17 : memref<!tpu.dma_semaphore, #tpu.memory_space<semaphore_mem>>) src(%arg18 : memref<128xf32, #tpu.memory_space<vmem>>) dst(%dma_wait3A_248 : memref<10240xf32, #tpu.memory_space<vmem_shared>>)
      %dma_wait3A_249 = arith.constant 0 : i32
      %dma_wait3A_250 = arith.constant 0 : i32
      %dma_wait3A_251 = tpu.memref_slice %arg8[%dma_wait3A_249, %dma_wait3A_250] : memref<80x128xi32, #tpu.memory_space<vmem>> -> memref<1x128xi32, #tpu.memory_space<vmem>>
      %dma_wait3A_252 = tpu.memref_squeeze %dma_wait3A_251 : memref<1x128xi32, #tpu.memory_space<vmem>> -> memref<128xi32, #tpu.memory_space<vmem>>
      %dma_wait3A_253 = arith.constant 0 : i32
      %dma_wait3A_254 = tpu.memref_slice %arg20[%dma_wait3A_253] : memref<10240xf32, #tpu.memory_space<vmem_shared>> -> memref<10240xf32, #tpu.memory_space<vmem_shared>>
      tpu.wait_indirect_dma semaphore(%arg17 : memref<!tpu.dma_semaphore, #tpu.memory_space<semaphore_mem>>) src(%arg18 : memref<128xf32, #tpu.memory_space<vmem>>) dst(%dma_wait3A_254 : memref<10240xf32, #tpu.memory_space<vmem_shared>>)
      %dma_wait3A_255 = arith.constant 0 : i32
      %dma_wait3A_256 = arith.constant 0 : i32
      %dma_wait3A_257 = tpu.memref_slice %arg8[%dma_wait3A_255, %dma_wait3A_256] : memref<80x128xi32, #tpu.memory_space<vmem>> -> memref<1x128xi32, #tpu.memory_space<vmem>>
      %dma_wait3A_258 = tpu.memref_squeeze %dma_wait3A_257 : memref<1x128xi32, #tpu.memory_space<vmem>> -> memref<128xi32, #tpu.memory_space<vmem>>
      %dma_wait3A_259 = arith.constant 0 : i32
      %dma_wait3A_260 = tpu.memref_slice %arg20[%dma_wait3A_259] : memref<10240xf32, #tpu.memory_space<vmem_shared>> -> memref<10240xf32, #tpu.memory_space<vmem_shared>>
      tpu.wait_indirect_dma semaphore(%arg17 : memref<!tpu.dma_semaphore, #tpu.memory_space<semaphore_mem>>) src(%arg18 : memref<128xf32, #tpu.memory_space<vmem>>) dst(%dma_wait3A_260 : memref<10240xf32, #tpu.memory_space<vmem_shared>>)
      %dma_wait3A_261 = arith.constant 0 : i32
      %dma_wait3A_262 = arith.constant 0 : i32
      %dma_wait3A_263 = tpu.memref_slice %arg8[%dma_wait3A_261, %dma_wait3A_262] : memref<80x128xi32, #tpu.memory_space<vmem>> -> memref<1x128xi32, #tpu.memory_space<vmem>>
      %dma_wait3A_264 = tpu.memref_squeeze %dma_wait3A_263 : memref<1x128xi32, #tpu.memory_space<vmem>> -> memref<128xi32, #tpu.memory_space<vmem>>
      %dma_wait3A_265 = arith.constant 0 : i32
      %dma_wait3A_266 = tpu.memref_slice %arg20[%dma_wait3A_265] : memref<10240xf32, #tpu.memory_space<vmem_shared>> -> memref<10240xf32, #tpu.memory_space<vmem_shared>>
      tpu.wait_indirect_dma semaphore(%arg17 : memref<!tpu.dma_semaphore, #tpu.memory_space<semaphore_mem>>) src(%arg18 : memref<128xf32, #tpu.memory_space<vmem>>) dst(%dma_wait3A_266 : memref<10240xf32, #tpu.memory_space<vmem_shared>>)
      %dma_wait3A_267 = arith.constant 0 : i32
      %dma_wait3A_268 = arith.constant 0 : i32
      %dma_wait3A_269 = tpu.memref_slice %arg8[%dma_wait3A_267, %dma_wait3A_268] : memref<80x128xi32, #tpu.memory_space<vmem>> -> memref<1x128xi32, #tpu.memory_space<vmem>>
      %dma_wait3A_270 = tpu.memref_squeeze %dma_wait3A_269 : memref<1x128xi32, #tpu.memory_space<vmem>> -> memref<128xi32, #tpu.memory_space<vmem>>
      %dma_wait3A_271 = arith.constant 0 : i32
      %dma_wait3A_272 = tpu.memref_slice %arg20[%dma_wait3A_271] : memref<10240xf32, #tpu.memory_space<vmem_shared>> -> memref<10240xf32, #tpu.memory_space<vmem_shared>>
      tpu.wait_indirect_dma semaphore(%arg17 : memref<!tpu.dma_semaphore, #tpu.memory_space<semaphore_mem>>) src(%arg18 : memref<128xf32, #tpu.memory_space<vmem>>) dst(%dma_wait3A_272 : memref<10240xf32, #tpu.memory_space<vmem_shared>>)
      %dma_wait3A_273 = arith.constant 0 : i32
      %dma_wait3A_274 = arith.constant 0 : i32
      %dma_wait3A_275 = tpu.memref_slice %arg8[%dma_wait3A_273, %dma_wait3A_274] : memref<80x128xi32, #tpu.memory_space<vmem>> -> memref<1x128xi32, #tpu.memory_space<vmem>>
      %dma_wait3A_276 = tpu.memref_squeeze %dma_wait3A_275 : memref<1x128xi32, #tpu.memory_space<vmem>> -> memref<128xi32, #tpu.memory_space<vmem>>
      %dma_wait3A_277 = arith.constant 0 : i32
      %dma_wait3A_278 = tpu.memref_slice %arg20[%dma_wait3A_277] : memref<10240xf32, #tpu.memory_space<vmem_shared>> -> memref<10240xf32, #tpu.memory_space<vmem_shared>>
      tpu.wait_indirect_dma semaphore(%arg17 : memref<!tpu.dma_semaphore, #tpu.memory_space<semaphore_mem>>) src(%arg18 : memref<128xf32, #tpu.memory_space<vmem>>) dst(%dma_wait3A_278 : memref<10240xf32, #tpu.memory_space<vmem_shared>>)
      %dma_wait3A_279 = arith.constant 0 : i32
      %dma_wait3A_280 = arith.constant 0 : i32
      %dma_wait3A_281 = tpu.memref_slice %arg8[%dma_wait3A_279, %dma_wait3A_280] : memref<80x128xi32, #tpu.memory_space<vmem>> -> memref<1x128xi32, #tpu.memory_space<vmem>>
      %dma_wait3A_282 = tpu.memref_squeeze %dma_wait3A_281 : memref<1x128xi32, #tpu.memory_space<vmem>> -> memref<128xi32, #tpu.memory_space<vmem>>
      %dma_wait3A_283 = arith.constant 0 : i32
      %dma_wait3A_284 = tpu.memref_slice %arg20[%dma_wait3A_283] : memref<10240xf32, #tpu.memory_space<vmem_shared>> -> memref<10240xf32, #tpu.memory_space<vmem_shared>>
      tpu.wait_indirect_dma semaphore(%arg17 : memref<!tpu.dma_semaphore, #tpu.memory_space<semaphore_mem>>) src(%arg18 : memref<128xf32, #tpu.memory_space<vmem>>) dst(%dma_wait3A_284 : memref<10240xf32, #tpu.memory_space<vmem_shared>>)
      %dma_wait3A_285 = arith.constant 0 : i32
      %dma_wait3A_286 = arith.constant 0 : i32
      %dma_wait3A_287 = tpu.memref_slice %arg8[%dma_wait3A_285, %dma_wait3A_286] : memref<80x128xi32, #tpu.memory_space<vmem>> -> memref<1x128xi32, #tpu.memory_space<vmem>>
      %dma_wait3A_288 = tpu.memref_squeeze %dma_wait3A_287 : memref<1x128xi32, #tpu.memory_space<vmem>> -> memref<128xi32, #tpu.memory_space<vmem>>
      %dma_wait3A_289 = arith.constant 0 : i32
      %dma_wait3A_290 = tpu.memref_slice %arg20[%dma_wait3A_289] : memref<10240xf32, #tpu.memory_space<vmem_shared>> -> memref<10240xf32, #tpu.memory_space<vmem_shared>>
      tpu.wait_indirect_dma semaphore(%arg17 : memref<!tpu.dma_semaphore, #tpu.memory_space<semaphore_mem>>) src(%arg18 : memref<128xf32, #tpu.memory_space<vmem>>) dst(%dma_wait3A_290 : memref<10240xf32, #tpu.memory_space<vmem_shared>>)
      %dma_wait3A_291 = arith.constant 0 : i32
      %dma_wait3A_292 = arith.constant 0 : i32
      %dma_wait3A_293 = tpu.memref_slice %arg8[%dma_wait3A_291, %dma_wait3A_292] : memref<80x128xi32, #tpu.memory_space<vmem>> -> memref<1x128xi32, #tpu.memory_space<vmem>>
      %dma_wait3A_294 = tpu.memref_squeeze %dma_wait3A_293 : memref<1x128xi32, #tpu.memory_space<vmem>> -> memref<128xi32, #tpu.memory_space<vmem>>
      %dma_wait3A_295 = arith.constant 0 : i32
      %dma_wait3A_296 = tpu.memref_slice %arg20[%dma_wait3A_295] : memref<10240xf32, #tpu.memory_space<vmem_shared>> -> memref<10240xf32, #tpu.memory_space<vmem_shared>>
      tpu.wait_indirect_dma semaphore(%arg17 : memref<!tpu.dma_semaphore, #tpu.memory_space<semaphore_mem>>) src(%arg18 : memref<128xf32, #tpu.memory_space<vmem>>) dst(%dma_wait3A_296 : memref<10240xf32, #tpu.memory_space<vmem_shared>>)
      %dma_wait3A_297 = arith.constant 0 : i32
      %dma_wait3A_298 = arith.constant 0 : i32
      %dma_wait3A_299 = tpu.memref_slice %arg8[%dma_wait3A_297, %dma_wait3A_298] : memref<80x128xi32, #tpu.memory_space<vmem>> -> memref<1x128xi32, #tpu.memory_space<vmem>>
      %dma_wait3A_300 = tpu.memref_squeeze %dma_wait3A_299 : memref<1x128xi32, #tpu.memory_space<vmem>> -> memref<128xi32, #tpu.memory_space<vmem>>
      %dma_wait3A_301 = arith.constant 0 : i32
      %dma_wait3A_302 = tpu.memref_slice %arg20[%dma_wait3A_301] : memref<10240xf32, #tpu.memory_space<vmem_shared>> -> memref<10240xf32, #tpu.memory_space<vmem_shared>>
      tpu.wait_indirect_dma semaphore(%arg17 : memref<!tpu.dma_semaphore, #tpu.memory_space<semaphore_mem>>) src(%arg18 : memref<128xf32, #tpu.memory_space<vmem>>) dst(%dma_wait3A_302 : memref<10240xf32, #tpu.memory_space<vmem_shared>>)
      %dma_wait3A_303 = arith.constant 0 : i32
      %dma_wait3A_304 = arith.constant 0 : i32
      %dma_wait3A_305 = tpu.memref_slice %arg8[%dma_wait3A_303, %dma_wait3A_304] : memref<80x128xi32, #tpu.memory_space<vmem>> -> memref<1x128xi32, #tpu.memory_space<vmem>>
      %dma_wait3A_306 = tpu.memref_squeeze %dma_wait3A_305 : memref<1x128xi32, #tpu.memory_space<vmem>> -> memref<128xi32, #tpu.memory_space<vmem>>
      %dma_wait3A_307 = arith.constant 0 : i32
      %dma_wait3A_308 = tpu.memref_slice %arg20[%dma_wait3A_307] : memref<10240xf32, #tpu.memory_space<vmem_shared>> -> memref<10240xf32, #tpu.memory_space<vmem_shared>>
      tpu.wait_indirect_dma semaphore(%arg17 : memref<!tpu.dma_semaphore, #tpu.memory_space<semaphore_mem>>) src(%arg18 : memref<128xf32, #tpu.memory_space<vmem>>) dst(%dma_wait3A_308 : memref<10240xf32, #tpu.memory_space<vmem_shared>>)
      %dma_wait3A_309 = arith.constant 0 : i32
      %dma_wait3A_310 = arith.constant 0 : i32
      %dma_wait3A_311 = tpu.memref_slice %arg8[%dma_wait3A_309, %dma_wait3A_310] : memref<80x128xi32, #tpu.memory_space<vmem>> -> memref<1x128xi32, #tpu.memory_space<vmem>>
      %dma_wait3A_312 = tpu.memref_squeeze %dma_wait3A_311 : memref<1x128xi32, #tpu.memory_space<vmem>> -> memref<128xi32, #tpu.memory_space<vmem>>
      %dma_wait3A_313 = arith.constant 0 : i32
      %dma_wait3A_314 = tpu.memref_slice %arg20[%dma_wait3A_313] : memref<10240xf32, #tpu.memory_space<vmem_shared>> -> memref<10240xf32, #tpu.memory_space<vmem_shared>>
      tpu.wait_indirect_dma semaphore(%arg17 : memref<!tpu.dma_semaphore, #tpu.memory_space<semaphore_mem>>) src(%arg18 : memref<128xf32, #tpu.memory_space<vmem>>) dst(%dma_wait3A_314 : memref<10240xf32, #tpu.memory_space<vmem_shared>>)
      %dma_wait3A_315 = arith.constant 0 : i32
      %dma_wait3A_316 = arith.constant 0 : i32
      %dma_wait3A_317 = tpu.memref_slice %arg8[%dma_wait3A_315, %dma_wait3A_316] : memref<80x128xi32, #tpu.memory_space<vmem>> -> memref<1x128xi32, #tpu.memory_space<vmem>>
      %dma_wait3A_318 = tpu.memref_squeeze %dma_wait3A_317 : memref<1x128xi32, #tpu.memory_space<vmem>> -> memref<128xi32, #tpu.memory_space<vmem>>
      %dma_wait3A_319 = arith.constant 0 : i32
      %dma_wait3A_320 = tpu.memref_slice %arg20[%dma_wait3A_319] : memref<10240xf32, #tpu.memory_space<vmem_shared>> -> memref<10240xf32, #tpu.memory_space<vmem_shared>>
      tpu.wait_indirect_dma semaphore(%arg17 : memref<!tpu.dma_semaphore, #tpu.memory_space<semaphore_mem>>) src(%arg18 : memref<128xf32, #tpu.memory_space<vmem>>) dst(%dma_wait3A_320 : memref<10240xf32, #tpu.memory_space<vmem_shared>>)
      %dma_wait3A_321 = arith.constant 0 : i32
      %dma_wait3A_322 = arith.constant 0 : i32
      %dma_wait3A_323 = tpu.memref_slice %arg8[%dma_wait3A_321, %dma_wait3A_322] : memref<80x128xi32, #tpu.memory_space<vmem>> -> memref<1x128xi32, #tpu.memory_space<vmem>>
      %dma_wait3A_324 = tpu.memref_squeeze %dma_wait3A_323 : memref<1x128xi32, #tpu.memory_space<vmem>> -> memref<128xi32, #tpu.memory_space<vmem>>
      %dma_wait3A_325 = arith.constant 0 : i32
      %dma_wait3A_326 = tpu.memref_slice %arg20[%dma_wait3A_325] : memref<10240xf32, #tpu.memory_space<vmem_shared>> -> memref<10240xf32, #tpu.memory_space<vmem_shared>>
      tpu.wait_indirect_dma semaphore(%arg17 : memref<!tpu.dma_semaphore, #tpu.memory_space<semaphore_mem>>) src(%arg18 : memref<128xf32, #tpu.memory_space<vmem>>) dst(%dma_wait3A_326 : memref<10240xf32, #tpu.memory_space<vmem_shared>>)
      %dma_wait3A_327 = arith.constant 0 : i32
      %dma_wait3A_328 = arith.constant 0 : i32
      %dma_wait3A_329 = tpu.memref_slice %arg8[%dma_wait3A_327, %dma_wait3A_328] : memref<80x128xi32, #tpu.memory_space<vmem>> -> memref<1x128xi32, #tpu.memory_space<vmem>>
      %dma_wait3A_330 = tpu.memref_squeeze %dma_wait3A_329 : memref<1x128xi32, #tpu.memory_space<vmem>> -> memref<128xi32, #tpu.memory_space<vmem>>
      %dma_wait3A_331 = arith.constant 0 : i32
      %dma_wait3A_332 = tpu.memref_slice %arg20[%dma_wait3A_331] : memref<10240xf32, #tpu.memory_space<vmem_shared>> -> memref<10240xf32, #tpu.memory_space<vmem_shared>>
      tpu.wait_indirect_dma semaphore(%arg17 : memref<!tpu.dma_semaphore, #tpu.memory_space<semaphore_mem>>) src(%arg18 : memref<128xf32, #tpu.memory_space<vmem>>) dst(%dma_wait3A_332 : memref<10240xf32, #tpu.memory_space<vmem_shared>>)
      %dma_wait3A_333 = arith.constant 0 : i32
      %dma_wait3A_334 = arith.constant 0 : i32
      %dma_wait3A_335 = tpu.memref_slice %arg8[%dma_wait3A_333, %dma_wait3A_334] : memref<80x128xi32, #tpu.memory_space<vmem>> -> memref<1x128xi32, #tpu.memory_space<vmem>>
      %dma_wait3A_336 = tpu.memref_squeeze %dma_wait3A_335 : memref<1x128xi32, #tpu.memory_space<vmem>> -> memref<128xi32, #tpu.memory_space<vmem>>
      %dma_wait3A_337 = arith.constant 0 : i32
      %dma_wait3A_338 = tpu.memref_slice %arg20[%dma_wait3A_337] : memref<10240xf32, #tpu.memory_space<vmem_shared>> -> memref<10240xf32, #tpu.memory_space<vmem_shared>>
      tpu.wait_indirect_dma semaphore(%arg17 : memref<!tpu.dma_semaphore, #tpu.memory_space<semaphore_mem>>) src(%arg18 : memref<128xf32, #tpu.memory_space<vmem>>) dst(%dma_wait3A_338 : memref<10240xf32, #tpu.memory_space<vmem_shared>>)
      %dma_wait3A_339 = arith.constant 0 : i32
      %dma_wait3A_340 = arith.constant 0 : i32
      %dma_wait3A_341 = tpu.memref_slice %arg8[%dma_wait3A_339, %dma_wait3A_340] : memref<80x128xi32, #tpu.memory_space<vmem>> -> memref<1x128xi32, #tpu.memory_space<vmem>>
      %dma_wait3A_342 = tpu.memref_squeeze %dma_wait3A_341 : memref<1x128xi32, #tpu.memory_space<vmem>> -> memref<128xi32, #tpu.memory_space<vmem>>
      %dma_wait3A_343 = arith.constant 0 : i32
      %dma_wait3A_344 = tpu.memref_slice %arg20[%dma_wait3A_343] : memref<10240xf32, #tpu.memory_space<vmem_shared>> -> memref<10240xf32, #tpu.memory_space<vmem_shared>>
      tpu.wait_indirect_dma semaphore(%arg17 : memref<!tpu.dma_semaphore, #tpu.memory_space<semaphore_mem>>) src(%arg18 : memref<128xf32, #tpu.memory_space<vmem>>) dst(%dma_wait3A_344 : memref<10240xf32, #tpu.memory_space<vmem_shared>>)
      %dma_wait3A_345 = arith.constant 0 : i32
      %dma_wait3A_346 = arith.constant 0 : i32
      %dma_wait3A_347 = tpu.memref_slice %arg8[%dma_wait3A_345, %dma_wait3A_346] : memref<80x128xi32, #tpu.memory_space<vmem>> -> memref<1x128xi32, #tpu.memory_space<vmem>>
      %dma_wait3A_348 = tpu.memref_squeeze %dma_wait3A_347 : memref<1x128xi32, #tpu.memory_space<vmem>> -> memref<128xi32, #tpu.memory_space<vmem>>
      %dma_wait3A_349 = arith.constant 0 : i32
      %dma_wait3A_350 = tpu.memref_slice %arg20[%dma_wait3A_349] : memref<10240xf32, #tpu.memory_space<vmem_shared>> -> memref<10240xf32, #tpu.memory_space<vmem_shared>>
      tpu.wait_indirect_dma semaphore(%arg17 : memref<!tpu.dma_semaphore, #tpu.memory_space<semaphore_mem>>) src(%arg18 : memref<128xf32, #tpu.memory_space<vmem>>) dst(%dma_wait3A_350 : memref<10240xf32, #tpu.memory_space<vmem_shared>>)
      %dma_wait3A_351 = arith.constant 0 : i32
      %dma_wait3A_352 = arith.constant 0 : i32
      %dma_wait3A_353 = tpu.memref_slice %arg8[%dma_wait3A_351, %dma_wait3A_352] : memref<80x128xi32, #tpu.memory_space<vmem>> -> memref<1x128xi32, #tpu.memory_space<vmem>>
      %dma_wait3A_354 = tpu.memref_squeeze %dma_wait3A_353 : memref<1x128xi32, #tpu.memory_space<vmem>> -> memref<128xi32, #tpu.memory_space<vmem>>
      %dma_wait3A_355 = arith.constant 0 : i32
      %dma_wait3A_356 = tpu.memref_slice %arg20[%dma_wait3A_355] : memref<10240xf32, #tpu.memory_space<vmem_shared>> -> memref<10240xf32, #tpu.memory_space<vmem_shared>>
      tpu.wait_indirect_dma semaphore(%arg17 : memref<!tpu.dma_semaphore, #tpu.memory_space<semaphore_mem>>) src(%arg18 : memref<128xf32, #tpu.memory_space<vmem>>) dst(%dma_wait3A_356 : memref<10240xf32, #tpu.memory_space<vmem_shared>>)
      %dma_wait3A_357 = arith.constant 0 : i32
      %dma_wait3A_358 = arith.constant 0 : i32
      %dma_wait3A_359 = tpu.memref_slice %arg8[%dma_wait3A_357, %dma_wait3A_358] : memref<80x128xi32, #tpu.memory_space<vmem>> -> memref<1x128xi32, #tpu.memory_space<vmem>>
      %dma_wait3A_360 = tpu.memref_squeeze %dma_wait3A_359 : memref<1x128xi32, #tpu.memory_space<vmem>> -> memref<128xi32, #tpu.memory_space<vmem>>
      %dma_wait3A_361 = arith.constant 0 : i32
      %dma_wait3A_362 = tpu.memref_slice %arg20[%dma_wait3A_361] : memref<10240xf32, #tpu.memory_space<vmem_shared>> -> memref<10240xf32, #tpu.memory_space<vmem_shared>>
      tpu.wait_indirect_dma semaphore(%arg17 : memref<!tpu.dma_semaphore, #tpu.memory_space<semaphore_mem>>) src(%arg18 : memref<128xf32, #tpu.memory_space<vmem>>) dst(%dma_wait3A_362 : memref<10240xf32, #tpu.memory_space<vmem_shared>>)
      %dma_wait3A_363 = arith.constant 0 : i32
      %dma_wait3A_364 = arith.constant 0 : i32
      %dma_wait3A_365 = tpu.memref_slice %arg8[%dma_wait3A_363, %dma_wait3A_364] : memref<80x128xi32, #tpu.memory_space<vmem>> -> memref<1x128xi32, #tpu.memory_space<vmem>>
      %dma_wait3A_366 = tpu.memref_squeeze %dma_wait3A_365 : memref<1x128xi32, #tpu.memory_space<vmem>> -> memref<128xi32, #tpu.memory_space<vmem>>
      %dma_wait3A_367 = arith.constant 0 : i32
      %dma_wait3A_368 = tpu.memref_slice %arg20[%dma_wait3A_367] : memref<10240xf32, #tpu.memory_space<vmem_shared>> -> memref<10240xf32, #tpu.memory_space<vmem_shared>>
      tpu.wait_indirect_dma semaphore(%arg17 : memref<!tpu.dma_semaphore, #tpu.memory_space<semaphore_mem>>) src(%arg18 : memref<128xf32, #tpu.memory_space<vmem>>) dst(%dma_wait3A_368 : memref<10240xf32, #tpu.memory_space<vmem_shared>>)
      %dma_wait3A_369 = arith.constant 0 : i32
      %dma_wait3A_370 = arith.constant 0 : i32
      %dma_wait3A_371 = tpu.memref_slice %arg8[%dma_wait3A_369, %dma_wait3A_370] : memref<80x128xi32, #tpu.memory_space<vmem>> -> memref<1x128xi32, #tpu.memory_space<vmem>>
      %dma_wait3A_372 = tpu.memref_squeeze %dma_wait3A_371 : memref<1x128xi32, #tpu.memory_space<vmem>> -> memref<128xi32, #tpu.memory_space<vmem>>
      %dma_wait3A_373 = arith.constant 0 : i32
      %dma_wait3A_374 = tpu.memref_slice %arg20[%dma_wait3A_373] : memref<10240xf32, #tpu.memory_space<vmem_shared>> -> memref<10240xf32, #tpu.memory_space<vmem_shared>>
      tpu.wait_indirect_dma semaphore(%arg17 : memref<!tpu.dma_semaphore, #tpu.memory_space<semaphore_mem>>) src(%arg18 : memref<128xf32, #tpu.memory_space<vmem>>) dst(%dma_wait3A_374 : memref<10240xf32, #tpu.memory_space<vmem_shared>>)
      %dma_wait3A_375 = arith.constant 0 : i32
      %dma_wait3A_376 = arith.constant 0 : i32
      %dma_wait3A_377 = tpu.memref_slice %arg8[%dma_wait3A_375, %dma_wait3A_376] : memref<80x128xi32, #tpu.memory_space<vmem>> -> memref<1x128xi32, #tpu.memory_space<vmem>>
      %dma_wait3A_378 = tpu.memref_squeeze %dma_wait3A_377 : memref<1x128xi32, #tpu.memory_space<vmem>> -> memref<128xi32, #tpu.memory_space<vmem>>
      %dma_wait3A_379 = arith.constant 0 : i32
      %dma_wait3A_380 = tpu.memref_slice %arg20[%dma_wait3A_379] : memref<10240xf32, #tpu.memory_space<vmem_shared>> -> memref<10240xf32, #tpu.memory_space<vmem_shared>>
      tpu.wait_indirect_dma semaphore(%arg17 : memref<!tpu.dma_semaphore, #tpu.memory_space<semaphore_mem>>) src(%arg18 : memref<128xf32, #tpu.memory_space<vmem>>) dst(%dma_wait3A_380 : memref<10240xf32, #tpu.memory_space<vmem_shared>>)
      %dma_wait3A_381 = arith.constant 0 : i32
      %dma_wait3A_382 = arith.constant 0 : i32
      %dma_wait3A_383 = tpu.memref_slice %arg8[%dma_wait3A_381, %dma_wait3A_382] : memref<80x128xi32, #tpu.memory_space<vmem>> -> memref<1x128xi32, #tpu.memory_space<vmem>>
      %dma_wait3A_384 = tpu.memref_squeeze %dma_wait3A_383 : memref<1x128xi32, #tpu.memory_space<vmem>> -> memref<128xi32, #tpu.memory_space<vmem>>
      %dma_wait3A_385 = arith.constant 0 : i32
      %dma_wait3A_386 = tpu.memref_slice %arg20[%dma_wait3A_385] : memref<10240xf32, #tpu.memory_space<vmem_shared>> -> memref<10240xf32, #tpu.memory_space<vmem_shared>>
      tpu.wait_indirect_dma semaphore(%arg17 : memref<!tpu.dma_semaphore, #tpu.memory_space<semaphore_mem>>) src(%arg18 : memref<128xf32, #tpu.memory_space<vmem>>) dst(%dma_wait3A_386 : memref<10240xf32, #tpu.memory_space<vmem_shared>>)
      %dma_wait3A_387 = arith.constant 0 : i32
      %dma_wait3A_388 = arith.constant 0 : i32
      %dma_wait3A_389 = tpu.memref_slice %arg8[%dma_wait3A_387, %dma_wait3A_388] : memref<80x128xi32, #tpu.memory_space<vmem>> -> memref<1x128xi32, #tpu.memory_space<vmem>>
      %dma_wait3A_390 = tpu.memref_squeeze %dma_wait3A_389 : memref<1x128xi32, #tpu.memory_space<vmem>> -> memref<128xi32, #tpu.memory_space<vmem>>
      %dma_wait3A_391 = arith.constant 0 : i32
      %dma_wait3A_392 = tpu.memref_slice %arg20[%dma_wait3A_391] : memref<10240xf32, #tpu.memory_space<vmem_shared>> -> memref<10240xf32, #tpu.memory_space<vmem_shared>>
      tpu.wait_indirect_dma semaphore(%arg17 : memref<!tpu.dma_semaphore, #tpu.memory_space<semaphore_mem>>) src(%arg18 : memref<128xf32, #tpu.memory_space<vmem>>) dst(%dma_wait3A_392 : memref<10240xf32, #tpu.memory_space<vmem_shared>>)
      %dma_wait3A_393 = arith.constant 0 : i32
      %dma_wait3A_394 = arith.constant 0 : i32
      %dma_wait3A_395 = tpu.memref_slice %arg8[%dma_wait3A_393, %dma_wait3A_394] : memref<80x128xi32, #tpu.memory_space<vmem>> -> memref<1x128xi32, #tpu.memory_space<vmem>>
      %dma_wait3A_396 = tpu.memref_squeeze %dma_wait3A_395 : memref<1x128xi32, #tpu.memory_space<vmem>> -> memref<128xi32, #tpu.memory_space<vmem>>
      %dma_wait3A_397 = arith.constant 0 : i32
      %dma_wait3A_398 = tpu.memref_slice %arg20[%dma_wait3A_397] : memref<10240xf32, #tpu.memory_space<vmem_shared>> -> memref<10240xf32, #tpu.memory_space<vmem_shared>>
      tpu.wait_indirect_dma semaphore(%arg17 : memref<!tpu.dma_semaphore, #tpu.memory_space<semaphore_mem>>) src(%arg18 : memref<128xf32, #tpu.memory_space<vmem>>) dst(%dma_wait3A_398 : memref<10240xf32, #tpu.memory_space<vmem_shared>>)
      %dma_wait3A_399 = arith.constant 0 : i32
      %dma_wait3A_400 = arith.constant 0 : i32
      %dma_wait3A_401 = tpu.memref_slice %arg8[%dma_wait3A_399, %dma_wait3A_400] : memref<80x128xi32, #tpu.memory_space<vmem>> -> memref<1x128xi32, #tpu.memory_space<vmem>>
      %dma_wait3A_402 = tpu.memref_squeeze %dma_wait3A_401 : memref<1x128xi32, #tpu.memory_space<vmem>> -> memref<128xi32, #tpu.memory_space<vmem>>
      %dma_wait3A_403 = arith.constant 0 : i32
      %dma_wait3A_404 = tpu.memref_slice %arg20[%dma_wait3A_403] : memref<10240xf32, #tpu.memory_space<vmem_shared>> -> memref<10240xf32, #tpu.memory_space<vmem_shared>>
      tpu.wait_indirect_dma semaphore(%arg17 : memref<!tpu.dma_semaphore, #tpu.memory_space<semaphore_mem>>) src(%arg18 : memref<128xf32, #tpu.memory_space<vmem>>) dst(%dma_wait3A_404 : memref<10240xf32, #tpu.memory_space<vmem_shared>>)
      %dma_wait3A_405 = arith.constant 0 : i32
      %dma_wait3A_406 = arith.constant 0 : i32
      %dma_wait3A_407 = tpu.memref_slice %arg8[%dma_wait3A_405, %dma_wait3A_406] : memref<80x128xi32, #tpu.memory_space<vmem>> -> memref<1x128xi32, #tpu.memory_space<vmem>>
      %dma_wait3A_408 = tpu.memref_squeeze %dma_wait3A_407 : memref<1x128xi32, #tpu.memory_space<vmem>> -> memref<128xi32, #tpu.memory_space<vmem>>
      %dma_wait3A_409 = arith.constant 0 : i32
      %dma_wait3A_410 = tpu.memref_slice %arg20[%dma_wait3A_409] : memref<10240xf32, #tpu.memory_space<vmem_shared>> -> memref<10240xf32, #tpu.memory_space<vmem_shared>>
      tpu.wait_indirect_dma semaphore(%arg17 : memref<!tpu.dma_semaphore, #tpu.memory_space<semaphore_mem>>) src(%arg18 : memref<128xf32, #tpu.memory_space<vmem>>) dst(%dma_wait3A_410 : memref<10240xf32, #tpu.memory_space<vmem_shared>>)
      %dma_wait3A_411 = arith.constant 0 : i32
      %dma_wait3A_412 = arith.constant 0 : i32
      %dma_wait3A_413 = tpu.memref_slice %arg8[%dma_wait3A_411, %dma_wait3A_412] : memref<80x128xi32, #tpu.memory_space<vmem>> -> memref<1x128xi32, #tpu.memory_space<vmem>>
      %dma_wait3A_414 = tpu.memref_squeeze %dma_wait3A_413 : memref<1x128xi32, #tpu.memory_space<vmem>> -> memref<128xi32, #tpu.memory_space<vmem>>
      %dma_wait3A_415 = arith.constant 0 : i32
      %dma_wait3A_416 = tpu.memref_slice %arg20[%dma_wait3A_415] : memref<10240xf32, #tpu.memory_space<vmem_shared>> -> memref<10240xf32, #tpu.memory_space<vmem_shared>>
      tpu.wait_indirect_dma semaphore(%arg17 : memref<!tpu.dma_semaphore, #tpu.memory_space<semaphore_mem>>) src(%arg18 : memref<128xf32, #tpu.memory_space<vmem>>) dst(%dma_wait3A_416 : memref<10240xf32, #tpu.memory_space<vmem_shared>>)
      %dma_wait3A_417 = arith.constant 0 : i32
      %dma_wait3A_418 = arith.constant 0 : i32
      %dma_wait3A_419 = tpu.memref_slice %arg8[%dma_wait3A_417, %dma_wait3A_418] : memref<80x128xi32, #tpu.memory_space<vmem>> -> memref<1x128xi32, #tpu.memory_space<vmem>>
      %dma_wait3A_420 = tpu.memref_squeeze %dma_wait3A_419 : memref<1x128xi32, #tpu.memory_space<vmem>> -> memref<128xi32, #tpu.memory_space<vmem>>
      %dma_wait3A_421 = arith.constant 0 : i32
      %dma_wait3A_422 = tpu.memref_slice %arg20[%dma_wait3A_421] : memref<10240xf32, #tpu.memory_space<vmem_shared>> -> memref<10240xf32, #tpu.memory_space<vmem_shared>>
      tpu.wait_indirect_dma semaphore(%arg17 : memref<!tpu.dma_semaphore, #tpu.memory_space<semaphore_mem>>) src(%arg18 : memref<128xf32, #tpu.memory_space<vmem>>) dst(%dma_wait3A_422 : memref<10240xf32, #tpu.memory_space<vmem_shared>>)
      %dma_wait3A_423 = arith.constant 0 : i32
      %dma_wait3A_424 = arith.constant 0 : i32
      %dma_wait3A_425 = tpu.memref_slice %arg8[%dma_wait3A_423, %dma_wait3A_424] : memref<80x128xi32, #tpu.memory_space<vmem>> -> memref<1x128xi32, #tpu.memory_space<vmem>>
      %dma_wait3A_426 = tpu.memref_squeeze %dma_wait3A_425 : memref<1x128xi32, #tpu.memory_space<vmem>> -> memref<128xi32, #tpu.memory_space<vmem>>
      %dma_wait3A_427 = arith.constant 0 : i32
      %dma_wait3A_428 = tpu.memref_slice %arg20[%dma_wait3A_427] : memref<10240xf32, #tpu.memory_space<vmem_shared>> -> memref<10240xf32, #tpu.memory_space<vmem_shared>>
      tpu.wait_indirect_dma semaphore(%arg17 : memref<!tpu.dma_semaphore, #tpu.memory_space<semaphore_mem>>) src(%arg18 : memref<128xf32, #tpu.memory_space<vmem>>) dst(%dma_wait3A_428 : memref<10240xf32, #tpu.memory_space<vmem_shared>>)
      %dma_wait3A_429 = arith.constant 0 : i32
      %dma_wait3A_430 = arith.constant 0 : i32
      %dma_wait3A_431 = tpu.memref_slice %arg8[%dma_wait3A_429, %dma_wait3A_430] : memref<80x128xi32, #tpu.memory_space<vmem>> -> memref<1x128xi32, #tpu.memory_space<vmem>>
      %dma_wait3A_432 = tpu.memref_squeeze %dma_wait3A_431 : memref<1x128xi32, #tpu.memory_space<vmem>> -> memref<128xi32, #tpu.memory_space<vmem>>
      %dma_wait3A_433 = arith.constant 0 : i32
      %dma_wait3A_434 = tpu.memref_slice %arg20[%dma_wait3A_433] : memref<10240xf32, #tpu.memory_space<vmem_shared>> -> memref<10240xf32, #tpu.memory_space<vmem_shared>>
      tpu.wait_indirect_dma semaphore(%arg17 : memref<!tpu.dma_semaphore, #tpu.memory_space<semaphore_mem>>) src(%arg18 : memref<128xf32, #tpu.memory_space<vmem>>) dst(%dma_wait3A_434 : memref<10240xf32, #tpu.memory_space<vmem_shared>>)
      %dma_wait3A_435 = arith.constant 0 : i32
      %dma_wait3A_436 = arith.constant 0 : i32
      %dma_wait3A_437 = tpu.memref_slice %arg8[%dma_wait3A_435, %dma_wait3A_436] : memref<80x128xi32, #tpu.memory_space<vmem>> -> memref<1x128xi32, #tpu.memory_space<vmem>>
      %dma_wait3A_438 = tpu.memref_squeeze %dma_wait3A_437 : memref<1x128xi32, #tpu.memory_space<vmem>> -> memref<128xi32, #tpu.memory_space<vmem>>
      %dma_wait3A_439 = arith.constant 0 : i32
      %dma_wait3A_440 = tpu.memref_slice %arg20[%dma_wait3A_439] : memref<10240xf32, #tpu.memory_space<vmem_shared>> -> memref<10240xf32, #tpu.memory_space<vmem_shared>>
      tpu.wait_indirect_dma semaphore(%arg17 : memref<!tpu.dma_semaphore, #tpu.memory_space<semaphore_mem>>) src(%arg18 : memref<128xf32, #tpu.memory_space<vmem>>) dst(%dma_wait3A_440 : memref<10240xf32, #tpu.memory_space<vmem_shared>>)
      %dma_wait3A_441 = arith.constant 0 : i32
      %dma_wait3A_442 = arith.constant 0 : i32
      %dma_wait3A_443 = tpu.memref_slice %arg8[%dma_wait3A_441, %dma_wait3A_442] : memref<80x128xi32, #tpu.memory_space<vmem>> -> memref<1x128xi32, #tpu.memory_space<vmem>>
      %dma_wait3A_444 = tpu.memref_squeeze %dma_wait3A_443 : memref<1x128xi32, #tpu.memory_space<vmem>> -> memref<128xi32, #tpu.memory_space<vmem>>
      %dma_wait3A_445 = arith.constant 0 : i32
      %dma_wait3A_446 = tpu.memref_slice %arg20[%dma_wait3A_445] : memref<10240xf32, #tpu.memory_space<vmem_shared>> -> memref<10240xf32, #tpu.memory_space<vmem_shared>>
      tpu.wait_indirect_dma semaphore(%arg17 : memref<!tpu.dma_semaphore, #tpu.memory_space<semaphore_mem>>) src(%arg18 : memref<128xf32, #tpu.memory_space<vmem>>) dst(%dma_wait3A_446 : memref<10240xf32, #tpu.memory_space<vmem_shared>>)
      %dma_wait3A_447 = arith.constant 0 : i32
      %dma_wait3A_448 = arith.constant 0 : i32
      %dma_wait3A_449 = tpu.memref_slice %arg8[%dma_wait3A_447, %dma_wait3A_448] : memref<80x128xi32, #tpu.memory_space<vmem>> -> memref<1x128xi32, #tpu.memory_space<vmem>>
      %dma_wait3A_450 = tpu.memref_squeeze %dma_wait3A_449 : memref<1x128xi32, #tpu.memory_space<vmem>> -> memref<128xi32, #tpu.memory_space<vmem>>
      %dma_wait3A_451 = arith.constant 0 : i32
      %dma_wait3A_452 = tpu.memref_slice %arg20[%dma_wait3A_451] : memref<10240xf32, #tpu.memory_space<vmem_shared>> -> memref<10240xf32, #tpu.memory_space<vmem_shared>>
      tpu.wait_indirect_dma semaphore(%arg17 : memref<!tpu.dma_semaphore, #tpu.memory_space<semaphore_mem>>) src(%arg18 : memref<128xf32, #tpu.memory_space<vmem>>) dst(%dma_wait3A_452 : memref<10240xf32, #tpu.memory_space<vmem_shared>>)
      %dma_wait3A_453 = arith.constant 0 : i32
      %dma_wait3A_454 = arith.constant 0 : i32
      %dma_wait3A_455 = tpu.memref_slice %arg8[%dma_wait3A_453, %dma_wait3A_454] : memref<80x128xi32, #tpu.memory_space<vmem>> -> memref<1x128xi32, #tpu.memory_space<vmem>>
      %dma_wait3A_456 = tpu.memref_squeeze %dma_wait3A_455 : memref<1x128xi32, #tpu.memory_space<vmem>> -> memref<128xi32, #tpu.memory_space<vmem>>
      %dma_wait3A_457 = arith.constant 0 : i32
      %dma_wait3A_458 = tpu.memref_slice %arg20[%dma_wait3A_457] : memref<10240xf32, #tpu.memory_space<vmem_shared>> -> memref<10240xf32, #tpu.memory_space<vmem_shared>>
      tpu.wait_indirect_dma semaphore(%arg17 : memref<!tpu.dma_semaphore, #tpu.memory_space<semaphore_mem>>) src(%arg18 : memref<128xf32, #tpu.memory_space<vmem>>) dst(%dma_wait3A_458 : memref<10240xf32, #tpu.memory_space<vmem_shared>>)
      %dma_wait3A_459 = arith.constant 0 : i32
      %dma_wait3A_460 = arith.constant 0 : i32
      %dma_wait3A_461 = tpu.memref_slice %arg8[%dma_wait3A_459, %dma_wait3A_460] : memref<80x128xi32, #tpu.memory_space<vmem>> -> memref<1x128xi32, #tpu.memory_space<vmem>>
      %dma_wait3A_462 = tpu.memref_squeeze %dma_wait3A_461 : memref<1x128xi32, #tpu.memory_space<vmem>> -> memref<128xi32, #tpu.memory_space<vmem>>
      %dma_wait3A_463 = arith.constant 0 : i32
      %dma_wait3A_464 = tpu.memref_slice %arg20[%dma_wait3A_463] : memref<10240xf32, #tpu.memory_space<vmem_shared>> -> memref<10240xf32, #tpu.memory_space<vmem_shared>>
      tpu.wait_indirect_dma semaphore(%arg17 : memref<!tpu.dma_semaphore, #tpu.memory_space<semaphore_mem>>) src(%arg18 : memref<128xf32, #tpu.memory_space<vmem>>) dst(%dma_wait3A_464 : memref<10240xf32, #tpu.memory_space<vmem_shared>>)
      %dma_wait3A_465 = arith.constant 0 : i32
      %dma_wait3A_466 = arith.constant 0 : i32
      %dma_wait3A_467 = tpu.memref_slice %arg8[%dma_wait3A_465, %dma_wait3A_466] : memref<80x128xi32, #tpu.memory_space<vmem>> -> memref<1x128xi32, #tpu.memory_space<vmem>>
      %dma_wait3A_468 = tpu.memref_squeeze %dma_wait3A_467 : memref<1x128xi32, #tpu.memory_space<vmem>> -> memref<128xi32, #tpu.memory_space<vmem>>
      %dma_wait3A_469 = arith.constant 0 : i32
      %dma_wait3A_470 = tpu.memref_slice %arg20[%dma_wait3A_469] : memref<10240xf32, #tpu.memory_space<vmem_shared>> -> memref<10240xf32, #tpu.memory_space<vmem_shared>>
      tpu.wait_indirect_dma semaphore(%arg17 : memref<!tpu.dma_semaphore, #tpu.memory_space<semaphore_mem>>) src(%arg18 : memref<128xf32, #tpu.memory_space<vmem>>) dst(%dma_wait3A_470 : memref<10240xf32, #tpu.memory_space<vmem_shared>>)
      %dma_wait3A_471 = arith.constant 0 : i32
      %dma_wait3A_472 = arith.constant 0 : i32
      %dma_wait3A_473 = tpu.memref_slice %arg8[%dma_wait3A_471, %dma_wait3A_472] : memref<80x128xi32, #tpu.memory_space<vmem>> -> memref<1x128xi32, #tpu.memory_space<vmem>>
      %dma_wait3A_474 = tpu.memref_squeeze %dma_wait3A_473 : memref<1x128xi32, #tpu.memory_space<vmem>> -> memref<128xi32, #tpu.memory_space<vmem>>
      %dma_wait3A_475 = arith.constant 0 : i32
      %dma_wait3A_476 = tpu.memref_slice %arg20[%dma_wait3A_475] : memref<10240xf32, #tpu.memory_space<vmem_shared>> -> memref<10240xf32, #tpu.memory_space<vmem_shared>>
      tpu.wait_indirect_dma semaphore(%arg17 : memref<!tpu.dma_semaphore, #tpu.memory_space<semaphore_mem>>) src(%arg18 : memref<128xf32, #tpu.memory_space<vmem>>) dst(%dma_wait3A_476 : memref<10240xf32, #tpu.memory_space<vmem_shared>>)
      %dma_wait3A_477 = arith.constant 0 : i32
      %dma_wait3A_478 = arith.constant 0 : i32
      %dma_wait3A_479 = tpu.memref_slice %arg8[%dma_wait3A_477, %dma_wait3A_478] : memref<80x128xi32, #tpu.memory_space<vmem>> -> memref<1x128xi32, #tpu.memory_space<vmem>>
      %dma_wait3A_480 = tpu.memref_squeeze %dma_wait3A_479 : memref<1x128xi32, #tpu.memory_space<vmem>> -> memref<128xi32, #tpu.memory_space<vmem>>
      %dma_wait3A_481 = arith.constant 0 : i32
      %dma_wait3A_482 = tpu.memref_slice %arg20[%dma_wait3A_481] : memref<10240xf32, #tpu.memory_space<vmem_shared>> -> memref<10240xf32, #tpu.memory_space<vmem_shared>>
      tpu.wait_indirect_dma semaphore(%arg17 : memref<!tpu.dma_semaphore, #tpu.memory_space<semaphore_mem>>) src(%arg18 : memref<128xf32, #tpu.memory_space<vmem>>) dst(%dma_wait3A_482 : memref<10240xf32, #tpu.memory_space<vmem_shared>>)
      %dma_wait3A_483 = arith.constant 0 : i32
      %dma_wait3A_484 = arith.constant 0 : i32
      %dma_wait3A_485 = tpu.memref_slice %arg8[%dma_wait3A_483, %dma_wait3A_484] : memref<80x128xi32, #tpu.memory_space<vmem>> -> memref<1x128xi32, #tpu.memory_space<vmem>>
      %dma_wait3A_486 = tpu.memref_squeeze %dma_wait3A_485 : memref<1x128xi32, #tpu.memory_space<vmem>> -> memref<128xi32, #tpu.memory_space<vmem>>
      %dma_wait3A_487 = arith.constant 0 : i32
      %dma_wait3A_488 = tpu.memref_slice %arg20[%dma_wait3A_487] : memref<10240xf32, #tpu.memory_space<vmem_shared>> -> memref<10240xf32, #tpu.memory_space<vmem_shared>>
      tpu.wait_indirect_dma semaphore(%arg17 : memref<!tpu.dma_semaphore, #tpu.memory_space<semaphore_mem>>) src(%arg18 : memref<128xf32, #tpu.memory_space<vmem>>) dst(%dma_wait3A_488 : memref<10240xf32, #tpu.memory_space<vmem_shared>>)
      %dma_wait3A_489 = arith.constant 0 : i32
      %dma_wait3A_490 = arith.constant 0 : i32
      %dma_wait3A_491 = tpu.memref_slice %arg8[%dma_wait3A_489, %dma_wait3A_490] : memref<80x128xi32, #tpu.memory_space<vmem>> -> memref<1x128xi32, #tpu.memory_space<vmem>>
      %dma_wait3A_492 = tpu.memref_squeeze %dma_wait3A_491 : memref<1x128xi32, #tpu.memory_space<vmem>> -> memref<128xi32, #tpu.memory_space<vmem>>
      %dma_wait3A_493 = arith.constant 0 : i32
      %dma_wait3A_494 = tpu.memref_slice %arg20[%dma_wait3A_493] : memref<10240xf32, #tpu.memory_space<vmem_shared>> -> memref<10240xf32, #tpu.memory_space<vmem_shared>>
      tpu.wait_indirect_dma semaphore(%arg17 : memref<!tpu.dma_semaphore, #tpu.memory_space<semaphore_mem>>) src(%arg18 : memref<128xf32, #tpu.memory_space<vmem>>) dst(%dma_wait3A_494 : memref<10240xf32, #tpu.memory_space<vmem_shared>>)
      %dma_wait3A_495 = arith.constant 0 : i32
      %dma_wait3A_496 = arith.constant 0 : i32
      %dma_wait3A_497 = tpu.memref_slice %arg8[%dma_wait3A_495, %dma_wait3A_496] : memref<80x128xi32, #tpu.memory_space<vmem>> -> memref<1x128xi32, #tpu.memory_space<vmem>>
      %dma_wait3A_498 = tpu.memref_squeeze %dma_wait3A_497 : memref<1x128xi32, #tpu.memory_space<vmem>> -> memref<128xi32, #tpu.memory_space<vmem>>
      %dma_wait3A_499 = arith.constant 0 : i32
      %dma_wait3A_500 = tpu.memref_slice %arg20[%dma_wait3A_499] : memref<10240xf32, #tpu.memory_space<vmem_shared>> -> memref<10240xf32, #tpu.memory_space<vmem_shared>>
      tpu.wait_indirect_dma semaphore(%arg17 : memref<!tpu.dma_semaphore, #tpu.memory_space<semaphore_mem>>) src(%arg18 : memref<128xf32, #tpu.memory_space<vmem>>) dst(%dma_wait3A_500 : memref<10240xf32, #tpu.memory_space<vmem_shared>>)
      %dma_wait3A_501 = arith.constant 0 : i32
      %dma_wait3A_502 = arith.constant 0 : i32
      %dma_wait3A_503 = tpu.memref_slice %arg8[%dma_wait3A_501, %dma_wait3A_502] : memref<80x128xi32, #tpu.memory_space<vmem>> -> memref<1x128xi32, #tpu.memory_space<vmem>>
      %dma_wait3A_504 = tpu.memref_squeeze %dma_wait3A_503 : memref<1x128xi32, #tpu.memory_space<vmem>> -> memref<128xi32, #tpu.memory_space<vmem>>
      %dma_wait3A_505 = arith.constant 0 : i32
      %dma_wait3A_506 = tpu.memref_slice %arg20[%dma_wait3A_505] : memref<10240xf32, #tpu.memory_space<vmem_shared>> -> memref<10240xf32, #tpu.memory_space<vmem_shared>>
      tpu.wait_indirect_dma semaphore(%arg17 : memref<!tpu.dma_semaphore, #tpu.memory_space<semaphore_mem>>) src(%arg18 : memref<128xf32, #tpu.memory_space<vmem>>) dst(%dma_wait3A_506 : memref<10240xf32, #tpu.memory_space<vmem_shared>>)
      %dma_wait3A_507 = arith.constant 0 : i32
      %dma_wait3A_508 = arith.constant 0 : i32
      %dma_wait3A_509 = tpu.memref_slice %arg8[%dma_wait3A_507, %dma_wait3A_508] : memref<80x128xi32, #tpu.memory_space<vmem>> -> memref<1x128xi32, #tpu.memory_space<vmem>>
      %dma_wait3A_510 = tpu.memref_squeeze %dma_wait3A_509 : memref<1x128xi32, #tpu.memory_space<vmem>> -> memref<128xi32, #tpu.memory_space<vmem>>
      %dma_wait3A_511 = arith.constant 0 : i32
      %dma_wait3A_512 = tpu.memref_slice %arg20[%dma_wait3A_511] : memref<10240xf32, #tpu.memory_space<vmem_shared>> -> memref<10240xf32, #tpu.memory_space<vmem_shared>>
      tpu.wait_indirect_dma semaphore(%arg17 : memref<!tpu.dma_semaphore, #tpu.memory_space<semaphore_mem>>) src(%arg18 : memref<128xf32, #tpu.memory_space<vmem>>) dst(%dma_wait3A_512 : memref<10240xf32, #tpu.memory_space<vmem_shared>>)
      %dma_wait3A_513 = arith.constant 0 : i32
      %dma_wait3A_514 = arith.constant 0 : i32
      %dma_wait3A_515 = tpu.memref_slice %arg8[%dma_wait3A_513, %dma_wait3A_514] : memref<80x128xi32, #tpu.memory_space<vmem>> -> memref<1x128xi32, #tpu.memory_space<vmem>>
      %dma_wait3A_516 = tpu.memref_squeeze %dma_wait3A_515 : memref<1x128xi32, #tpu.memory_space<vmem>> -> memref<128xi32, #tpu.memory_space<vmem>>
      %dma_wait3A_517 = arith.constant 0 : i32
      %dma_wait3A_518 = tpu.memref_slice %arg20[%dma_wait3A_517] : memref<10240xf32, #tpu.memory_space<vmem_shared>> -> memref<10240xf32, #tpu.memory_space<vmem_shared>>
      tpu.wait_indirect_dma semaphore(%arg17 : memref<!tpu.dma_semaphore, #tpu.memory_space<semaphore_mem>>) src(%arg18 : memref<128xf32, #tpu.memory_space<vmem>>) dst(%dma_wait3A_518 : memref<10240xf32, #tpu.memory_space<vmem_shared>>)
      %dma_wait3A_519 = arith.constant 0 : i32
      %dma_wait3A_520 = arith.constant 0 : i32
      %dma_wait3A_521 = tpu.memref_slice %arg8[%dma_wait3A_519, %dma_wait3A_520] : memref<80x128xi32, #tpu.memory_space<vmem>> -> memref<1x128xi32, #tpu.memory_space<vmem>>
      %dma_wait3A_522 = tpu.memref_squeeze %dma_wait3A_521 : memref<1x128xi32, #tpu.memory_space<vmem>> -> memref<128xi32, #tpu.memory_space<vmem>>
      %dma_wait3A_523 = arith.constant 0 : i32
      %dma_wait3A_524 = tpu.memref_slice %arg20[%dma_wait3A_523] : memref<10240xf32, #tpu.memory_space<vmem_shared>> -> memref<10240xf32, #tpu.memory_space<vmem_shared>>
      tpu.wait_indirect_dma semaphore(%arg17 : memref<!tpu.dma_semaphore, #tpu.memory_space<semaphore_mem>>) src(%arg18 : memref<128xf32, #tpu.memory_space<vmem>>) dst(%dma_wait3A_524 : memref<10240xf32, #tpu.memory_space<vmem_shared>>)
      %dma_wait3A_525 = arith.constant 0 : i32
      %dma_wait3A_526 = arith.constant 0 : i32
      %dma_wait3A_527 = tpu.memref_slice %arg8[%dma_wait3A_525, %dma_wait3A_526] : memref<80x128xi32, #tpu.memory_space<vmem>> -> memref<1x128xi32, #tpu.memory_space<vmem>>
      %dma_wait3A_528 = tpu.memref_squeeze %dma_wait3A_527 : memref<1x128xi32, #tpu.memory_space<vmem>> -> memref<128xi32, #tpu.memory_space<vmem>>
      %dma_wait3A_529 = arith.constant 0 : i32
      %dma_wait3A_530 = tpu.memref_slice %arg20[%dma_wait3A_529] : memref<10240xf32, #tpu.memory_space<vmem_shared>> -> memref<10240xf32, #tpu.memory_space<vmem_shared>>
      tpu.wait_indirect_dma semaphore(%arg17 : memref<!tpu.dma_semaphore, #tpu.memory_space<semaphore_mem>>) src(%arg18 : memref<128xf32, #tpu.memory_space<vmem>>) dst(%dma_wait3A_530 : memref<10240xf32, #tpu.memory_space<vmem_shared>>)
      %dma_wait3A_531 = arith.constant 0 : i32
      %dma_wait3A_532 = arith.constant 0 : i32
      %dma_wait3A_533 = tpu.memref_slice %arg8[%dma_wait3A_531, %dma_wait3A_532] : memref<80x128xi32, #tpu.memory_space<vmem>> -> memref<1x128xi32, #tpu.memory_space<vmem>>
      %dma_wait3A_534 = tpu.memref_squeeze %dma_wait3A_533 : memref<1x128xi32, #tpu.memory_space<vmem>> -> memref<128xi32, #tpu.memory_space<vmem>>
      %dma_wait3A_535 = arith.constant 0 : i32
      %dma_wait3A_536 = tpu.memref_slice %arg20[%dma_wait3A_535] : memref<10240xf32, #tpu.memory_space<vmem_shared>> -> memref<10240xf32, #tpu.memory_space<vmem_shared>>
      tpu.wait_indirect_dma semaphore(%arg17 : memref<!tpu.dma_semaphore, #tpu.memory_space<semaphore_mem>>) src(%arg18 : memref<128xf32, #tpu.memory_space<vmem>>) dst(%dma_wait3A_536 : memref<10240xf32, #tpu.memory_space<vmem_shared>>)
      %dma_wait3A_537 = arith.constant 0 : i32
      %dma_wait3A_538 = arith.constant 0 : i32
      %dma_wait3A_539 = tpu.memref_slice %arg8[%dma_wait3A_537, %dma_wait3A_538] : memref<80x128xi32, #tpu.memory_space<vmem>> -> memref<1x128xi32, #tpu.memory_space<vmem>>
      %dma_wait3A_540 = tpu.memref_squeeze %dma_wait3A_539 : memref<1x128xi32, #tpu.memory_space<vmem>> -> memref<128xi32, #tpu.memory_space<vmem>>
      %dma_wait3A_541 = arith.constant 0 : i32
      %dma_wait3A_542 = tpu.memref_slice %arg20[%dma_wait3A_541] : memref<10240xf32, #tpu.memory_space<vmem_shared>> -> memref<10240xf32, #tpu.memory_space<vmem_shared>>
      tpu.wait_indirect_dma semaphore(%arg17 : memref<!tpu.dma_semaphore, #tpu.memory_space<semaphore_mem>>) src(%arg18 : memref<128xf32, #tpu.memory_space<vmem>>) dst(%dma_wait3A_542 : memref<10240xf32, #tpu.memory_space<vmem_shared>>)
      %dma_wait3A_543 = arith.constant 0 : i32
      %dma_wait3A_544 = arith.constant 0 : i32
      %dma_wait3A_545 = tpu.memref_slice %arg8[%dma_wait3A_543, %dma_wait3A_544] : memref<80x128xi32, #tpu.memory_space<vmem>> -> memref<1x128xi32, #tpu.memory_space<vmem>>
      %dma_wait3A_546 = tpu.memref_squeeze %dma_wait3A_545 : memref<1x128xi32, #tpu.memory_space<vmem>> -> memref<128xi32, #tpu.memory_space<vmem>>
      %dma_wait3A_547 = arith.constant 0 : i32
      %dma_wait3A_548 = tpu.memref_slice %arg20[%dma_wait3A_547] : memref<10240xf32, #tpu.memory_space<vmem_shared>> -> memref<10240xf32, #tpu.memory_space<vmem_shared>>
      tpu.wait_indirect_dma semaphore(%arg17 : memref<!tpu.dma_semaphore, #tpu.memory_space<semaphore_mem>>) src(%arg18 : memref<128xf32, #tpu.memory_space<vmem>>) dst(%dma_wait3A_548 : memref<10240xf32, #tpu.memory_space<vmem_shared>>)
      %dma_wait3A_549 = arith.constant 0 : i32
      %dma_wait3A_550 = arith.constant 0 : i32
      %dma_wait3A_551 = tpu.memref_slice %arg8[%dma_wait3A_549, %dma_wait3A_550] : memref<80x128xi32, #tpu.memory_space<vmem>> -> memref<1x128xi32, #tpu.memory_space<vmem>>
      %dma_wait3A_552 = tpu.memref_squeeze %dma_wait3A_551 : memref<1x128xi32, #tpu.memory_space<vmem>> -> memref<128xi32, #tpu.memory_space<vmem>>
      %dma_wait3A_553 = arith.constant 0 : i32
      %dma_wait3A_554 = tpu.memref_slice %arg20[%dma_wait3A_553] : memref<10240xf32, #tpu.memory_space<vmem_shared>> -> memref<10240xf32, #tpu.memory_space<vmem_shared>>
      tpu.wait_indirect_dma semaphore(%arg17 : memref<!tpu.dma_semaphore, #tpu.memory_space<semaphore_mem>>) src(%arg18 : memref<128xf32, #tpu.memory_space<vmem>>) dst(%dma_wait3A_554 : memref<10240xf32, #tpu.memory_space<vmem_shared>>)
      %dma_wait3A_555 = arith.constant 0 : i32
      %dma_wait3A_556 = arith.constant 0 : i32
      %dma_wait3A_557 = tpu.memref_slice %arg8[%dma_wait3A_555, %dma_wait3A_556] : memref<80x128xi32, #tpu.memory_space<vmem>> -> memref<1x128xi32, #tpu.memory_space<vmem>>
      %dma_wait3A_558 = tpu.memref_squeeze %dma_wait3A_557 : memref<1x128xi32, #tpu.memory_space<vmem>> -> memref<128xi32, #tpu.memory_space<vmem>>
      %dma_wait3A_559 = arith.constant 0 : i32
      %dma_wait3A_560 = tpu.memref_slice %arg20[%dma_wait3A_559] : memref<10240xf32, #tpu.memory_space<vmem_shared>> -> memref<10240xf32, #tpu.memory_space<vmem_shared>>
      tpu.wait_indirect_dma semaphore(%arg17 : memref<!tpu.dma_semaphore, #tpu.memory_space<semaphore_mem>>) src(%arg18 : memref<128xf32, #tpu.memory_space<vmem>>) dst(%dma_wait3A_560 : memref<10240xf32, #tpu.memory_space<vmem_shared>>)
      %dma_wait3A_561 = arith.constant 0 : i32
      %dma_wait3A_562 = arith.constant 0 : i32
      %dma_wait3A_563 = tpu.memref_slice %arg8[%dma_wait3A_561, %dma_wait3A_562] : memref<80x128xi32, #tpu.memory_space<vmem>> -> memref<1x128xi32, #tpu.memory_space<vmem>>
      %dma_wait3A_564 = tpu.memref_squeeze %dma_wait3A_563 : memref<1x128xi32, #tpu.memory_space<vmem>> -> memref<128xi32, #tpu.memory_space<vmem>>
      %dma_wait3A_565 = arith.constant 0 : i32
      %dma_wait3A_566 = tpu.memref_slice %arg20[%dma_wait3A_565] : memref<10240xf32, #tpu.memory_space<vmem_shared>> -> memref<10240xf32, #tpu.memory_space<vmem_shared>>
      tpu.wait_indirect_dma semaphore(%arg17 : memref<!tpu.dma_semaphore, #tpu.memory_space<semaphore_mem>>) src(%arg18 : memref<128xf32, #tpu.memory_space<vmem>>) dst(%dma_wait3A_566 : memref<10240xf32, #tpu.memory_space<vmem_shared>>)
      %dma_wait3A_567 = arith.constant 0 : i32
      %dma_wait3A_568 = arith.constant 0 : i32
      %dma_wait3A_569 = tpu.memref_slice %arg8[%dma_wait3A_567, %dma_wait3A_568] : memref<80x128xi32, #tpu.memory_space<vmem>> -> memref<1x128xi32, #tpu.memory_space<vmem>>
      %dma_wait3A_570 = tpu.memref_squeeze %dma_wait3A_569 : memref<1x128xi32, #tpu.memory_space<vmem>> -> memref<128xi32, #tpu.memory_space<vmem>>
      %dma_wait3A_571 = arith.constant 0 : i32
      %dma_wait3A_572 = tpu.memref_slice %arg20[%dma_wait3A_571] : memref<10240xf32, #tpu.memory_space<vmem_shared>> -> memref<10240xf32, #tpu.memory_space<vmem_shared>>
      tpu.wait_indirect_dma semaphore(%arg17 : memref<!tpu.dma_semaphore, #tpu.memory_space<semaphore_mem>>) src(%arg18 : memref<128xf32, #tpu.memory_space<vmem>>) dst(%dma_wait3A_572 : memref<10240xf32, #tpu.memory_space<vmem_shared>>)
      %dma_wait3A_573 = arith.constant 0 : i32
      %dma_wait3A_574 = arith.constant 0 : i32
      %dma_wait3A_575 = tpu.memref_slice %arg8[%dma_wait3A_573, %dma_wait3A_574] : memref<80x128xi32, #tpu.memory_space<vmem>> -> memref<1x128xi32, #tpu.memory_space<vmem>>
      %dma_wait3A_576 = tpu.memref_squeeze %dma_wait3A_575 : memref<1x128xi32, #tpu.memory_space<vmem>> -> memref<128xi32, #tpu.memory_space<vmem>>
      %dma_wait3A_577 = arith.constant 0 : i32
      %dma_wait3A_578 = tpu.memref_slice %arg20[%dma_wait3A_577] : memref<10240xf32, #tpu.memory_space<vmem_shared>> -> memref<10240xf32, #tpu.memory_space<vmem_shared>>
      tpu.wait_indirect_dma semaphore(%arg17 : memref<!tpu.dma_semaphore, #tpu.memory_space<semaphore_mem>>) src(%arg18 : memref<128xf32, #tpu.memory_space<vmem>>) dst(%dma_wait3A_578 : memref<10240xf32, #tpu.memory_space<vmem_shared>>)
      %dma_wait3A_579 = arith.constant 78 : i32
      %dma_wait3A_580 = arith.constant 0 : i32
      %dma_wait3A_581 = tpu.memref_slice %arg8[%dma_wait3A_579, %dma_wait3A_580] : memref<80x128xi32, #tpu.memory_space<vmem>> -> memref<1x128xi32, #tpu.memory_space<vmem>>
      %dma_wait3A_582 = tpu.memref_squeeze %dma_wait3A_581 : memref<1x128xi32, #tpu.memory_space<vmem>> -> memref<128xi32, #tpu.memory_space<vmem>>
      %dma_wait3A_583 = arith.constant 0 : i32
      %dma_wait3A_584 = arith.constant 0 : i32
      %dma_wait3A_585 = tpu.memref_slice %arg12[%dma_wait3A_583, %dma_wait3A_584] : memref<10240x64xf32, #tpu.memory_space<vmem_shared>> -> memref<10240x64xf32, #tpu.memory_space<vmem_shared>>
      tpu.wait_indirect_dma semaphore(%arg15 : memref<!tpu.dma_semaphore, #tpu.memory_space<semaphore_mem>>) src(%arg9 : memref<128x64xf32, #tpu.memory_space<vmem>>) dst(%dma_wait3A_585 : memref<10240x64xf32, #tpu.memory_space<vmem_shared>>)
      %dma_wait3A_586 = arith.constant 79 : i32
      %dma_wait3A_587 = arith.constant 0 : i32
      %dma_wait3A_588 = tpu.memref_slice %arg8[%dma_wait3A_586, %dma_wait3A_587] : memref<80x128xi32, #tpu.memory_space<vmem>> -> memref<1x128xi32, #tpu.memory_space<vmem>>
      %dma_wait3A_589 = tpu.memref_squeeze %dma_wait3A_588 : memref<1x128xi32, #tpu.memory_space<vmem>> -> memref<128xi32, #tpu.memory_space<vmem>>
      %dma_wait3A_590 = arith.constant 0 : i32
      %dma_wait3A_591 = arith.constant 0 : i32
      %dma_wait3A_592 = tpu.memref_slice %arg12[%dma_wait3A_590, %dma_wait3A_591] : memref<10240x64xf32, #tpu.memory_space<vmem_shared>> -> memref<10240x64xf32, #tpu.memory_space<vmem_shared>>
      tpu.wait_indirect_dma semaphore(%arg16 : memref<!tpu.dma_semaphore, #tpu.memory_space<semaphore_mem>>) src(%arg10 : memref<128x64xf32, #tpu.memory_space<vmem>>) dst(%dma_wait3A_592 : memref<10240x64xf32, #tpu.memory_space<vmem_shared>>)
    }
    %scan3A_32 = arith.constant 2 : i32
    %barrier3A_33 = arith.constant 0 : index
    tpu.barrier barrier_id(%barrier3A_33)
    "tpu.region"() ({
      %run_scoped3A = tpu.sem_alloc : memref<!tpu.dma_semaphore, #tpu.memory_space<semaphore_mem>>
      %dma_start3A = arith.constant 0 : i32
      %dma_start3A_37 = tpu.memref_slice %arg5[%arg0, %mul3A_0, %dma_start3A] : memref<2x10240x64xf32, #tpu.memory_space<hbm>> -> memref<1x640x64xf32, #tpu.memory_space<hbm>>
      %dma_start3A_38 = tpu.memref_squeeze %dma_start3A_37 : memref<1x640x64xf32, #tpu.memory_space<hbm>> -> memref<640x64xf32, #tpu.memory_space<hbm>>
      %dma_start3A_39 = arith.constant 0 : i32
      %dma_start3A_40 = tpu.memref_slice %arg12[%mul3A_0, %dma_start3A_39] : memref<10240x64xf32, #tpu.memory_space<vmem_shared>> -> memref<640x64xf32, #tpu.memory_space<vmem_shared>>
      tpu.enqueue_dma source(%dma_start3A_40 : memref<640x64xf32, #tpu.memory_space<vmem_shared>>) target(%dma_start3A_38 : memref<640x64xf32, #tpu.memory_space<hbm>>) target_semaphore(%run_scoped3A : memref<!tpu.dma_semaphore, #tpu.memory_space<semaphore_mem>>)
      %dma_wait3A = arith.constant 0 : i32
      %dma_wait3A_41 = tpu.memref_slice %arg5[%arg0, %mul3A_0, %dma_wait3A] : memref<2x10240x64xf32, #tpu.memory_space<hbm>> -> memref<1x640x64xf32, #tpu.memory_space<hbm>>
      %dma_wait3A_42 = tpu.memref_squeeze %dma_wait3A_41 : memref<1x640x64xf32, #tpu.memory_space<hbm>> -> memref<640x64xf32, #tpu.memory_space<hbm>>
      %dma_wait3A_43 = arith.constant 0 : i32
      %dma_wait3A_44 = tpu.memref_slice %arg12[%mul3A_0, %dma_wait3A_43] : memref<10240x64xf32, #tpu.memory_space<vmem_shared>> -> memref<640x64xf32, #tpu.memory_space<vmem_shared>>
      tpu.wait_dma2 semaphore(%run_scoped3A : memref<!tpu.dma_semaphore, #tpu.memory_space<semaphore_mem>>) src(%dma_wait3A_44 : memref<640x64xf32, #tpu.memory_space<vmem_shared>>) dst(%dma_wait3A_42 : memref<640x64xf32, #tpu.memory_space<hbm>>)
      tpu.yield
    }) : () -> ()
    %mul3A_34 = arith.constant 10240 : i32
    %mul3A_35 = arith.muli %arg0, %mul3A_34 : i32
    %add3A_36 = arith.addi %mul3A_35, %mul3A_0 : i32
    "tpu.region"() ({
      %run_scoped3A = tpu.sem_alloc : memref<!tpu.dma_semaphore, #tpu.memory_space<semaphore_mem>>
      %dma_start3A = tpu.memref_slice %arg20[%mul3A_0] : memref<10240xf32, #tpu.memory_space<vmem_shared>> -> memref<640xf32, #tpu.memory_space<vmem_shared>>
      %dma_start3A_37 = tpu.memref_slice %arg20[%mul3A_0] : memref<10240xf32, #tpu.memory_space<vmem_shared>> -> memref<640xf32, #tpu.memory_space<vmem_shared>>
      tpu.enqueue_dma source(%dma_start3A_37 : memref<640xf32, #tpu.memory_space<vmem_shared>>) target(%arg19 : memref<640xf32, #tpu.memory_space<vmem>>) target_semaphore(%run_scoped3A : memref<!tpu.dma_semaphore, #tpu.memory_space<semaphore_mem>>)
      %dma_wait3A = tpu.memref_slice %arg20[%mul3A_0] : memref<10240xf32, #tpu.memory_space<vmem_shared>> -> memref<640xf32, #tpu.memory_space<vmem_shared>>
      %dma_wait3A_38 = tpu.memref_slice %arg20[%mul3A_0] : memref<10240xf32, #tpu.memory_space<vmem_shared>> -> memref<640xf32, #tpu.memory_space<vmem_shared>>
      tpu.wait_dma2 semaphore(%run_scoped3A : memref<!tpu.dma_semaphore, #tpu.memory_space<semaphore_mem>>) src(%dma_wait3A_38 : memref<640xf32, #tpu.memory_space<vmem_shared>>) dst(%arg19 : memref<640xf32, #tpu.memory_space<vmem>>)
      tpu.yield
    }) : () -> ()
    "tpu.region"() ({
      %run_scoped3A = tpu.sem_alloc : memref<!tpu.dma_semaphore, #tpu.memory_space<semaphore_mem>>
      %dma_start3A = tpu.memref_slice %arg6[%add3A_36] : memref<20480xf32, #tpu.memory_space<hbm>> -> memref<640xf32, #tpu.memory_space<hbm>>
      %dma_start3A_37 = tpu.memref_slice %arg6[%add3A_36] : memref<20480xf32, #tpu.memory_space<hbm>> -> memref<640xf32, #tpu.memory_space<hbm>>
      tpu.enqueue_dma source(%arg19 : memref<640xf32, #tpu.memory_space<vmem>>) target(%dma_start3A_37 : memref<640xf32, #tpu.memory_space<hbm>>) target_semaphore(%run_scoped3A : memref<!tpu.dma_semaphore, #tpu.memory_space<semaphore_mem>>)
      %dma_wait3A = tpu.memref_slice %arg6[%add3A_36] : memref<20480xf32, #tpu.memory_space<hbm>> -> memref<640xf32, #tpu.memory_space<hbm>>
      %dma_wait3A_38 = tpu.memref_slice %arg6[%add3A_36] : memref<20480xf32, #tpu.memory_space<hbm>> -> memref<640xf32, #tpu.memory_space<hbm>>
      tpu.wait_dma2 semaphore(%run_scoped3A : memref<!tpu.dma_semaphore, #tpu.memory_space<semaphore_mem>>) src(%arg19 : memref<640xf32, #tpu.memory_space<vmem>>) dst(%dma_wait3A_38 : memref<640xf32, #tpu.memory_space<hbm>>)
      tpu.yield
    }) : () -> ()
    return
  }
}

module attributes {stable_mosaic.version = 14 : i64} {
  func.func @_tc_b_body(%arg0: i32, %arg1: memref<1x1024x64xf32, #tpu.memory_space<vmem>>, %arg2: memref<1x1024x64xf32, #tpu.memory_space<vmem>>, %arg3: memref<1024x1xf32, #tpu.memory_space<vmem>>, %arg4: memref<128x128xf32, #tpu.memory_space<vmem>>, %arg5: memref<1x128xf32, #tpu.memory_space<vmem>>, %arg6: memref<128x128xf32, #tpu.memory_space<vmem>>, %arg7: memref<2x1024x64xf32, #tpu.memory_space<vmem>>) attributes {dimension_semantics = [#tpu.dimension_semantics<arbitrary>], iteration_bounds = array<i64: 10>, scalar_prefetch = 0 : i64, scratch_operands = 0 : i64, tpu.core_type = #tpu.core_type<tc>, window_params = [{transform_indices = @transform_0, window_bounds = array<i64: 1, 1024, 64>}, {transform_indices = @transform_1, window_bounds = array<i64: 1, 1024, 64>}, {transform_indices = @transform_2, window_bounds = array<i64: 1024, 1>}, {pipeline_mode = #tpu.pipeline_mode<synchronous>, transform_indices = @transform_3, window_bounds = array<i64: 128, 128>}, {pipeline_mode = #tpu.pipeline_mode<synchronous>, transform_indices = @transform_4, window_bounds = array<i64: 1, 128>}, {pipeline_mode = #tpu.pipeline_mode<synchronous>, transform_indices = @transform_5, window_bounds = array<i64: 128, 128>}, {transform_indices = @transform_6, window_bounds = array<i64: 2, 1024, 64>}]} {
    %get3A = arith.constant 0 : index
    %get3A_0 = arith.constant 0 : index
    %get3A_1 = arith.constant 0 : index
    %get3A_2 = vector.load %arg1[%get3A, %get3A_0, %get3A_1] : memref<1x1024x64xf32, #tpu.memory_space<vmem>>, vector<1x1024x64xf32>
    %get3A_3 = vector.shape_cast %get3A_2 : vector<1x1024x64xf32> to vector<1024x64xf32>
    %get3A_4 = arith.constant 0 : index
    %get3A_5 = arith.constant 0 : index
    %get3A_6 = arith.constant 0 : index
    %get3A_7 = vector.load %arg2[%get3A_4, %get3A_5, %get3A_6] : memref<1x1024x64xf32, #tpu.memory_space<vmem>>, vector<1x1024x64xf32>
    %get3A_8 = vector.shape_cast %get3A_7 : vector<1x1024x64xf32> to vector<1024x64xf32>
    %concatenate3A = tpu.concatenate %get3A_3, %get3A_8 in 1 : vector<1024x64xf32>, vector<1024x64xf32> -> vector<1024x128xf32>
    %get3A_9 = arith.constant 0 : index
    %get3A_10 = arith.constant 0 : index
    %get3A_11 = vector.load %arg3[%get3A_9, %get3A_10] : memref<1024x1xf32, #tpu.memory_space<vmem>>, vector<1024x1xf32>
    %max3A = arith.constant 1.000000e+00 : f32
    %max3A_12 = vector.broadcast %max3A : f32 to vector<1024x1xf32>
    %max3A_13 = arith.maximumf %get3A_11, %max3A_12 : vector<1024x1xf32>
    %div3A = arith.constant 1.000000e+00 : f32
    %div3A_14 = vector.broadcast %div3A : f32 to vector<1024x1xf32>
    %div3A_15 = arith.divf %div3A_14, %max3A_13 : vector<1024x1xf32>
    %mul3A = vector.broadcast %div3A_15 : vector<1024x1xf32> to vector<1024x128xf32>
    %mul3A_16 = arith.mulf %concatenate3A, %mul3A : vector<1024x128xf32>
    %get3A_17 = arith.constant 0 : index
    %get3A_18 = arith.constant 0 : index
    %get3A_19 = vector.load %arg4[%get3A_17, %get3A_18] : memref<128x128xf32, #tpu.memory_space<vmem>>, vector<128x128xf32>
    %dot_general3A = arith.constant dense<0.000000e+00> : vector<1024x128xf32>
    %dot_general3A_20 = tpu.matmul %mul3A_16, %get3A_19, %dot_general3A {dimension_numbers = #tpu.dot_dimension_numbers<[1], [0], [0], [1], [0, 0, 1, 1], [], []>, transpose_lhs_hint = false} : vector<1024x128xf32>, vector<128x128xf32>, vector<1024x128xf32> -> vector<1024x128xf32>
    %get3A_21 = arith.constant 0 : index
    %get3A_22 = arith.constant 0 : index
    %get3A_23 = vector.load %arg5[%get3A_21, %get3A_22] : memref<1x128xf32, #tpu.memory_space<vmem>>, vector<1x128xf32>
    %add3A = vector.broadcast %get3A_23 : vector<1x128xf32> to vector<1024x128xf32>
    %add3A_24 = arith.addf %dot_general3A_20, %add3A : vector<1024x128xf32>
    %max3A_25 = arith.constant 0.000000e+00 : f32
    %max3A_26 = vector.broadcast %max3A_25 : f32 to vector<1024x128xf32>
    %max3A_27 = arith.maximumf %add3A_24, %max3A_26 : vector<1024x128xf32>
    %get3A_28 = arith.constant 0 : index
    %get3A_29 = arith.constant 0 : index
    %get3A_30 = vector.load %arg6[%get3A_28, %get3A_29] : memref<128x128xf32, #tpu.memory_space<vmem>>, vector<128x128xf32>
    %dot_general3A_31 = arith.constant dense<0.000000e+00> : vector<1024x128xf32>
    %dot_general3A_32 = tpu.matmul %max3A_27, %get3A_30, %dot_general3A_31 {dimension_numbers = #tpu.dot_dimension_numbers<[1], [0], [0], [1], [0, 0, 1, 1], [], []>, transpose_lhs_hint = false} : vector<1024x128xf32>, vector<128x128xf32>, vector<1024x128xf32> -> vector<1024x128xf32>
    %slice3A = vector.extract_strided_slice %dot_general3A_32 {offsets = [0, 0], sizes = [1024, 64], strides = [1, 1]} : vector<1024x128xf32> to vector<1024x64xf32>
    %swap3A = arith.constant 0 : index
    %swap3A_33 = arith.constant 0 : index
    %swap3A_34 = arith.constant 0 : index
    %swap3A_35 = vector.load %arg7[%swap3A, %swap3A_33, %swap3A_34] : memref<2x1024x64xf32, #tpu.memory_space<vmem>>, vector<1x1024x64xf32>
    %swap3A_36 = vector.shape_cast %swap3A_35 : vector<1x1024x64xf32> to vector<1024x64xf32>
    %swap3A_37 = vector.shape_cast %slice3A : vector<1024x64xf32> to vector<1x1024x64xf32>
    tpu.vector_store %arg7[%swap3A, %swap3A_33, %swap3A_34], %swap3A_37 {strides = array<i32>} : memref<2x1024x64xf32, #tpu.memory_space<vmem>>, vector<1x1024x64xf32>,
    %slice3A_38 = vector.extract_strided_slice %dot_general3A_32 {offsets = [0, 64], sizes = [1024, 64], strides = [1, 1]} : vector<1024x128xf32> to vector<1024x64xf32>
    %swap3A_39 = arith.constant 1 : index
    %swap3A_40 = arith.constant 0 : index
    %swap3A_41 = arith.constant 0 : index
    %swap3A_42 = vector.load %arg7[%swap3A_39, %swap3A_40, %swap3A_41] : memref<2x1024x64xf32, #tpu.memory_space<vmem>>, vector<1x1024x64xf32>
    %swap3A_43 = vector.shape_cast %swap3A_42 : vector<1x1024x64xf32> to vector<1024x64xf32>
    %swap3A_44 = vector.shape_cast %slice3A_38 : vector<1024x64xf32> to vector<1x1024x64xf32>
    tpu.vector_store %arg7[%swap3A_39, %swap3A_40, %swap3A_41], %swap3A_44 {strides = array<i32>} : memref<2x1024x64xf32, #tpu.memory_space<vmem>>, vector<1x1024x64xf32>,
    return
  }
  func.func @transform_0(%arg0: i32) -> (i32, i32, i32) {
    %c0_i32 = arith.constant 0 : i32
    %c0_i32_0 = arith.constant 0 : i32
    %c0_i32_1 = arith.constant 0 : i32
    return %c0_i32, %arg0, %c0_i32_0 : i32, i32, i32
  }
  func.func @transform_1(%arg0: i32) -> (i32, i32, i32) {
    %c1_i32 = arith.constant 1 : i32
    %c0_i32 = arith.constant 0 : i32
    %c0_i32_0 = arith.constant 0 : i32
    return %c1_i32, %arg0, %c0_i32 : i32, i32, i32
  }
  func.func @transform_2(%arg0: i32) -> (i32, i32) {
    %c0_i32 = arith.constant 0 : i32
    %c0_i32_0 = arith.constant 0 : i32
    return %arg0, %c0_i32 : i32, i32
  }
  func.func @transform_3(%arg0: i32) -> (i32, i32) {
    %c0_i32 = arith.constant 0 : i32
    %c0_i32_0 = arith.constant 0 : i32
    %c0_i32_1 = arith.constant 0 : i32
    return %c0_i32, %c0_i32_0 : i32, i32
  }
  func.func @transform_4(%arg0: i32) -> (i32, i32) {
    %c0_i32 = arith.constant 0 : i32
    %c0_i32_0 = arith.constant 0 : i32
    %c0_i32_1 = arith.constant 0 : i32
    return %c0_i32, %c0_i32_0 : i32, i32
  }
  func.func @transform_5(%arg0: i32) -> (i32, i32) {
    %c0_i32 = arith.constant 0 : i32
    %c0_i32_0 = arith.constant 0 : i32
    %c0_i32_1 = arith.constant 0 : i32
    return %c0_i32, %c0_i32_0 : i32, i32
  }
  func.func @transform_6(%arg0: i32) -> (i32, i32, i32) {
    %c0_i32 = arith.constant 0 : i32
    %c0_i32_0 = arith.constant 0 : i32
    %c0_i32_1 = arith.constant 0 : i32
    return %c0_i32, %arg0, %c0_i32_0 : i32, i32, i32
  }
}

module attributes {stable_mosaic.version = 14 : i64} {
  func.func @_tc_c_body(%arg0: i32, %arg1: memref<1x1024x64xf32, #tpu.memory_space<vmem>>, %arg2: memref<1x1024x64xf32, #tpu.memory_space<vmem>>, %arg3: memref<1024x1xf32, #tpu.memory_space<vmem>>, %arg4: memref<1x128xf32, #tpu.memory_space<vmem>>, %arg5: memref<128x64xf32, #tpu.memory_space<vmem>>, %arg6: memref<128x64xf32, #tpu.memory_space<vmem>>, %arg7: memref<1024x64xf32, #tpu.memory_space<vmem>>) attributes {dimension_semantics = [#tpu.dimension_semantics<arbitrary>], iteration_bounds = array<i64: 10>, scalar_prefetch = 0 : i64, scratch_operands = 0 : i64, tpu.core_type = #tpu.core_type<tc>, window_params = [{transform_indices = @transform_0, window_bounds = array<i64: 1, 1024, 64>}, {transform_indices = @transform_1, window_bounds = array<i64: 1, 1024, 64>}, {transform_indices = @transform_2, window_bounds = array<i64: 1024, 1>}, {pipeline_mode = #tpu.pipeline_mode<synchronous>, transform_indices = @transform_3, window_bounds = array<i64: 1, 128>}, {pipeline_mode = #tpu.pipeline_mode<synchronous>, transform_indices = @transform_4, window_bounds = array<i64: 128, 64>}, {pipeline_mode = #tpu.pipeline_mode<synchronous>, transform_indices = @transform_5, window_bounds = array<i64: 128, 64>}, {transform_indices = @transform_6, window_bounds = array<i64: 1024, 64>}]} {
    %get3A = arith.constant 0 : index
    %get3A_0 = arith.constant 0 : index
    %get3A_1 = arith.constant 0 : index
    %get3A_2 = vector.load %arg1[%get3A, %get3A_0, %get3A_1] : memref<1x1024x64xf32, #tpu.memory_space<vmem>>, vector<1x1024x64xf32>
    %get3A_3 = vector.shape_cast %get3A_2 : vector<1x1024x64xf32> to vector<1024x64xf32>
    %get3A_4 = arith.constant 0 : index
    %get3A_5 = arith.constant 0 : index
    %get3A_6 = arith.constant 0 : index
    %get3A_7 = vector.load %arg2[%get3A_4, %get3A_5, %get3A_6] : memref<1x1024x64xf32, #tpu.memory_space<vmem>>, vector<1x1024x64xf32>
    %get3A_8 = vector.shape_cast %get3A_7 : vector<1x1024x64xf32> to vector<1024x64xf32>
    %concatenate3A = tpu.concatenate %get3A_3, %get3A_8 in 1 : vector<1024x64xf32>, vector<1024x64xf32> -> vector<1024x128xf32>
    %get3A_9 = arith.constant 0 : index
    %get3A_10 = arith.constant 0 : index
    %get3A_11 = vector.load %arg3[%get3A_9, %get3A_10] : memref<1024x1xf32, #tpu.memory_space<vmem>>, vector<1024x1xf32>
    %max3A = arith.constant 1.000000e+00 : f32
    %max3A_12 = vector.broadcast %max3A : f32 to vector<1024x1xf32>
    %max3A_13 = arith.maximumf %get3A_11, %max3A_12 : vector<1024x1xf32>
    %div3A = arith.constant 1.000000e+00 : f32
    %div3A_14 = vector.broadcast %div3A : f32 to vector<1024x1xf32>
    %div3A_15 = arith.divf %div3A_14, %max3A_13 : vector<1024x1xf32>
    %mul3A = vector.broadcast %div3A_15 : vector<1024x1xf32> to vector<1024x128xf32>
    %mul3A_16 = arith.mulf %concatenate3A, %mul3A : vector<1024x128xf32>
    %get3A_17 = arith.constant 0 : index
    %get3A_18 = arith.constant 0 : index
    %get3A_19 = vector.load %arg4[%get3A_17, %get3A_18] : memref<1x128xf32, #tpu.memory_space<vmem>>, vector<1x128xf32>
    %add3A = vector.broadcast %get3A_19 : vector<1x128xf32> to vector<1024x128xf32>
    %add3A_20 = arith.addf %mul3A_16, %add3A : vector<1024x128xf32>
    %get3A_21 = arith.constant 0 : index
    %get3A_22 = arith.constant 0 : index
    %get3A_23 = vector.load %arg5[%get3A_21, %get3A_22] : memref<128x64xf32, #tpu.memory_space<vmem>>, vector<128x64xf32>
    %dot_general3A = arith.constant dense<0.000000e+00> : vector<1024x64xf32>
    %dot_general3A_24 = tpu.matmul %add3A_20, %get3A_23, %dot_general3A {dimension_numbers = #tpu.dot_dimension_numbers<[1], [0], [0], [1], [0, 0, 1, 1], [], []>, transpose_lhs_hint = false} : vector<1024x128xf32>, vector<128x64xf32>, vector<1024x64xf32> -> vector<1024x64xf32>
    %max3A_25 = arith.constant 0.000000e+00 : f32
    %max3A_26 = vector.broadcast %max3A_25 : f32 to vector<1024x128xf32>
    %max3A_27 = arith.maximumf %add3A_20, %max3A_26 : vector<1024x128xf32>
    %get3A_28 = arith.constant 0 : index
    %get3A_29 = arith.constant 0 : index
    %get3A_30 = vector.load %arg6[%get3A_28, %get3A_29] : memref<128x64xf32, #tpu.memory_space<vmem>>, vector<128x64xf32>
    %dot_general3A_31 = arith.constant dense<0.000000e+00> : vector<1024x64xf32>
    %dot_general3A_32 = tpu.matmul %max3A_27, %get3A_30, %dot_general3A_31 {dimension_numbers = #tpu.dot_dimension_numbers<[1], [0], [0], [1], [0, 0, 1, 1], [], []>, transpose_lhs_hint = false} : vector<1024x128xf32>, vector<128x64xf32>, vector<1024x64xf32> -> vector<1024x64xf32>
    %add3A_33 = arith.addf %dot_general3A_24, %dot_general3A_32 : vector<1024x64xf32>
    %swap3A = arith.constant 0 : index
    %swap3A_34 = arith.constant 0 : index
    %swap3A_35 = vector.load %arg7[%swap3A, %swap3A_34] : memref<1024x64xf32, #tpu.memory_space<vmem>>, vector<1024x64xf32>
    tpu.vector_store %arg7[%swap3A, %swap3A_34], %add3A_33 {strides = array<i32>} : memref<1024x64xf32, #tpu.memory_space<vmem>>, vector<1024x64xf32>,
    return
  }
  func.func @transform_0(%arg0: i32) -> (i32, i32, i32) {
    %c0_i32 = arith.constant 0 : i32
    %c0_i32_0 = arith.constant 0 : i32
    %c0_i32_1 = arith.constant 0 : i32
    return %c0_i32, %arg0, %c0_i32_0 : i32, i32, i32
  }
  func.func @transform_1(%arg0: i32) -> (i32, i32, i32) {
    %c1_i32 = arith.constant 1 : i32
    %c0_i32 = arith.constant 0 : i32
    %c0_i32_0 = arith.constant 0 : i32
    return %c1_i32, %arg0, %c0_i32 : i32, i32, i32
  }
  func.func @transform_2(%arg0: i32) -> (i32, i32) {
    %c0_i32 = arith.constant 0 : i32
    %c0_i32_0 = arith.constant 0 : i32
    return %arg0, %c0_i32 : i32, i32
  }
  func.func @transform_3(%arg0: i32) -> (i32, i32) {
    %c0_i32 = arith.constant 0 : i32
    %c0_i32_0 = arith.constant 0 : i32
    %c0_i32_1 = arith.constant 0 : i32
    return %c0_i32, %c0_i32_0 : i32, i32
  }
  func.func @transform_4(%arg0: i32) -> (i32, i32) {
    %c0_i32 = arith.constant 0 : i32
    %c0_i32_0 = arith.constant 0 : i32
    %c0_i32_1 = arith.constant 0 : i32
    return %c0_i32, %c0_i32_0 : i32, i32
  }
  func.func @transform_5(%arg0: i32) -> (i32, i32) {
    %c0_i32 = arith.constant 0 : i32
    %c0_i32_0 = arith.constant 0 : i32
    %c0_i32_1 = arith.constant 0 : i32
    return %c0_i32, %c0_i32_0 : i32, i32
  }
  func.func @transform_6(%arg0: i32) -> (i32, i32) {
    %c0_i32 = arith.constant 0 : i32
    %c0_i32_0 = arith.constant 0 : i32
    return %arg0, %c0_i32 : i32, i32
  }
}

module attributes {stable_mosaic.version = 14 : i64} {
  func.func @_tc_d_body(%arg0: i32, %arg1: memref<1024x64xf32, #tpu.memory_space<vmem>>, %arg2: memref<1024x64xf32, #tpu.memory_space<vmem>>, %arg3: memref<1024x1xf32, #tpu.memory_space<vmem>>, %arg4: memref<1x64xf32, #tpu.memory_space<vmem>>, %arg5: memref<1024x64xf32, #tpu.memory_space<vmem>>) attributes {dimension_semantics = [#tpu.dimension_semantics<arbitrary>], iteration_bounds = array<i64: 10>, scalar_prefetch = 0 : i64, scratch_operands = 0 : i64, tpu.core_type = #tpu.core_type<tc>, window_params = [{transform_indices = @transform_0, window_bounds = array<i64: 1024, 64>}, {transform_indices = @transform_1, window_bounds = array<i64: 1024, 64>}, {transform_indices = @transform_2, window_bounds = array<i64: 1024, 1>}, {pipeline_mode = #tpu.pipeline_mode<synchronous>, transform_indices = @transform_3, window_bounds = array<i64: 1, 64>}, {transform_indices = @transform_4, window_bounds = array<i64: 1024, 64>}]} {
    %get3A = arith.constant 0 : index
    %get3A_0 = arith.constant 0 : index
    %get3A_1 = vector.load %arg1[%get3A, %get3A_0] : memref<1024x64xf32, #tpu.memory_space<vmem>>, vector<1024x64xf32>
    %get3A_2 = arith.constant 0 : index
    %get3A_3 = arith.constant 0 : index
    %get3A_4 = vector.load %arg2[%get3A_2, %get3A_3] : memref<1024x64xf32, #tpu.memory_space<vmem>>, vector<1024x64xf32>
    %add3A = arith.addf %get3A_1, %get3A_4 : vector<1024x64xf32>
    %get3A_5 = arith.constant 0 : index
    %get3A_6 = arith.constant 0 : index
    %get3A_7 = vector.load %arg3[%get3A_5, %get3A_6] : memref<1024x1xf32, #tpu.memory_space<vmem>>, vector<1024x1xf32>
    %max3A = arith.constant 1.000000e+00 : f32
    %max3A_8 = vector.broadcast %max3A : f32 to vector<1024x1xf32>
    %max3A_9 = arith.maximumf %get3A_7, %max3A_8 : vector<1024x1xf32>
    %div3A = arith.constant 1.000000e+00 : f32
    %div3A_10 = vector.broadcast %div3A : f32 to vector<1024x1xf32>
    %div3A_11 = arith.divf %div3A_10, %max3A_9 : vector<1024x1xf32>
    %mul3A = vector.broadcast %div3A_11 : vector<1024x1xf32> to vector<1024x64xf32>
    %mul3A_12 = arith.mulf %add3A, %mul3A : vector<1024x64xf32>
    %get3A_13 = arith.constant 0 : index
    %get3A_14 = arith.constant 0 : index
    %get3A_15 = vector.load %arg4[%get3A_13, %get3A_14] : memref<1x64xf32, #tpu.memory_space<vmem>>, vector<1x64xf32>
    %add3A_16 = vector.broadcast %get3A_15 : vector<1x64xf32> to vector<1024x64xf32>
    %add3A_17 = arith.addf %mul3A_12, %add3A_16 : vector<1024x64xf32>
    %swap3A = arith.constant 0 : index
    %swap3A_18 = arith.constant 0 : index
    %swap3A_19 = vector.load %arg5[%swap3A, %swap3A_18] : memref<1024x64xf32, #tpu.memory_space<vmem>>, vector<1024x64xf32>
    tpu.vector_store %arg5[%swap3A, %swap3A_18], %add3A_17 {strides = array<i32>} : memref<1024x64xf32, #tpu.memory_space<vmem>>, vector<1024x64xf32>,
    return
  }
  func.func @transform_0(%arg0: i32) -> (i32, i32) {
    %c0_i32 = arith.constant 0 : i32
    %c0_i32_0 = arith.constant 0 : i32
    return %arg0, %c0_i32 : i32, i32
  }
  func.func @transform_1(%arg0: i32) -> (i32, i32) {
    %add3A = arith.constant 10 : i32
    %add3A_0 = arith.addi %arg0, %add3A : i32
    %c0_i32 = arith.constant 0 : i32
    %c0_i32_1 = arith.constant 0 : i32
    return %add3A_0, %c0_i32 : i32, i32
  }
  func.func @transform_2(%arg0: i32) -> (i32, i32) {
    %c0_i32 = arith.constant 0 : i32
    %c0_i32_0 = arith.constant 0 : i32
    return %arg0, %c0_i32 : i32, i32
  }
  func.func @transform_3(%arg0: i32) -> (i32, i32) {
    %c0_i32 = arith.constant 0 : i32
    %c0_i32_0 = arith.constant 0 : i32
    %c0_i32_1 = arith.constant 0 : i32
    return %c0_i32, %c0_i32_0 : i32, i32
  }
  func.func @transform_4(%arg0: i32) -> (i32, i32) {
    %c0_i32 = arith.constant 0 : i32
    %c0_i32_0 = arith.constant 0 : i32
    return %arg0, %c0_i32 : i32, i32
  }
}

</mosaic_0001>

<sc_bundles>
// kernel: kernel.11.cloned.1.call-start
scs
__scs_entry_jumppad:
0x0: {  	(pc) =	sbr.rel $0x88, $3  }
0x1: {  	(tag) =	ssettag $0x0;
	lr =	simm.s32 $0x1  }
0x2: {  	[smem:$0x3F99] =	sst lr;
	_ =	strace $0xD0000000  }
0x3: {  	_ = 	snop  }
0x4: {  	_ = 	snop  }
0x5: {  	_ = 	snop  }
0x6: {  	_ = 	snop  }
0x7: {  	_ = 	snop  }
__scs_overlays_trampoline_lowered:
0x8: {  	[smem:$0x3FA8] =	sst s0  }
0x9: {  	[smem:$0x3FA9] =	sst s1  }
0xa: {  	[smem:$0x3FAA] =	sst s2  }
0xb: {  	[smem:$0x3FAB] =	sst s3  }
0xc: {  	[smem:$0x3FAC] =	sst s4  }
0xd: {  	[smem:$0x3FAD] =	sst s5  }
0xe: {  	[smem:$0x3FAE] =	sst s6  }
0xf: {  	[smem:$0x3FAF] =	sst s7  }
0x10: {  	[smem:$0x3FB0] =	sst s8  }
0x11: {  	[smem:$0x3FB1] =	sst s9;
	s0 =	simm.s32 @!p0 $0x0  }
0x12: {  	s1 =	sld [smem:$0x3F97];
	s0 =	simm.s32 @p0 $0x1  }
0x13: {  	[smem:$0x3FB2] =	sst s0;
	s0 =	simm.s32 @!p1 $0x0  }
0x14: {  	s2 =	sld [smem:$0x3F96];
	s0 =	simm.s32 @p1 $0x1  }
0x15: {  	[smem:$0x3FB3] =	sst s0;
	s0 =	simm.s32 @!p2 $0x0  }
0x16: {  	s3 =	sld [smem:$0x3FDB];
	s0 =	simm.s32 @p2 $0x1  }
0x17: {  	s4 =	simm.s32 $0x1BF5;
	[smem:$0x3FB5] =	sst s0  }
0x18: {  	s0 =	sld [smem:$0x3F98];
	_ =	swait.ge [sflag:s4], $0x0  }
0x19: {  	s7 =	sld [smem:$0x3F99]  }
0x1a: {  	s8 =	sadd.s32 $0xFFFFE003, lr  }
0x1b: {  	s9 =	sadd.s32 $0xFFFFFEF7, lr;
	s5 =	simm.s32 $0xFFFFFFFF;
	p2 =	slt.u32 s8, $0xFFFFF086  }
0x1c: {  	p1 =	slt.u32 s9, $0xF7A;
	s5 =	simm.s32 @!p2 $0x0  }
0x1d: {  	s5 =	simm.s32 @p1 $0x1;
	p0 =	seq.s32 s7, s2  }
0x1e: {  	s7 =	smul.u32 @!p0 $0xF7A, s2;
	p2 =	seq.s32 @!p0 s5, $0x0  }
0x1f: {  	s9 =	smul.u32 $0xF7A, s1;
	s8 =	simm.s32 @!p0 $0x1BF5;
	p2 =	por !p2, p0  }
0x20: {  	[sflag:s8] =	ssyncset.s32 @!p0 $0xFFFFF086;
	s6 =	sadd.s32 @!p0 s3, s7;
	s7 =	simm.s32 @!p0 $0x108  }
0x21: {  	s3 =	sadd.s32 s3, s9;
	s6 =	sadd.s32 @!p0 $0x88, s6;
	s7 =	simm.s32 @p2 $0x1082  }
0x22: {  	[simem:s7], [sflag:s8] =	dma.local @!p0 [hbm:s6], $0xF7A  }
0x23: {  	s9 =	sor.u32 $0xD0000000, s2;
	s6 =	simm.s32 $0x108;
	_ =	swait.ge @!p0 [sflag:s8], $0x0  }
0x24: {  	s3 =	sadd.s32 $0x88, s3;
	s6 =	simm.s32 @!p1 $0x1082;
	[sflag:s4] =	ssyncset.s32 $0xFFFFF086  }
0x25: {  	[simem:s6], [sflag:s4] =	dma.local [hbm:s3], $0xF7A  }
0x26: {  	[smem:$0x3F99] =	sst s1;
	(tag) =	ssettag s2;
	_ =	strace s9  }
0x27: {  	s1 =	sld [smem:$0x3FA9]  }
0x28: {  	s2 =	sld [smem:$0x3FAA]  }
0x29: {  	s4 =	sld [smem:$0x3FAC]  }
0x2a: {  	p0 =	seq.s32 s5, $0x0;
	s5 =	sld [smem:$0x3FAD]  }
0x2b: {  	s6 =	sld [smem:$0x3FAE]  }
0x2c: {  	s7 =	sld [smem:$0x3FAF]  }
0x2d: {  	s3 =	simm.s32 $0x108;
	s8 =	sld [smem:$0x3FB0]  }
0x2e: {  	s3 =	simm.s32 @!p0 $0x1082;
	s9 =	sld [smem:$0x3FB1]  }
0x2f: {  	lr =	sadd.s32 s0, s3;
	s0 =	sld [smem:$0x3FA8]  }
0x30: {  	s3 =	sld [smem:$0x3FAB]  }
0x31: {  	[smem:$0x3FB4] =	sst s10  }
0x32: {  	s10 =	sld [smem:$0x3FB2];
	_ =	sdelay $0x3  }
0x33: {  	p0 =	seq.s32 s10, $0x1;
	s10 =	sld [smem:$0x3FB4];
	_ =	sdelay $0x3  }
0x34: {  	[smem:$0x3FB4] =	sst s10  }
0x35: {  	s10 =	sld [smem:$0x3FB3];
	_ =	sdelay $0x3  }
0x36: {  	p1 =	seq.s32 s10, $0x1;
	s10 =	sld [smem:$0x3FB4];
	_ =	sdelay $0x3  }
0x37: {  	[smem:$0x3FB4] =	sst s10  }
0x38: {  	s10 =	sld [smem:$0x3FB5]  }
0x39: {  	_ = 	snop;
	(pc) =	sbr.ind lr, $3  }
0x3a: {  	_ = 	snop  }
0x3b: {  	_ = 	snop  }
0x3c: {  	p2 =	seq.s32 s10, $0x1;
	s10 =	sld [smem:$0x3FB4]  }
0x3d: {  	_ =	shalt  }
0x3e: {  	_ =	shalt  }
0x3f: {  	_ =	shalt  }
0x40: {  	_ =	shalt  }
0x41: {  	_ =	shalt  }
0x42: {  	_ =	shalt  }
0x43: {  	_ =	shalt  }
0x44: {  	_ =	shalt  }
0x45: {  	_ =	shalt  }
0x46: {  	_ =	shalt  }
0x47: {  	_ =	shalt  }
0x48: {  	_ =	shalt  }
0x49: {  	_ =	shalt  }
0x4a: {  	_ =	shalt  }
0x4b: {  	_ =	shalt  }
0x4c: {  	_ =	shalt  }
0x4d: {  	_ =	shalt  }
0x4e: {  	_ =	shalt  }
0x4f: {  	_ =	shalt  }
0x50: {  	_ =	shalt  }
0x51: {  	_ =	shalt  }
0x52: {  	_ =	shalt  }
0x53: {  	_ =	shalt  }
0x54: {  	_ =	shalt  }
0x55: {  	_ =	shalt  }
0x56: {  	_ =	shalt  }
0x57: {  	_ =	shalt  }
0x58: {  	_ =	shalt  }
0x59: {  	_ =	shalt  }
0x5a: {  	_ =	shalt  }
0x5b: {  	_ =	shalt  }
0x5c: {  	_ =	shalt  }
0x5d: {  	_ =	shalt  }
0x5e: {  	_ =	shalt  }
0x5f: {  	_ =	shalt  }
0x60: {  	_ =	shalt  }
0x61: {  	_ =	shalt  }
0x62: {  	_ =	shalt  }
0x63: {  	_ =	shalt  }
0x64: {  	_ =	shalt  }
0x65: {  	_ =	shalt  }
0x66: {  	_ =	shalt  }
0x67: {  	_ =	shalt  }
0x68: {  	_ =	shalt  }
0x69: {  	_ =	shalt  }
0x6a: {  	_ =	shalt  }
0x6b: {  	_ =	shalt  }
0x6c: {  	_ =	shalt  }
0x6d: {  	_ =	shalt  }
0x6e: {  	_ =	shalt  }
0x6f: {  	_ =	shalt  }
0x70: {  	_ =	shalt  }
0x71: {  	_ =	shalt  }
0x72: {  	_ =	shalt  }
0x73: {  	_ =	shalt  }
0x74: {  	_ =	shalt  }
0x75: {  	_ =	shalt  }
0x76: {  	_ =	shalt  }
0x77: {  	_ =	shalt  }
0x78: {  	_ =	shalt  }
0x79: {  	_ =	shalt  }
0x7a: {  	_ =	shalt  }
0x7b: {  	_ =	shalt  }
0x7c: {  	_ =	shalt  }
0x7d: {  	_ =	shalt  }
0x7e: {  	_ =	shalt  }
0x7f: {  	_ =	shalt  }
0x80: {  	_ =	shalt  }
0x81: {  	_ =	shalt  }
0x82: {  	_ =	shalt  }
0x83: {  	_ =	shalt  }
0x84: {  	_ =	shalt  }
0x85: {  	_ =	shalt  }
0x86: {  	_ =	shalt  }
0x87: {  	_ =	shalt  }
.Lfunc_end0:
.L_simem_size_0:
called_computation.1_lowered:
.L_overlay_start_0:
0x88: {  	s2 =	sld [smem:$0x3FD9]  }
0x89: {  	s3 =	sld [smem:$0x3FFE];
	_ =	sdelay $0x1  }
0x8a: {  	s1 =	srdreg.scid  }
0x8b: {  	s0 =	sand.u32 $0x1, s1  }
0x8c: {  	s17 =	sshll.u32 s0, $0xA;
	s2 =	sadd.s32 s3, s2  }
0x8d: {  	s2 =	sadd.s32 s2, s17  }
0x8e: {  	[smem:$0x3FC0] =	sst s2  }
0x8f: {  	_ = 	snop  }
0x90: {  	s2 =	sld [smem:$0x3FD0];
	(tm) =	ssettm $0x1  }
0x91: {  	s18 =	sld [smem:$0x3FFB];
	_ =	sdelay $0x3  }
0x92: {  	_ =	strace s18  }
0x93: {  	s3 =	sld [smem:$0x3FFC];
	_ =	sdelay $0x3  }
0x94: {  	_ =	strace s3  }
0x95: {  	s3 =	sld [smem:$0x3FFD];
	_ =	sdelay $0x3  }
0x96: {  	_ =	strace s3  }
0x97: {  	_ =	strace $0x8FFFFFFF  }
0x98: {  	s19 =	sld [smem:$0x3FDB];
	_ =	sdelay $0x1  }
0x99: {  	s4 =	simm.s32 $_scs_section_size  }
0x9a: {  	s5 =	simm.s32 $_size__tile_overlayer_lowered;
	s6 =	simm.s32 $_tile_overlayer_lowered  }
0x9b: {  	s22 =	simm.s32 $0x1BFF;
	s21 =	sshll.u32 s6, $0x1;
	s3 =	sadd.s32 s4, s19  }
0x9c: {  	s7 =	simm.s32 $0x0;
	s20 =	sshll.u32 s5, $0x1;
	s5 =	sadd.s32 s21, s3  }
0x9d: {  	[timem:s7], [sflag:s22] =	dma.local [hbm:s5], s20  }
0x9e: {  	_ =	swait.ge [sflag:s22], s20  }
0x9f: {  	s4 =	ssub.s32 $0x0, s20;
	[sflag:s22] =	ssyncset.done $0x0  }
0xa0: {  	[sflag:s22] =	ssyncadd.s32 s4;
	_ =	sdelay $0x1  }
0xa1: {  	s23 =	simm.s32 $0x1B8B  }
0xa2: {  	_ =	swait.ge [sflag:s23], $0x1  }
0xa3: {  	[sflag:s23] =	ssyncset.done $0x0  }
0xa4: {  	s25 =	simm.s32 $0x1B8E;
	s24 =	sld [smem:$0x3FFE];
	[sflag:s23] =	ssyncadd.s32 $0xFFFFFFFF  }
0xa5: {  	s26 =	simm.s32 $execute0_lowered;
	[smem:$0x3FD2] =	sst s25  }
0xa6: {  	s5 =	sshll.u32 s26, $0x1;
	_ =	strace $0x80000049;
	[dreg:$0x1] =	wrdreg $0xFFFFFFFF  }
0xa7: {  	s28 =	simm.s32 $_size_execute0_lowered;
	s3 =	sadd.s32 s3, s5;
	[dreg:$0x0] =	wrdreg $0x0  }
0xa8: {  	s5 =	sshll.u32 s28, $0x1;
	[dreg:$0x2] =	wrdreg s3  }
0xa9: {  	[dreg:$0x3] =	wrdreg s5  }
0xaa: {  	[dreg:$0x4] =	wrdreg $0xC0  }
0xab: {  	_ =	task [dreg:s7], $0x5FFFF  }
0xac: {  	[dreg:$0x1] =	wrdreg $0xFFFFFFFF  }
0xad: {  	[dreg:$0x0] =	wrdreg $0x60  }
0xae: {  	[dreg:$0x2] =	wrdreg s24  }
0xaf: {  	[dreg:$0x3] =	wrdreg s2  }
0xb0: {  	[dreg:$0x4] =	wrdreg $0x130000  }
0xb1: {  	[dreg:$0x5] =	wrdreg $0x90000  }
0xb2: {  	[dreg:$0x6] =	wrdreg $0x9  }
0xb3: {  	_ =	task.clear_ibuf [dreg:s7], $0x7FFFF;
	_ =	strace $0x90000049  }
0xb4: {  	s29 =	simm.s32 $0x9;
	_ =	strace $0x8000004B  }
0xb5: {  	_ =	swait.ge [sflag:s29], $0x1  }
0xb6: {  	[sflag:s29] =	ssyncadd.s32 $0xFFFFFFFF  }
0xb7: {  	_ =	strace $0x9000004B  }
0xb8: {  	_ =	sfence  }
0xb9: {  	s30 =	sld [smem:$0x0];
	_ =	sdelay $0x2  }
0xba: {  	s31 =	sshll.u32 s1, $0xD;
	s1 =	sshrl.u32 s1, $0x2  }
0xbb: {  	s3 =	sand.u32 $0x4000, s31;
	s1 =	sadd.s32 s1, s30  }
0xbc: {  	s0 =	sor.u32 s3, s0;
	s1 =	sshll.u32 s1, $0x11  }
0xbd: {  	s0 =	sor.u32 s1, s0  }
0xbe: {  	s0 =	sadd.s32 $0x8F2B, s0  }
0xbf: {  	[sflag:s0] =	ssyncadd.remote.s32 $0x1  }
0xc0: {  	_ =	sfence.sel $0xFFFF  }
0xc1: {  	[dreg:$0x0] =	wrdreg $0xFFFFFFFF;
	(pc) =	sbr.abs _section_cstart, $3  }
0xc2: {  	[dreg:$0x1] =	wrdreg $0xFFFFFFFF  }
0xc3: {  	_ =	task.clear_ibuf [dreg:s7], $0x2FFFF;
	_ =	strace $0x9FFFFFFF  }
0xc4: {  	(tm) =	ssettm $0x7FFFFFFF  }
0xc5: {  	_ =	shalt  }
tec
execute0_lowered:
.L_overlay_start_1:
0x0: {  	(tag) =	ssettag $0x1  }
0x1: {  	s0 =	rddreg [dreg:$0x0]  }
0x2: {  	s1 =	rddreg [dreg:$0x1]  }
0x3: {  	s2 =	rddreg [dreg:$0x2];
	s4 =	srdreg.scid  }
0x4: {  	s11 =	stileid.u32;
	s3 =	rddreg [dreg:$0x3]  }
0x5: {  	s25 =	simm.s32 $0x0;
	s17 =	simm.s32 $0x5000;
	s18 =	simm.s32 $0x5  }
0x6: {  	s20 =	simm.s32 $0x2800;
	s21 =	simm.s32 $0x80;
	s22 =	simm.s32 $0x7000  }
0x7: {  	s23 =	simm.s32 $0x1;
	s24 =	simm.s32 $0x2;
	s28 =	simm.s32 $0x4F00  }
0x8: {  	s29 =	simm.s32 $0x4F80;
	s30 =	simm.s32 $0x0;
	s10 =	smul.u32 $0xA000, s11  }
0x9: {  	s5 =	sand.u32 $0x1, s4;
	[smem:$0x7FF] =	sst s25;
	s7 =	smul.u32 $0x28000, s11  }
0xa: {  	s16 =	sadd.s32 $0x2200, s0;
	s13 =	smul.u32 $0x5000, s11;
	s25 =	simm.s32 $0x3  }
0xb: {  	s6 =	smul.u32 $0xA0000, s5;
	_ =	strace $0x8000004A;
	s5 =	ssub.s32 $0x2, s5  }
0xc: {  	s7 =	sshrl.u32 s7, $0x2;
	s26 =	sshrl.u32 s5, $0x1;
	s19 =	sadd.s32 s10, s3  }
0xd: {  	s31 =	sshrl.u32 s13, $0x3;
	s6 =	sadd.s32 s10, s6;
	s9 =	sadd.s32 s7, s2  }
0xe: {  	s12 =	ssub.s32 s5, s26;
	s5 =	sadd.s32 s10, s2;
	s13 =	sadd.s32 s1, s31  }
0xf: {  	s14 =	sadd.s32 s16, s31;
	s19 =	sshrl.u32 s19, $0x3;
	s26 =	simm.s32 $0x4  }
0x10: {  	s6 =	sshrl.u32 s6, $0x3;
	s7 =	sadd.s32 $0x4000, s9;
	s8 =	sadd.s32 $0x6000, s9  }
0x11: {  	s12 =	smax.u32 s12, $0x1;
	s0 =	sadd.s32 s6, s0;
	s6 =	sadd.s32 $0x2000, s9  }
0x12: {  	s10 =	sadd.s32 $0xC200, s0;
	s11 =	sadd.s32 $0x34200, s0;
	s0 =	sadd.s32 $0x500, s31  }
0x13: {  	v0 =	vimm.f32 $0.0e+00;
	s9 =	sadd.s32 $0x8000, s9;
	s15 =	sadd.s32 s1, s0;
	s16 =	sadd.s32 s16, s0  }
.LBB2_1:
0x14: {  	s1 =	simm.s32 $0x0  }
0x15: {  	s0 =	sand.u32 $0x7F00, s1  }
0x16: {  	s31 =	sand.u32 $0x30, s1;
	s0 =	sshrl.u32 s0, $0x2  }
0x17: {  	s1 =	simm.s32 $0x40;
	s0 =	sor.u32 s31, s0;
	s31 =	simm.s32 $0x0  }
.LBB2_2:
0x18: {  	p0 =	sne.s32 s1, $0x7FC0  }
0x19: {  	[tilespmem:s0+$0x5000] =	vst v0;
	s31 =	sadd.s32 $0x10, s31;
	s0 =	smov.u32 s1;
	s1 =	sadd.s32 $0x40, s1  }
.Ltmp0:
0x1a: {  	(pc) =	sbr.rel @p0 .LBB2_2-.Ltmp0, $4  }
0x1b: {  	_ = 	snop  }
0x1c: {  	s0 =	sand.u32 $0x7F00, s0  }
0x1d: {  	s4 =	sand.u32 $0x30, s31;
	s0 =	sshrl.u32 s0, $0x2  }
0x1e: {  	s0 =	sor.u32 s4, s0  }
0x1f: {  	[tilespmem:s0+$0x5000] =	vst v0  }
0x20: {  	[spmem:s5] =	stream.linear.scatter [tilespmem:s17], [sflag:$0x5], $0x2000, $0x38;
	[tilespmem:$0x1D000] =	vst v63  }
0x21: {  	_ =	swait.ge [sflag:s18], $0x2000  }
0x22: {  	[sflag:s18] =	ssyncset.done $0x0  }
0x23: {  	[sflag:s18] =	ssyncadd.s32 $0xFFFFE000  }
0x24: {  	[spmem:s6] =	stream.linear.scatter [tilespmem:s17], [sflag:$0x5], $0x2000, $0x38;
	[tilespmem:$0x1D000] =	vst v63  }
0x25: {  	_ =	swait.ge [sflag:s18], $0x2000  }
0x26: {  	[sflag:s18] =	ssyncset.done $0x0  }
0x27: {  	[sflag:s18] =	ssyncadd.s32 $0xFFFFE000  }
0x28: {  	[spmem:s7] =	stream.linear.scatter [tilespmem:s17], [sflag:$0x5], $0x2000, $0x38;
	[tilespmem:$0x1D000] =	vst v63  }
0x29: {  	_ =	swait.ge [sflag:s18], $0x2000  }
0x2a: {  	[sflag:s18] =	ssyncset.done $0x0  }
0x2b: {  	[sflag:s18] =	ssyncadd.s32 $0xFFFFE000  }
0x2c: {  	[spmem:s8] =	stream.linear.scatter [tilespmem:s17], [sflag:$0x5], $0x2000, $0x38;
	[tilespmem:$0x1D000] =	vst v63  }
0x2d: {  	_ =	swait.ge [sflag:s18], $0x2000  }
0x2e: {  	[sflag:s18] =	ssyncset.done $0x0  }
0x2f: {  	[sflag:s18] =	ssyncadd.s32 $0xFFFFE000  }
0x30: {  	[spmem:s9] =	stream.linear.scatter [tilespmem:s17], [sflag:$0x5], $0x2000, $0x38;
	[tilespmem:$0x1D000] =	vst v63  }
0x31: {  	s4 =	stileid.u32;
	_ =	swait.ge [sflag:s18], $0x2000  }
0x32: {  	s0 =	sshll.u32 s4, $0x6;
	[sflag:s18] =	ssyncset.done $0x0  }
0x33: {  	s31 =	sor.u32 $0x1C05, s0;
	[sflag:s18] =	ssyncadd.s32 $0xFFFFE000  }
0x34: {  	[spmem:s19], [sflag:s31] =	dma.local [hbm:s10], $0x1400  }
0x35: {  	_ =	swait.ge [sflag:s18], $0x1400  }
0x36: {  	[sflag:s18] =	ssyncset.done $0x0  }
0x37: {  	[sflag:s18] =	ssyncadd.s32 $0xFFFFEC00  }
0x38: {  	s1 =	simm.s32 $0x0;
	[bflag:$0x0] =	sbarrier.arrive $0xFFFF  }
0x39: {  	[tilespmem:s1], [sflag:$0x5] =	stream.linear.gather [hbm4b:s13+s1], $0x2800, $0x38;
	[tilespmem:$0x1D000] =	vst v63  }
0x3a: {  	_ =	swait.ge [sflag:s18], $0x2800  }
0x3b: {  	[sflag:s18] =	ssyncset.done $0x0  }
0x3c: {  	[sflag:s18] =	ssyncadd.s32 $0xFFFFD800  }
0x3d: {  	[tilespmem:s20], [sflag:$0x5] =	stream.linear.gather [hbm4b:s14+s1], $0x2800, $0x38;
	[tilespmem:$0x1D000] =	vst v63  }
0x3e: {  	_ =	swait.ge [sflag:s18], $0x2800  }
0x3f: {  	[sflag:s18] =	ssyncset.done $0x0  }
0x40: {  	[sflag:s18] =	ssyncadd.s32 $0xFFFFD800  }
0x41: {  	[tilespmem:s17], [sflag:$0x1] =	stream.indirect.gather [spmem:s3], $0x40, s1, s21, $0xb8;
	[tilespmem:$0x1D000] =	vst v63  }
0x42: {  	_ = 	snop  }
0x43: {  	[tilespmem:s22], [sflag:$0x2] =	stream.indirect.gather [spmem:s3], $0x40, s21, s21, $0xb8;
	[tilespmem:$0x1D000] =	vst v63  }
0x44: {  	_ =	swait.ge [sflag:s23], $0x2000  }
0x45: {  	[sflag:s23] =	ssyncset.done $0x0  }
0x46: {  	s4 =	simm.s32 $0x2800;
	[sflag:s23] =	ssyncadd.s32 $0xFFFFE000  }
0x47: {  	[spmem:s2] =	stream.indirect.scatter.add.f32 [tilespmem:s17], [sflag:$0x3], $0x40, s4, s21, $0xb8;
	[tilespmem:$0x1D000] =	vst v63  }
0x48: {  	_ =	swait.ge [sflag:s24], $0x2000  }
0x49: {  	[sflag:s24] =	ssyncset.done $0x0  }
0x4a: {  	s1 =	simm.s32 $0x2880;
	[sflag:s24] =	ssyncadd.s32 $0xFFFFE000  }
0x4b: {  	[spmem:s2] =	stream.indirect.scatter.add.f32 [tilespmem:s22], [sflag:$0x4], $0x40, s1, s21, $0xb8;
	[tilespmem:$0x1D000] =	vst v63  }
0x4c: {  	_ =	swait.ge [sflag:s25], $0x2000  }
0x4d: {  	[sflag:s25] =	ssyncset.done $0x0  }
0x4e: {  	s4 =	simm.s32 $0x100;
	[sflag:s25] =	ssyncadd.s32 $0xFFFFE000  }
0x4f: {  	[tilespmem:s17], [sflag:$0x1] =	stream.indirect.gather [spmem:s3], $0x40, s4, s21, $0xb8;
	[tilespmem:$0x1D000] =	vst v63  }
0x50: {  	_ =	swait.ge [sflag:s26], $0x2000  }
0x51: {  	[sflag:s26] =	ssyncset.done $0x0  }
0x52: {  	s0 =	simm.s32 $0x180;
	s1 =	simm.s32 $0x400;
	[sflag:s26] =	ssyncadd.s32 $0xFFFFE000  }
.LBB2_4:
0x53: {  	[tilespmem:s22], [sflag:$0x2] =	stream.indirect.gather [spmem:s3], $0x40, s0, s21, $0xb8;
	[tilespmem:$0x1D000] =	vst v63  }
0x54: {  	s0 =	smov.u32 s1  }
0x55: {  	p0 =	sne.s32 s1, $0x9800;
	s1 =	sadd.s32 $0x400, s1;
	_ =	swait.ge [sflag:s23], $0x2000  }
0x56: {  	s0 =	sshra.s32 s0, $0x2;
	[sflag:s23] =	ssyncset.done $0x0  }
0x57: {  	s4 =	sadd.s32 $0x2800, s0;
	[sflag:s23] =	ssyncadd.s32 $0xFFFFE000  }
0x58: {  	[spmem:s2] =	stream.indirect.scatter.add.f32 [tilespmem:s17], [sflag:$0x3], $0x40, s4, s21, $0xb8;
	[tilespmem:$0x1D000] =	vst v63  }
0x59: {  	_ =	swait.ge [sflag:s24], $0x2000  }
0x5a: {  	[sflag:s24] =	ssyncset.done $0x0  }
0x5b: {  	s4 =	sadd.s32 $0x2880, s0;
	[sflag:s24] =	ssyncadd.s32 $0xFFFFE000  }
0x5c: {  	[spmem:s2] =	stream.indirect.scatter.add.f32 [tilespmem:s22], [sflag:$0x4], $0x40, s4, s21, $0xb8;
	[tilespmem:$0x1D000] =	vst v63  }
0x5d: {  	_ =	swait.ge [sflag:s25], $0x2000  }
0x5e: {  	[sflag:s25] =	ssyncset.done $0x0  }
.Ltmp1:
0x5f: {  	s4 =	sadd.s32 $0x100, s0;
	[sflag:s25] =	ssyncadd.s32 $0xFFFFE000;
	(pc) =	sbr.rel @p0 .LBB2_4-.Ltmp1, $4  }
0x60: {  	[tilespmem:s17], [sflag:$0x1] =	stream.indirect.gather [spmem:s3], $0x40, s4, s21, $0xb8;
	[tilespmem:$0x1D000] =	vst v63  }
0x61: {  	_ =	swait.ge [sflag:s26], $0x2000  }
0x62: {  	[sflag:s26] =	ssyncset.done $0x0  }
0x63: {  	s0 =	sadd.s32 $0x180, s0;
	[sflag:s26] =	ssyncadd.s32 $0xFFFFE000  }
0x64: {  	[tilespmem:s22], [sflag:$0x2] =	stream.indirect.gather [spmem:s3], $0x40, s0, s21, $0xb8;
	[tilespmem:$0x1D000] =	vst v63  }
0x65: {  	_ =	swait.ge [sflag:s23], $0x2000  }
0x66: {  	[sflag:s23] =	ssyncset.done $0x0  }
0x67: {  	[sflag:s23] =	ssyncadd.s32 $0xFFFFE000  }
0x68: {  	[spmem:s2] =	stream.indirect.scatter.add.f32 [tilespmem:s17], [sflag:$0x3], $0x40, s28, s21, $0xb8;
	[tilespmem:$0x1D000] =	vst v63  }
0x69: {  	_ =	swait.ge [sflag:s24], $0x2000  }
0x6a: {  	[sflag:s24] =	ssyncset.done $0x0  }
0x6b: {  	[sflag:s24] =	ssyncadd.s32 $0xFFFFE000  }
0x6c: {  	[spmem:s2] =	stream.indirect.scatter.add.f32 [tilespmem:s22], [sflag:$0x4], $0x40, s29, s21, $0xb8;
	[tilespmem:$0x1D000] =	vst v63  }
0x6d: {  	_ =	swait.ge [sflag:s25], $0x2000  }
0x6e: {  	[sflag:s25] =	ssyncset.done $0x0  }
0x6f: {  	[sflag:s25] =	ssyncadd.s32 $0xFFFFE000  }
0x70: {  	_ =	swait.ge [sflag:s26], $0x2000  }
0x71: {  	[sflag:s26] =	ssyncset.done $0x0  }
0x72: {  	s1 =	simm.s32 $0x0;
	[sflag:s26] =	ssyncadd.s32 $0xFFFFE000  }
0x73: {  	[tilespmem:s1], [sflag:$0x5] =	stream.linear.gather [hbm4b:s15+s1], $0x2800, $0x38;
	[tilespmem:$0x1D000] =	vst v63  }
0x74: {  	_ =	swait.ge [sflag:s18], $0x2800  }
0x75: {  	[sflag:s18] =	ssyncset.done $0x0  }
0x76: {  	[sflag:s18] =	ssyncadd.s32 $0xFFFFD800  }
0x77: {  	[tilespmem:s20], [sflag:$0x5] =	stream.linear.gather [hbm4b:s16+s1], $0x2800, $0x38;
	[tilespmem:$0x1D000] =	vst v63  }
0x78: {  	_ =	swait.ge [sflag:s18], $0x2800  }
0x79: {  	[sflag:s18] =	ssyncset.done $0x0  }
0x7a: {  	[sflag:s18] =	ssyncadd.s32 $0xFFFFD800  }
0x7b: {  	[tilespmem:s17], [sflag:$0x1] =	stream.indirect.gather [spmem:s3], $0x40, s1, s21, $0xb8;
	[tilespmem:$0x1D000] =	vst v63  }
0x7c: {  	_ = 	snop  }
0x7d: {  	[tilespmem:s22], [sflag:$0x2] =	stream.indirect.gather [spmem:s3], $0x40, s21, s21, $0xb8;
	[tilespmem:$0x1D000] =	vst v63  }
0x7e: {  	_ =	swait.ge [sflag:s23], $0x2000  }
0x7f: {  	[sflag:s23] =	ssyncset.done $0x0  }
0x80: {  	s4 =	simm.s32 $0x2800;
	[sflag:s23] =	ssyncadd.s32 $0xFFFFE000  }
0x81: {  	[spmem:s2] =	stream.indirect.scatter.add.f32 [tilespmem:s17], [sflag:$0x3], $0x40, s4, s21, $0xb8;
	[tilespmem:$0x1D000] =	vst v63  }
0x82: {  	_ =	swait.ge [sflag:s24], $0x2000  }
0x83: {  	[sflag:s24] =	ssyncset.done $0x0  }
0x84: {  	s1 =	simm.s32 $0x2880;
	[sflag:s24] =	ssyncadd.s32 $0xFFFFE000  }
0x85: {  	[spmem:s2] =	stream.indirect.scatter.add.f32 [tilespmem:s22], [sflag:$0x4], $0x40, s1, s21, $0xb8;
	[tilespmem:$0x1D000] =	vst v63  }
0x86: {  	_ =	swait.ge [sflag:s25], $0x2000  }
0x87: {  	[sflag:s25] =	ssyncset.done $0x0  }
0x88: {  	s4 =	simm.s32 $0x100;
	[sflag:s25] =	ssyncadd.s32 $0xFFFFE000  }
0x89: {  	[tilespmem:s17], [sflag:$0x1] =	stream.indirect.gather [spmem:s3], $0x40, s4, s21, $0xb8;
	[tilespmem:$0x1D000] =	vst v63  }
0x8a: {  	_ =	swait.ge [sflag:s26], $0x2000  }
0x8b: {  	[sflag:s26] =	ssyncset.done $0x0  }
0x8c: {  	s0 =	simm.s32 $0x180;
	s1 =	simm.s32 $0x400;
	[sflag:s26] =	ssyncadd.s32 $0xFFFFE000  }
.LBB2_6:
0x8d: {  	[tilespmem:s22], [sflag:$0x2] =	stream.indirect.gather [spmem:s3], $0x40, s0, s21, $0xb8;
	[tilespmem:$0x1D000] =	vst v63  }
0x8e: {  	s0 =	smov.u32 s1  }
0x8f: {  	p0 =	sne.s32 s1, $0x9800;
	s1 =	sadd.s32 $0x400, s1;
	_ =	swait.ge [sflag:s23], $0x2000  }
0x90: {  	s0 =	sshra.s32 s0, $0x2;
	[sflag:s23] =	ssyncset.done $0x0  }
0x91: {  	s4 =	sadd.s32 $0x2800, s0;
	[sflag:s23] =	ssyncadd.s32 $0xFFFFE000  }
0x92: {  	[spmem:s2] =	stream.indirect.scatter.add.f32 [tilespmem:s17], [sflag:$0x3], $0x40, s4, s21, $0xb8;
	[tilespmem:$0x1D000] =	vst v63  }
0x93: {  	_ =	swait.ge [sflag:s24], $0x2000  }
0x94: {  	[sflag:s24] =	ssyncset.done $0x0  }
0x95: {  	s4 =	sadd.s32 $0x2880, s0;
	[sflag:s24] =	ssyncadd.s32 $0xFFFFE000  }
0x96: {  	[spmem:s2] =	stream.indirect.scatter.add.f32 [tilespmem:s22], [sflag:$0x4], $0x40, s4, s21, $0xb8;
	[tilespmem:$0x1D000] =	vst v63  }
0x97: {  	_ =	swait.ge [sflag:s25], $0x2000  }
0x98: {  	[sflag:s25] =	ssyncset.done $0x0  }
.Ltmp2:
0x99: {  	s4 =	sadd.s32 $0x100, s0;
	[sflag:s25] =	ssyncadd.s32 $0xFFFFE000;
	(pc) =	sbr.rel @p0 .LBB2_6-.Ltmp2, $4  }
0x9a: {  	[tilespmem:s17], [sflag:$0x1] =	stream.indirect.gather [spmem:s3], $0x40, s4, s21, $0xb8;
	[tilespmem:$0x1D000] =	vst v63  }
0x9b: {  	_ =	swait.ge [sflag:s26], $0x2000  }
0x9c: {  	[sflag:s26] =	ssyncset.done $0x0  }
0x9d: {  	s0 =	sadd.s32 $0x180, s0;
	[sflag:s26] =	ssyncadd.s32 $0xFFFFE000  }
0x9e: {  	[tilespmem:s22], [sflag:$0x2] =	stream.indirect.gather [spmem:s3], $0x40, s0, s21, $0xb8;
	[tilespmem:$0x1D000] =	vst v63  }
0x9f: {  	_ =	swait.ge [sflag:s23], $0x2000  }
0xa0: {  	[sflag:s23] =	ssyncset.done $0x0  }
0xa1: {  	[sflag:s23] =	ssyncadd.s32 $0xFFFFE000  }
0xa2: {  	[spmem:s2] =	stream.indirect.scatter.add.f32 [tilespmem:s17], [sflag:$0x3], $0x40, s28, s21, $0xb8;
	[tilespmem:$0x1D000] =	vst v63  }
0xa3: {  	_ =	swait.ge [sflag:s24], $0x2000  }
0xa4: {  	[sflag:s24] =	ssyncset.done $0x0  }
0xa5: {  	[sflag:s24] =	ssyncadd.s32 $0xFFFFE000  }
0xa6: {  	[spmem:s2] =	stream.indirect.scatter.add.f32 [tilespmem:s22], [sflag:$0x4], $0x40, s29, s21, $0xb8;
	[tilespmem:$0x1D000] =	vst v63  }
0xa7: {  	_ =	swait.ge [sflag:s25], $0x2000  }
0xa8: {  	[sflag:s25] =	ssyncset.done $0x0  }
0xa9: {  	[sflag:s25] =	ssyncadd.s32 $0xFFFFE000  }
0xaa: {  	_ =	swait.ge [sflag:s26], $0x2000  }
0xab: {  	s30 =	sadd.s32 $0x1, s30;
	[sflag:s26] =	ssyncset.done $0x0  }
0xac: {  	p0 =	sne.s32 s30, s12;
	[sflag:s26] =	ssyncadd.s32 $0xFFFFE000  }
.Ltmp3:
0xad: {  	s4 =	sshrl.u32 s5, $0x3;
	[bflag:$0x0] =	sbarrier.arrive $0xFFFF;
	(pc) =	sbr.rel @p0 .LBB2_1-.Ltmp3, $4  }
0xae: {  	[hbm:s11], [sflag:s31] =	dma.local [spmem:s4], $0x1400  }
0xaf: {  	_ =	swait.ge [sflag:s18], $0x1400  }
0xb0: {  	[sflag:s18] =	ssyncset.done $0x0  }
0xb1: {  	[sflag:s18] =	ssyncadd.s32 $0xFFFFEC00  }
0xb2: {  	_ =	sfence.sel $0x180000  }
0xb3: {  	[bflag:$0x0] =	sbarrier.arrive $0xFFFF  }
0xb4: {  	_ =	strace $0x9000004A  }
0xb5: {  	s0 =	stileid.u32;
	[bflag:$0x2] =	sbarrier.arrive $0xFFFF  }
0xb6: {  	p0 =	sne.s32 s0, $0x0;
	s0 =	rddreg [dreg:$0x4]  }
0xb7: {  	s0 =	sadd.s32 @!p0 $0x100000, s0  }
0xb8: {  	[sflag:s0] =	ssyncadd.tile.s32 @!p0 $0x1;
	_ =	shalt  }
.Lfunc_end2:
_tile_overlayer_lowered:
.L_overlay_start_2:
0xb9: {  	(tag) =	ssettag $0x2  }
0xba: {  	s0 =	rddreg [dreg:$0x0];
	s2 =	stileid.u32  }
0xbb: {  	s1 =	rddreg [dreg:$0x1];
	p0 =	sne.s32 s2, $0x0  }
0xbc: {  	s3 =	rddreg [dreg:$0x2];
	[bflag:$0x3] =	sbarrier.arrive $0xFFFF;
	s2 =	simm.s32 @!p0 $0x1C05  }
0xbd: {  	[timem:s3], [sflag:s2] =	dma.local @!p0 [hbm:s0], s1  }
0xbe: {  	s0 =	simm.s32 @!p0 $0x5  }
0xbf: {  	_ =	swait.ge @!p0 [sflag:s0], s1  }
0xc0: {  	s1 =	ssub.s32 @!p0 $0x0, s1;
	[sflag:s0] =	ssyncset.done @!p0 $0x0  }
0xc1: {  	[sflag:s0] =	ssyncadd.s32 @!p0 s1  }
0xc2: {  	[bflag:$0x3] =	sbarrier.arrive $0xFFFF  }
0xc3: {  	_ =	shalt  }

// kernel: kernel.14.cloned.1.call-start
scs
__scs_entry_jumppad:
0x0: {  	(pc) =	sbr.rel $0x88, $3  }
0x1: {  	(tag) =	ssettag $0x0;
	lr =	simm.s32 $0x1  }
0x2: {  	[smem:$0x3F99] =	sst lr;
	_ =	strace $0xD0000000  }
0x3: {  	_ = 	snop  }
0x4: {  	_ = 	snop  }
0x5: {  	_ = 	snop  }
0x6: {  	_ = 	snop  }
0x7: {  	_ = 	snop  }
__scs_overlays_trampoline_lowered:
0x8: {  	[smem:$0x3FA8] =	sst s0  }
0x9: {  	[smem:$0x3FA9] =	sst s1  }
0xa: {  	[smem:$0x3FAA] =	sst s2  }
0xb: {  	[smem:$0x3FAB] =	sst s3  }
0xc: {  	[smem:$0x3FAC] =	sst s4  }
0xd: {  	[smem:$0x3FAD] =	sst s5  }
0xe: {  	[smem:$0x3FAE] =	sst s6  }
0xf: {  	[smem:$0x3FAF] =	sst s7  }
0x10: {  	[smem:$0x3FB0] =	sst s8  }
0x11: {  	[smem:$0x3FB1] =	sst s9;
	s0 =	simm.s32 @!p0 $0x0  }
0x12: {  	s1 =	sld [smem:$0x3F97];
	s0 =	simm.s32 @p0 $0x1  }
0x13: {  	[smem:$0x3FB2] =	sst s0;
	s0 =	simm.s32 @!p1 $0x0  }
0x14: {  	s2 =	sld [smem:$0x3F96];
	s0 =	simm.s32 @p1 $0x1  }
0x15: {  	[smem:$0x3FB3] =	sst s0;
	s0 =	simm.s32 @!p2 $0x0  }
0x16: {  	s3 =	sld [smem:$0x3FDB];
	s0 =	simm.s32 @p2 $0x1  }
0x17: {  	s4 =	simm.s32 $0x1BF5;
	[smem:$0x3FB5] =	sst s0  }
0x18: {  	s0 =	sld [smem:$0x3F98];
	_ =	swait.ge [sflag:s4], $0x0  }
0x19: {  	s7 =	sld [smem:$0x3F99]  }
0x1a: {  	s8 =	sadd.s32 $0xFFFFE003, lr  }
0x1b: {  	s9 =	sadd.s32 $0xFFFFFEF7, lr;
	s5 =	simm.s32 $0xFFFFFFFF;
	p2 =	slt.u32 s8, $0xFFFFF086  }
0x1c: {  	p1 =	slt.u32 s9, $0xF7A;
	s5 =	simm.s32 @!p2 $0x0  }
0x1d: {  	s5 =	simm.s32 @p1 $0x1;
	p0 =	seq.s32 s7, s2  }
0x1e: {  	s7 =	smul.u32 @!p0 $0xF7A, s2;
	p2 =	seq.s32 @!p0 s5, $0x0  }
0x1f: {  	s9 =	smul.u32 $0xF7A, s1;
	s8 =	simm.s32 @!p0 $0x1BF5;
	p2 =	por !p2, p0  }
0x20: {  	[sflag:s8] =	ssyncset.s32 @!p0 $0xFFFFF086;
	s6 =	sadd.s32 @!p0 s3, s7;
	s7 =	simm.s32 @!p0 $0x108  }
0x21: {  	s3 =	sadd.s32 s3, s9;
	s6 =	sadd.s32 @!p0 $0x88, s6;
	s7 =	simm.s32 @p2 $0x1082  }
0x22: {  	[simem:s7], [sflag:s8] =	dma.local @!p0 [hbm:s6], $0xF7A  }
0x23: {  	s9 =	sor.u32 $0xD0000000, s2;
	s6 =	simm.s32 $0x108;
	_ =	swait.ge @!p0 [sflag:s8], $0x0  }
0x24: {  	s3 =	sadd.s32 $0x88, s3;
	s6 =	simm.s32 @!p1 $0x1082;
	[sflag:s4] =	ssyncset.s32 $0xFFFFF086  }
0x25: {  	[simem:s6], [sflag:s4] =	dma.local [hbm:s3], $0xF7A  }
0x26: {  	[smem:$0x3F99] =	sst s1;
	(tag) =	ssettag s2;
	_ =	strace s9  }
0x27: {  	s1 =	sld [smem:$0x3FA9]  }
0x28: {  	s2 =	sld [smem:$0x3FAA]  }
0x29: {  	s4 =	sld [smem:$0x3FAC]  }
0x2a: {  	p0 =	seq.s32 s5, $0x0;
	s5 =	sld [smem:$0x3FAD]  }
0x2b: {  	s6 =	sld [smem:$0x3FAE]  }
0x2c: {  	s7 =	sld [smem:$0x3FAF]  }
0x2d: {  	s3 =	simm.s32 $0x108;
	s8 =	sld [smem:$0x3FB0]  }
0x2e: {  	s3 =	simm.s32 @!p0 $0x1082;
	s9 =	sld [smem:$0x3FB1]  }
0x2f: {  	lr =	sadd.s32 s0, s3;
	s0 =	sld [smem:$0x3FA8]  }
0x30: {  	s3 =	sld [smem:$0x3FAB]  }
0x31: {  	[smem:$0x3FB4] =	sst s10  }
0x32: {  	s10 =	sld [smem:$0x3FB2];
	_ =	sdelay $0x3  }
0x33: {  	p0 =	seq.s32 s10, $0x1;
	s10 =	sld [smem:$0x3FB4];
	_ =	sdelay $0x3  }
0x34: {  	[smem:$0x3FB4] =	sst s10  }
0x35: {  	s10 =	sld [smem:$0x3FB3];
	_ =	sdelay $0x3  }
0x36: {  	p1 =	seq.s32 s10, $0x1;
	s10 =	sld [smem:$0x3FB4];
	_ =	sdelay $0x3  }
0x37: {  	[smem:$0x3FB4] =	sst s10  }
0x38: {  	s10 =	sld [smem:$0x3FB5]  }
0x39: {  	_ = 	snop;
	(pc) =	sbr.ind lr, $3  }
0x3a: {  	_ = 	snop  }
0x3b: {  	_ = 	snop  }
0x3c: {  	p2 =	seq.s32 s10, $0x1;
	s10 =	sld [smem:$0x3FB4]  }
0x3d: {  	_ =	shalt  }
0x3e: {  	_ =	shalt  }
0x3f: {  	_ =	shalt  }
0x40: {  	_ =	shalt  }
0x41: {  	_ =	shalt  }
0x42: {  	_ =	shalt  }
0x43: {  	_ =	shalt  }
0x44: {  	_ =	shalt  }
0x45: {  	_ =	shalt  }
0x46: {  	_ =	shalt  }
0x47: {  	_ =	shalt  }
0x48: {  	_ =	shalt  }
0x49: {  	_ =	shalt  }
0x4a: {  	_ =	shalt  }
0x4b: {  	_ =	shalt  }
0x4c: {  	_ =	shalt  }
0x4d: {  	_ =	shalt  }
0x4e: {  	_ =	shalt  }
0x4f: {  	_ =	shalt  }
0x50: {  	_ =	shalt  }
0x51: {  	_ =	shalt  }
0x52: {  	_ =	shalt  }
0x53: {  	_ =	shalt  }
0x54: {  	_ =	shalt  }
0x55: {  	_ =	shalt  }
0x56: {  	_ =	shalt  }
0x57: {  	_ =	shalt  }
0x58: {  	_ =	shalt  }
0x59: {  	_ =	shalt  }
0x5a: {  	_ =	shalt  }
0x5b: {  	_ =	shalt  }
0x5c: {  	_ =	shalt  }
0x5d: {  	_ =	shalt  }
0x5e: {  	_ =	shalt  }
0x5f: {  	_ =	shalt  }
0x60: {  	_ =	shalt  }
0x61: {  	_ =	shalt  }
0x62: {  	_ =	shalt  }
0x63: {  	_ =	shalt  }
0x64: {  	_ =	shalt  }
0x65: {  	_ =	shalt  }
0x66: {  	_ =	shalt  }
0x67: {  	_ =	shalt  }
0x68: {  	_ =	shalt  }
0x69: {  	_ =	shalt  }
0x6a: {  	_ =	shalt  }
0x6b: {  	_ =	shalt  }
0x6c: {  	_ =	shalt  }
0x6d: {  	_ =	shalt  }
0x6e: {  	_ =	shalt  }
0x6f: {  	_ =	shalt  }
0x70: {  	_ =	shalt  }
0x71: {  	_ =	shalt  }
0x72: {  	_ =	shalt  }
0x73: {  	_ =	shalt  }
0x74: {  	_ =	shalt  }
0x75: {  	_ =	shalt  }
0x76: {  	_ =	shalt  }
0x77: {  	_ =	shalt  }
0x78: {  	_ =	shalt  }
0x79: {  	_ =	shalt  }
0x7a: {  	_ =	shalt  }
0x7b: {  	_ =	shalt  }
0x7c: {  	_ =	shalt  }
0x7d: {  	_ =	shalt  }
0x7e: {  	_ =	shalt  }
0x7f: {  	_ =	shalt  }
0x80: {  	_ =	shalt  }
0x81: {  	_ =	shalt  }
0x82: {  	_ =	shalt  }
0x83: {  	_ =	shalt  }
0x84: {  	_ =	shalt  }
0x85: {  	_ =	shalt  }
0x86: {  	_ =	shalt  }
0x87: {  	_ =	shalt  }
.Lfunc_end0:
.L_simem_size_0:
called_computation.2_lowered:
.L_overlay_start_0:
0x88: {  	s2 =	sld [smem:$0x3FD9]  }
0x89: {  	s3 =	sld [smem:$0x3FFE];
	_ =	sdelay $0x1  }
0x8a: {  	s1 =	srdreg.scid  }
0x8b: {  	s0 =	sand.u32 $0x1, s1  }
0x8c: {  	s17 =	sshll.u32 s0, $0xA;
	s2 =	sadd.s32 s3, s2  }
0x8d: {  	s2 =	sadd.s32 s2, s17  }
0x8e: {  	[smem:$0x3FC0] =	sst s2  }
0x8f: {  	_ = 	snop  }
0x90: {  	s2 =	sld [smem:$0x3FD0];
	(tm) =	ssettm $0x1  }
0x91: {  	s18 =	sld [smem:$0x3FFB];
	_ =	sdelay $0x3  }
0x92: {  	_ =	strace s18  }
0x93: {  	s3 =	sld [smem:$0x3FFC];
	_ =	sdelay $0x3  }
0x94: {  	_ =	strace s3  }
0x95: {  	s3 =	sld [smem:$0x3FFD];
	_ =	sdelay $0x3  }
0x96: {  	_ =	strace s3  }
0x97: {  	_ =	strace $0x8FFFFFFF  }
0x98: {  	s19 =	sld [smem:$0x3FDB];
	_ =	sdelay $0x1  }
0x99: {  	s4 =	simm.s32 $_scs_section_size  }
0x9a: {  	s5 =	simm.s32 $_size__tile_overlayer_lowered;
	s6 =	simm.s32 $_tile_overlayer_lowered  }
0x9b: {  	s22 =	simm.s32 $0x1BFF;
	s21 =	sshll.u32 s6, $0x1;
	s3 =	sadd.s32 s4, s19  }
0x9c: {  	s7 =	simm.s32 $0x0;
	s20 =	sshll.u32 s5, $0x1;
	s5 =	sadd.s32 s21, s3  }
0x9d: {  	[timem:s7], [sflag:s22] =	dma.local [hbm:s5], s20  }
0x9e: {  	_ =	swait.ge [sflag:s22], s20  }
0x9f: {  	s4 =	ssub.s32 $0x0, s20;
	[sflag:s22] =	ssyncset.done $0x0  }
0xa0: {  	[sflag:s22] =	ssyncadd.s32 s4;
	_ =	sdelay $0x1  }
0xa1: {  	s23 =	simm.s32 $0x1B8B  }
0xa2: {  	_ =	swait.ge [sflag:s23], $0x1  }
0xa3: {  	[sflag:s23] =	ssyncset.done $0x0  }
0xa4: {  	s25 =	simm.s32 $0x1B8E;
	s24 =	sld [smem:$0x3FFE];
	[sflag:s23] =	ssyncadd.s32 $0xFFFFFFFF  }
0xa5: {  	s26 =	simm.s32 $execute0_lowered;
	[smem:$0x3FD2] =	sst s25  }
0xa6: {  	s5 =	sshll.u32 s26, $0x1;
	_ =	strace $0x8000004C;
	[dreg:$0x1] =	wrdreg $0xFFFFFFFF  }
0xa7: {  	s28 =	simm.s32 $_size_execute0_lowered;
	s3 =	sadd.s32 s3, s5;
	[dreg:$0x0] =	wrdreg $0x0  }
0xa8: {  	s5 =	sshll.u32 s28, $0x1;
	[dreg:$0x2] =	wrdreg s3  }
0xa9: {  	[dreg:$0x3] =	wrdreg s5  }
0xaa: {  	[dreg:$0x4] =	wrdreg $0xC0  }
0xab: {  	_ =	task [dreg:s7], $0x5FFFF  }
0xac: {  	[dreg:$0x1] =	wrdreg $0xFFFFFFFF  }
0xad: {  	[dreg:$0x0] =	wrdreg $0x60  }
0xae: {  	[dreg:$0x2] =	wrdreg s24  }
0xaf: {  	[dreg:$0x3] =	wrdreg s2  }
0xb0: {  	[dreg:$0x4] =	wrdreg $0x130000  }
0xb1: {  	[dreg:$0x5] =	wrdreg $0x90000  }
0xb2: {  	[dreg:$0x6] =	wrdreg $0x9  }
0xb3: {  	_ =	task.clear_ibuf [dreg:s7], $0x7FFFF;
	_ =	strace $0x9000004C  }
0xb4: {  	s29 =	simm.s32 $0x9;
	_ =	strace $0x8000004E  }
0xb5: {  	_ =	swait.ge [sflag:s29], $0x1  }
0xb6: {  	[sflag:s29] =	ssyncadd.s32 $0xFFFFFFFF  }
0xb7: {  	_ =	strace $0x9000004E  }
0xb8: {  	_ =	sfence  }
0xb9: {  	s30 =	sld [smem:$0x0];
	_ =	sdelay $0x2  }
0xba: {  	s31 =	sshll.u32 s1, $0xD;
	s1 =	sshrl.u32 s1, $0x2  }
0xbb: {  	s3 =	sand.u32 $0x4000, s31;
	s1 =	sadd.s32 s1, s30  }
0xbc: {  	s0 =	sor.u32 s3, s0;
	s1 =	sshll.u32 s1, $0x11  }
0xbd: {  	s0 =	sor.u32 s1, s0  }
0xbe: {  	s0 =	sadd.s32 $0x8F2B, s0  }
0xbf: {  	[sflag:s0] =	ssyncadd.remote.s32 $0x1  }
0xc0: {  	_ =	sfence.sel $0xFFFF  }
0xc1: {  	[dreg:$0x0] =	wrdreg $0xFFFFFFFF;
	(pc) =	sbr.abs _section_cstart, $3  }
0xc2: {  	[dreg:$0x1] =	wrdreg $0xFFFFFFFF  }
0xc3: {  	_ =	task.clear_ibuf [dreg:s7], $0x2FFFF;
	_ =	strace $0x9FFFFFFF  }
0xc4: {  	(tm) =	ssettm $0x7FFFFFFF  }
0xc5: {  	_ =	shalt  }
tec
execute0_lowered:
.L_overlay_start_1:
0x0: {  	(tag) =	ssettag $0x1  }
0x1: {  	s5 =	rddreg [dreg:$0x0]  }
0x2: {  	s11 =	rddreg [dreg:$0x1]  }
0x3: {  	s2 =	rddreg [dreg:$0x2]  }
0x4: {  	s3 =	rddreg [dreg:$0x3]  }
0x5: {  	s1 =	stileid.u32;
	s6 =	srdreg.scid;
	s4 =	simm.s32 $0x0  }
0x6: {  	s19 =	simm.s32 $0x80;
	s20 =	simm.s32 $0x7000;
	s21 =	simm.s32 $0x1  }
0x7: {  	s22 =	simm.s32 $0x2;
	s23 =	simm.s32 $0x3;
	s10 =	smul.u32 $0xA000, s1  }
0x8: {  	s24 =	simm.s32 $0x4;
	s25 =	simm.s32 $0x4F00;
	s7 =	smul.u32 $0x5000, s1  }
0x9: {  	s26 =	simm.s32 $0x4F80;
	s28 =	simm.s32 $0x0;
	s12 =	smul.u32 $0x280, s1  }
0xa: {  	s6 =	sand.u32 $0x1, s6;
	[smem:$0x7FF] =	sst s4;
	s29 =	smul.u32 $0x28000, s1  }
0xb: {  	s8 =	smul.u32 $0x2800, s6;
	_ =	strace $0x8000004D;
	s6 =	ssub.s32 $0x2, s6  }
0xc: {  	s9 =	sshrl.u32 s10, $0x3;
	s30 =	sshrl.u32 s6, $0x1;
	s18 =	sadd.s32 s10, s3  }
0xd: {  	s7 =	sadd.s32 s8, s7;
	s13 =	sadd.s32 s9, s5;
	s8 =	sadd.s32 s12, s8  }
0xe: {  	s17 =	ssub.s32 s6, s30;
	s14 =	sshrl.u32 s7, $0x3;
	s8 =	sshll.u32 s8, $0x3  }
0xf: {  	s7 =	sshrl.u32 s29, $0x2;
	s15 =	sadd.s32 s14, s5;
	s16 =	sadd.s32 s8, s5  }
0x10: {  	s31 =	sadd.s32 s7, s2;
	s5 =	sadd.s32 s10, s2;
	s10 =	sadd.s32 $0xC200, s13  }
0x11: {  	s11 =	sadd.s32 s11, s14;
	s14 =	smax.u32 s17, $0x1;
	s17 =	sshrl.u32 s18, $0x3  }
0x12: {  	s18 =	simm.s32 $0x2800;
	s6 =	sadd.s32 $0x2000, s31;
	s7 =	sadd.s32 $0x4000, s31  }
0x13: {  	s8 =	sadd.s32 $0x6000, s31;
	s9 =	sadd.s32 $0x8000, s31;
	s12 =	sadd.s32 $0x2200, s15  }
0x14: {  	v0 =	vimm.f32 $0.0e+00;
	s13 =	sadd.s32 $0x20200, s16;
	s15 =	simm.s32 $0x5000;
	s16 =	simm.s32 $0x5  }
.LBB2_1:
0x15: {  	s29 =	sand.u32 $0x7F00, s4  }
0x16: {  	s30 =	sand.u32 $0x30, s4;
	s31 =	sshrl.u32 s29, $0x2  }
0x17: {  	s29 =	simm.s32 $0x40;
	s31 =	sor.u32 s30, s31;
	s30 =	simm.s32 $0x0  }
.LBB2_2:
0x18: {  	p0 =	sne.s32 s29, $0x7FC0  }
0x19: {  	[tilespmem:s31+$0x5000] =	vst v0;
	s30 =	sadd.s32 $0x10, s30;
	s31 =	smov.u32 s29;
	s29 =	sadd.s32 $0x40, s29  }
.Ltmp0:
0x1a: {  	(pc) =	sbr.rel @p0 .LBB2_2-.Ltmp0, $4  }
0x1b: {  	_ = 	snop  }
0x1c: {  	s31 =	sand.u32 $0x7F00, s31  }
0x1d: {  	s0 =	sand.u32 $0x30, s30;
	s31 =	sshrl.u32 s31, $0x2  }
0x1e: {  	s31 =	sor.u32 s0, s31  }
0x1f: {  	[tilespmem:s31+$0x5000] =	vst v0  }
0x20: {  	[spmem:s5] =	stream.linear.scatter [tilespmem:s15], [sflag:$0x5], $0x2000, $0x38;
	[tilespmem:$0x1D000] =	vst v63  }
0x21: {  	_ =	swait.ge [sflag:s16], $0x2000  }
0x22: {  	[sflag:s16] =	ssyncset.done $0x0  }
0x23: {  	[sflag:s16] =	ssyncadd.s32 $0xFFFFE000  }
0x24: {  	[spmem:s6] =	stream.linear.scatter [tilespmem:s15], [sflag:$0x5], $0x2000, $0x38;
	[tilespmem:$0x1D000] =	vst v63  }
0x25: {  	_ =	swait.ge [sflag:s16], $0x2000  }
0x26: {  	[sflag:s16] =	ssyncset.done $0x0  }
0x27: {  	[sflag:s16] =	ssyncadd.s32 $0xFFFFE000  }
0x28: {  	[spmem:s7] =	stream.linear.scatter [tilespmem:s15], [sflag:$0x5], $0x2000, $0x38;
	[tilespmem:$0x1D000] =	vst v63  }
0x29: {  	_ =	swait.ge [sflag:s16], $0x2000  }
0x2a: {  	[sflag:s16] =	ssyncset.done $0x0  }
0x2b: {  	[sflag:s16] =	ssyncadd.s32 $0xFFFFE000  }
0x2c: {  	[spmem:s8] =	stream.linear.scatter [tilespmem:s15], [sflag:$0x5], $0x2000, $0x38;
	[tilespmem:$0x1D000] =	vst v63  }
0x2d: {  	_ =	swait.ge [sflag:s16], $0x2000  }
0x2e: {  	[sflag:s16] =	ssyncset.done $0x0  }
0x2f: {  	[sflag:s16] =	ssyncadd.s32 $0xFFFFE000  }
0x30: {  	[spmem:s9] =	stream.linear.scatter [tilespmem:s15], [sflag:$0x5], $0x2000, $0x38;
	[tilespmem:$0x1D000] =	vst v63  }
0x31: {  	_ =	swait.ge [sflag:s16], $0x2000  }
0x32: {  	s0 =	sshll.u32 s1, $0x6;
	[sflag:s16] =	ssyncset.done $0x0  }
0x33: {  	s29 =	sor.u32 $0x1C05, s0;
	[sflag:s16] =	ssyncadd.s32 $0xFFFFE000  }
0x34: {  	[spmem:s17], [sflag:s29] =	dma.local [hbm:s10], $0x1400  }
0x35: {  	_ =	swait.ge [sflag:s16], $0x1400  }
0x36: {  	[sflag:s16] =	ssyncset.done $0x0  }
0x37: {  	[sflag:s16] =	ssyncadd.s32 $0xFFFFEC00  }
0x38: {  	s0 =	simm.s32 $0x0;
	[bflag:$0x0] =	sbarrier.arrive $0xFFFF  }
0x39: {  	[tilespmem:s0], [sflag:$0x5] =	stream.linear.gather [hbm4b:s11+s0], $0x2800, $0x38;
	[tilespmem:$0x1D000] =	vst v63  }
0x3a: {  	_ =	swait.ge [sflag:s16], $0x2800  }
0x3b: {  	[sflag:s16] =	ssyncset.done $0x0  }
0x3c: {  	[sflag:s16] =	ssyncadd.s32 $0xFFFFD800  }
0x3d: {  	[tilespmem:s18], [sflag:$0x5] =	stream.linear.gather [hbm4b:s12+s0], $0x2800, $0x38;
	[tilespmem:$0x1D000] =	vst v63  }
0x3e: {  	_ =	swait.ge [sflag:s16], $0x2800  }
0x3f: {  	[sflag:s16] =	ssyncset.done $0x0  }
0x40: {  	[sflag:s16] =	ssyncadd.s32 $0xFFFFD800  }
0x41: {  	[tilespmem:s15], [sflag:$0x1] =	stream.indirect.gather [spmem:s3], $0x40, s0, s19, $0xb8;
	[tilespmem:$0x1D000] =	vst v63  }
0x42: {  	_ = 	snop  }
0x43: {  	[tilespmem:s20], [sflag:$0x2] =	stream.indirect.gather [spmem:s3], $0x40, s19, s19, $0xb8;
	[tilespmem:$0x1D000] =	vst v63  }
0x44: {  	_ =	swait.ge [sflag:s21], $0x2000  }
0x45: {  	[sflag:s21] =	ssyncset.done $0x0  }
0x46: {  	s0 =	simm.s32 $0x2800;
	[sflag:s21] =	ssyncadd.s32 $0xFFFFE000  }
0x47: {  	[spmem:s2] =	stream.indirect.scatter.add.f32 [tilespmem:s15], [sflag:$0x3], $0x40, s0, s19, $0xb8;
	[tilespmem:$0x1D000] =	vst v63  }
0x48: {  	_ =	swait.ge [sflag:s22], $0x2000  }
0x49: {  	[sflag:s22] =	ssyncset.done $0x0  }
0x4a: {  	s0 =	simm.s32 $0x2880;
	[sflag:s22] =	ssyncadd.s32 $0xFFFFE000  }
0x4b: {  	[spmem:s2] =	stream.indirect.scatter.add.f32 [tilespmem:s20], [sflag:$0x4], $0x40, s0, s19, $0xb8;
	[tilespmem:$0x1D000] =	vst v63  }
0x4c: {  	_ =	swait.ge [sflag:s23], $0x2000  }
0x4d: {  	[sflag:s23] =	ssyncset.done $0x0  }
0x4e: {  	s0 =	simm.s32 $0x100;
	[sflag:s23] =	ssyncadd.s32 $0xFFFFE000  }
0x4f: {  	[tilespmem:s15], [sflag:$0x1] =	stream.indirect.gather [spmem:s3], $0x40, s0, s19, $0xb8;
	[tilespmem:$0x1D000] =	vst v63  }
0x50: {  	_ =	swait.ge [sflag:s24], $0x2000  }
0x51: {  	[sflag:s24] =	ssyncset.done $0x0  }
0x52: {  	s30 =	simm.s32 $0x400;
	s31 =	simm.s32 $0x180;
	[sflag:s24] =	ssyncadd.s32 $0xFFFFE000  }
.LBB2_4:
0x53: {  	[tilespmem:s20], [sflag:$0x2] =	stream.indirect.gather [spmem:s3], $0x40, s31, s19, $0xb8;
	[tilespmem:$0x1D000] =	vst v63  }
0x54: {  	s0 =	smov.u32 s30  }
0x55: {  	p0 =	sne.s32 s30, $0x9800;
	s30 =	sadd.s32 $0x400, s30;
	_ =	swait.ge [sflag:s21], $0x2000  }
0x56: {  	s0 =	sshra.s32 s0, $0x2;
	[sflag:s21] =	ssyncset.done $0x0  }
0x57: {  	s31 =	sadd.s32 $0x2800, s0;
	[sflag:s21] =	ssyncadd.s32 $0xFFFFE000  }
0x58: {  	[spmem:s2] =	stream.indirect.scatter.add.f32 [tilespmem:s15], [sflag:$0x3], $0x40, s31, s19, $0xb8;
	[tilespmem:$0x1D000] =	vst v63  }
0x59: {  	_ =	swait.ge [sflag:s22], $0x2000  }
0x5a: {  	[sflag:s22] =	ssyncset.done $0x0  }
0x5b: {  	s31 =	sadd.s32 $0x2880, s0;
	[sflag:s22] =	ssyncadd.s32 $0xFFFFE000  }
0x5c: {  	[spmem:s2] =	stream.indirect.scatter.add.f32 [tilespmem:s20], [sflag:$0x4], $0x40, s31, s19, $0xb8;
	[tilespmem:$0x1D000] =	vst v63  }
0x5d: {  	_ =	swait.ge [sflag:s23], $0x2000  }
0x5e: {  	[sflag:s23] =	ssyncset.done $0x0  }
.Ltmp1:
0x5f: {  	s31 =	sadd.s32 $0x100, s0;
	[sflag:s23] =	ssyncadd.s32 $0xFFFFE000;
	(pc) =	sbr.rel @p0 .LBB2_4-.Ltmp1, $4  }
0x60: {  	[tilespmem:s15], [sflag:$0x1] =	stream.indirect.gather [spmem:s3], $0x40, s31, s19, $0xb8;
	[tilespmem:$0x1D000] =	vst v63  }
0x61: {  	_ =	swait.ge [sflag:s24], $0x2000  }
0x62: {  	[sflag:s24] =	ssyncset.done $0x0  }
0x63: {  	s31 =	sadd.s32 $0x180, s0;
	[sflag:s24] =	ssyncadd.s32 $0xFFFFE000  }
0x64: {  	[tilespmem:s20], [sflag:$0x2] =	stream.indirect.gather [spmem:s3], $0x40, s31, s19, $0xb8;
	[tilespmem:$0x1D000] =	vst v63  }
0x65: {  	_ =	swait.ge [sflag:s21], $0x2000  }
0x66: {  	[sflag:s21] =	ssyncset.done $0x0  }
0x67: {  	[sflag:s21] =	ssyncadd.s32 $0xFFFFE000  }
0x68: {  	[spmem:s2] =	stream.indirect.scatter.add.f32 [tilespmem:s15], [sflag:$0x3], $0x40, s25, s19, $0xb8;
	[tilespmem:$0x1D000] =	vst v63  }
0x69: {  	_ =	swait.ge [sflag:s22], $0x2000  }
0x6a: {  	[sflag:s22] =	ssyncset.done $0x0  }
0x6b: {  	[sflag:s22] =	ssyncadd.s32 $0xFFFFE000  }
0x6c: {  	[spmem:s2] =	stream.indirect.scatter.add.f32 [tilespmem:s20], [sflag:$0x4], $0x40, s26, s19, $0xb8;
	[tilespmem:$0x1D000] =	vst v63  }
0x6d: {  	_ =	swait.ge [sflag:s23], $0x2000  }
0x6e: {  	[sflag:s23] =	ssyncset.done $0x0  }
0x6f: {  	[sflag:s23] =	ssyncadd.s32 $0xFFFFE000  }
0x70: {  	_ =	swait.ge [sflag:s24], $0x2000  }
0x71: {  	s28 =	sadd.s32 $0x1, s28;
	[sflag:s24] =	ssyncset.done $0x0  }
0x72: {  	p0 =	sne.s32 s28, s14;
	[sflag:s24] =	ssyncadd.s32 $0xFFFFE000  }
.Ltmp2:
0x73: {  	s0 =	sshrl.u32 s5, $0x3;
	[bflag:$0x0] =	sbarrier.arrive $0xFFFF;
	(pc) =	sbr.rel @p0 .LBB2_1-.Ltmp2, $4  }
0x74: {  	[hbm:s13], [sflag:s29] =	dma.local [spmem:s0], $0x1400  }
0x75: {  	_ =	swait.ge [sflag:s16], $0x1400  }
0x76: {  	[sflag:s16] =	ssyncset.done $0x0  }
0x77: {  	[sflag:s16] =	ssyncadd.s32 $0xFFFFEC00  }
0x78: {  	_ =	sfence.sel $0x180000  }
0x79: {  	[bflag:$0x0] =	sbarrier.arrive $0xFFFF  }
0x7a: {  	_ =	strace $0x9000004D  }
0x7b: {  	[bflag:$0x2] =	sbarrier.arrive $0xFFFF  }
0x7c: {  	p0 =	sne.s32 s1, $0x0;
	s0 =	rddreg [dreg:$0x4]  }
0x7d: {  	s0 =	sadd.s32 @!p0 $0x100000, s0  }
0x7e: {  	[sflag:s0] =	ssyncadd.tile.s32 @!p0 $0x1;
	_ =	shalt  }
.Lfunc_end2:
_tile_overlayer_lowered:
.L_overlay_start_2:
0x7f: {  	(tag) =	ssettag $0x2  }
0x80: {  	s0 =	rddreg [dreg:$0x0];
	s2 =	stileid.u32  }
0x81: {  	s1 =	rddreg [dreg:$0x1];
	p0 =	sne.s32 s2, $0x0  }
0x82: {  	s3 =	rddreg [dreg:$0x2];
	[bflag:$0x3] =	sbarrier.arrive $0xFFFF;
	s2 =	simm.s32 @!p0 $0x1C05  }
0x83: {  	[timem:s3], [sflag:s2] =	dma.local @!p0 [hbm:s0], s1  }
0x84: {  	s0 =	simm.s32 @!p0 $0x5  }
0x85: {  	_ =	swait.ge @!p0 [sflag:s0], s1  }
0x86: {  	s1 =	ssub.s32 @!p0 $0x0, s1;
	[sflag:s0] =	ssyncset.done @!p0 $0x0  }
0x87: {  	[sflag:s0] =	ssyncadd.s32 @!p0 s1  }
0x88: {  	[bflag:$0x3] =	sbarrier.arrive $0xFFFF  }
0x89: {  	_ =	shalt  }

// kernel: kernel.8.cloned.1.call-start
scs
__scs_entry_jumppad:
0x0: {  	(pc) =	sbr.rel $0x88, $3  }
0x1: {  	(tag) =	ssettag $0x0;
	lr =	simm.s32 $0x1  }
0x2: {  	[smem:$0x3F99] =	sst lr;
	_ =	strace $0xD0000000  }
0x3: {  	_ = 	snop  }
0x4: {  	_ = 	snop  }
0x5: {  	_ = 	snop  }
0x6: {  	_ = 	snop  }
0x7: {  	_ = 	snop  }
__scs_overlays_trampoline_lowered:
0x8: {  	[smem:$0x3FA8] =	sst s0  }
0x9: {  	[smem:$0x3FA9] =	sst s1  }
0xa: {  	[smem:$0x3FAA] =	sst s2  }
0xb: {  	[smem:$0x3FAB] =	sst s3  }
0xc: {  	[smem:$0x3FAC] =	sst s4  }
0xd: {  	[smem:$0x3FAD] =	sst s5  }
0xe: {  	[smem:$0x3FAE] =	sst s6  }
0xf: {  	[smem:$0x3FAF] =	sst s7  }
0x10: {  	[smem:$0x3FB0] =	sst s8  }
0x11: {  	[smem:$0x3FB1] =	sst s9;
	s0 =	simm.s32 @!p0 $0x0  }
0x12: {  	s1 =	sld [smem:$0x3F97];
	s0 =	simm.s32 @p0 $0x1  }
0x13: {  	[smem:$0x3FB2] =	sst s0;
	s0 =	simm.s32 @!p1 $0x0  }
0x14: {  	s2 =	sld [smem:$0x3F96];
	s0 =	simm.s32 @p1 $0x1  }
0x15: {  	[smem:$0x3FB3] =	sst s0;
	s0 =	simm.s32 @!p2 $0x0  }
0x16: {  	s3 =	sld [smem:$0x3FDB];
	s0 =	simm.s32 @p2 $0x1  }
0x17: {  	s4 =	simm.s32 $0x1BF5;
	[smem:$0x3FB5] =	sst s0  }
0x18: {  	s0 =	sld [smem:$0x3F98];
	_ =	swait.ge [sflag:s4], $0x0  }
0x19: {  	s7 =	sld [smem:$0x3F99]  }
0x1a: {  	s8 =	sadd.s32 $0xFFFFE003, lr  }
0x1b: {  	s9 =	sadd.s32 $0xFFFFFEF7, lr;
	s5 =	simm.s32 $0xFFFFFFFF;
	p2 =	slt.u32 s8, $0xFFFFF086  }
0x1c: {  	p1 =	slt.u32 s9, $0xF7A;
	s5 =	simm.s32 @!p2 $0x0  }
0x1d: {  	s5 =	simm.s32 @p1 $0x1;
	p0 =	seq.s32 s7, s2  }
0x1e: {  	s7 =	smul.u32 @!p0 $0xF7A, s2;
	p2 =	seq.s32 @!p0 s5, $0x0  }
0x1f: {  	s9 =	smul.u32 $0xF7A, s1;
	s8 =	simm.s32 @!p0 $0x1BF5;
	p2 =	por !p2, p0  }
0x20: {  	[sflag:s8] =	ssyncset.s32 @!p0 $0xFFFFF086;
	s6 =	sadd.s32 @!p0 s3, s7;
	s7 =	simm.s32 @!p0 $0x108  }
0x21: {  	s3 =	sadd.s32 s3, s9;
	s6 =	sadd.s32 @!p0 $0x88, s6;
	s7 =	simm.s32 @p2 $0x1082  }
0x22: {  	[simem:s7], [sflag:s8] =	dma.local @!p0 [hbm:s6], $0xF7A  }
0x23: {  	s9 =	sor.u32 $0xD0000000, s2;
	s6 =	simm.s32 $0x108;
	_ =	swait.ge @!p0 [sflag:s8], $0x0  }
0x24: {  	s3 =	sadd.s32 $0x88, s3;
	s6 =	simm.s32 @!p1 $0x1082;
	[sflag:s4] =	ssyncset.s32 $0xFFFFF086  }
0x25: {  	[simem:s6], [sflag:s4] =	dma.local [hbm:s3], $0xF7A  }
0x26: {  	[smem:$0x3F99] =	sst s1;
	(tag) =	ssettag s2;
	_ =	strace s9  }
0x27: {  	s1 =	sld [smem:$0x3FA9]  }
0x28: {  	s2 =	sld [smem:$0x3FAA]  }
0x29: {  	s4 =	sld [smem:$0x3FAC]  }
0x2a: {  	p0 =	seq.s32 s5, $0x0;
	s5 =	sld [smem:$0x3FAD]  }
0x2b: {  	s6 =	sld [smem:$0x3FAE]  }
0x2c: {  	s7 =	sld [smem:$0x3FAF]  }
0x2d: {  	s3 =	simm.s32 $0x108;
	s8 =	sld [smem:$0x3FB0]  }
0x2e: {  	s3 =	simm.s32 @!p0 $0x1082;
	s9 =	sld [smem:$0x3FB1]  }
0x2f: {  	lr =	sadd.s32 s0, s3;
	s0 =	sld [smem:$0x3FA8]  }
0x30: {  	s3 =	sld [smem:$0x3FAB]  }
0x31: {  	[smem:$0x3FB4] =	sst s10  }
0x32: {  	s10 =	sld [smem:$0x3FB2];
	_ =	sdelay $0x3  }
0x33: {  	p0 =	seq.s32 s10, $0x1;
	s10 =	sld [smem:$0x3FB4];
	_ =	sdelay $0x3  }
0x34: {  	[smem:$0x3FB4] =	sst s10  }
0x35: {  	s10 =	sld [smem:$0x3FB3];
	_ =	sdelay $0x3  }
0x36: {  	p1 =	seq.s32 s10, $0x1;
	s10 =	sld [smem:$0x3FB4];
	_ =	sdelay $0x3  }
0x37: {  	[smem:$0x3FB4] =	sst s10  }
0x38: {  	s10 =	sld [smem:$0x3FB5]  }
0x39: {  	_ = 	snop;
	(pc) =	sbr.ind lr, $3  }
0x3a: {  	_ = 	snop  }
0x3b: {  	_ = 	snop  }
0x3c: {  	p2 =	seq.s32 s10, $0x1;
	s10 =	sld [smem:$0x3FB4]  }
0x3d: {  	_ =	shalt  }
0x3e: {  	_ =	shalt  }
0x3f: {  	_ =	shalt  }
0x40: {  	_ =	shalt  }
0x41: {  	_ =	shalt  }
0x42: {  	_ =	shalt  }
0x43: {  	_ =	shalt  }
0x44: {  	_ =	shalt  }
0x45: {  	_ =	shalt  }
0x46: {  	_ =	shalt  }
0x47: {  	_ =	shalt  }
0x48: {  	_ =	shalt  }
0x49: {  	_ =	shalt  }
0x4a: {  	_ =	shalt  }
0x4b: {  	_ =	shalt  }
0x4c: {  	_ =	shalt  }
0x4d: {  	_ =	shalt  }
0x4e: {  	_ =	shalt  }
0x4f: {  	_ =	shalt  }
0x50: {  	_ =	shalt  }
0x51: {  	_ =	shalt  }
0x52: {  	_ =	shalt  }
0x53: {  	_ =	shalt  }
0x54: {  	_ =	shalt  }
0x55: {  	_ =	shalt  }
0x56: {  	_ =	shalt  }
0x57: {  	_ =	shalt  }
0x58: {  	_ =	shalt  }
0x59: {  	_ =	shalt  }
0x5a: {  	_ =	shalt  }
0x5b: {  	_ =	shalt  }
0x5c: {  	_ =	shalt  }
0x5d: {  	_ =	shalt  }
0x5e: {  	_ =	shalt  }
0x5f: {  	_ =	shalt  }
0x60: {  	_ =	shalt  }
0x61: {  	_ =	shalt  }
0x62: {  	_ =	shalt  }
0x63: {  	_ =	shalt  }
0x64: {  	_ =	shalt  }
0x65: {  	_ =	shalt  }
0x66: {  	_ =	shalt  }
0x67: {  	_ =	shalt  }
0x68: {  	_ =	shalt  }
0x69: {  	_ =	shalt  }
0x6a: {  	_ =	shalt  }
0x6b: {  	_ =	shalt  }
0x6c: {  	_ =	shalt  }
0x6d: {  	_ =	shalt  }
0x6e: {  	_ =	shalt  }
0x6f: {  	_ =	shalt  }
0x70: {  	_ =	shalt  }
0x71: {  	_ =	shalt  }
0x72: {  	_ =	shalt  }
0x73: {  	_ =	shalt  }
0x74: {  	_ =	shalt  }
0x75: {  	_ =	shalt  }
0x76: {  	_ =	shalt  }
0x77: {  	_ =	shalt  }
0x78: {  	_ =	shalt  }
0x79: {  	_ =	shalt  }
0x7a: {  	_ =	shalt  }
0x7b: {  	_ =	shalt  }
0x7c: {  	_ =	shalt  }
0x7d: {  	_ =	shalt  }
0x7e: {  	_ =	shalt  }
0x7f: {  	_ =	shalt  }
0x80: {  	_ =	shalt  }
0x81: {  	_ =	shalt  }
0x82: {  	_ =	shalt  }
0x83: {  	_ =	shalt  }
0x84: {  	_ =	shalt  }
0x85: {  	_ =	shalt  }
0x86: {  	_ =	shalt  }
0x87: {  	_ =	shalt  }
.Lfunc_end0:
.L_simem_size_0:
called_computation_lowered:
.L_overlay_start_0:
0x88: {  	s2 =	sld [smem:$0x3FD9]  }
0x89: {  	s3 =	sld [smem:$0x3FFE];
	_ =	sdelay $0x1  }
0x8a: {  	s1 =	srdreg.scid  }
0x8b: {  	s0 =	sand.u32 $0x1, s1  }
0x8c: {  	s17 =	sshll.u32 s0, $0xA;
	s2 =	sadd.s32 s3, s2  }
0x8d: {  	s2 =	sadd.s32 s2, s17  }
0x8e: {  	[smem:$0x3FC0] =	sst s2  }
0x8f: {  	_ = 	snop  }
0x90: {  	s2 =	sld [smem:$0x3FD0];
	(tm) =	ssettm $0x1  }
0x91: {  	s18 =	sld [smem:$0x3FFB];
	_ =	sdelay $0x3  }
0x92: {  	_ =	strace s18  }
0x93: {  	s3 =	sld [smem:$0x3FFC];
	_ =	sdelay $0x3  }
0x94: {  	_ =	strace s3  }
0x95: {  	s3 =	sld [smem:$0x3FFD];
	_ =	sdelay $0x3  }
0x96: {  	_ =	strace s3  }
0x97: {  	_ =	strace $0x8FFFFFFF  }
0x98: {  	s19 =	sld [smem:$0x3FDB];
	_ =	sdelay $0x1  }
0x99: {  	s4 =	simm.s32 $_scs_section_size  }
0x9a: {  	s5 =	simm.s32 $_size__tile_overlayer_lowered;
	s6 =	simm.s32 $_tile_overlayer_lowered  }
0x9b: {  	s22 =	simm.s32 $0x1BFF;
	s21 =	sshll.u32 s6, $0x1;
	s3 =	sadd.s32 s4, s19  }
0x9c: {  	s7 =	simm.s32 $0x0;
	s20 =	sshll.u32 s5, $0x1;
	s5 =	sadd.s32 s21, s3  }
0x9d: {  	[timem:s7], [sflag:s22] =	dma.local [hbm:s5], s20  }
0x9e: {  	_ =	swait.ge [sflag:s22], s20  }
0x9f: {  	s4 =	ssub.s32 $0x0, s20;
	[sflag:s22] =	ssyncset.done $0x0  }
0xa0: {  	[sflag:s22] =	ssyncadd.s32 s4;
	_ =	sdelay $0x1  }
0xa1: {  	s23 =	simm.s32 $0x1B8B  }
0xa2: {  	_ =	swait.ge [sflag:s23], $0x1  }
0xa3: {  	[sflag:s23] =	ssyncset.done $0x0  }
0xa4: {  	s25 =	simm.s32 $0x1B8E;
	s24 =	sld [smem:$0x3FFE];
	[sflag:s23] =	ssyncadd.s32 $0xFFFFFFFF  }
0xa5: {  	s26 =	simm.s32 $execute0_lowered;
	[smem:$0x3FD2] =	sst s25  }
0xa6: {  	s5 =	sshll.u32 s26, $0x1;
	_ =	strace $0x80000046;
	[dreg:$0x1] =	wrdreg $0xFFFFFFFF  }
0xa7: {  	s28 =	simm.s32 $_size_execute0_lowered;
	s3 =	sadd.s32 s3, s5;
	[dreg:$0x0] =	wrdreg $0x0  }
0xa8: {  	s5 =	sshll.u32 s28, $0x1;
	[dreg:$0x2] =	wrdreg s3  }
0xa9: {  	[dreg:$0x3] =	wrdreg s5  }
0xaa: {  	[dreg:$0x4] =	wrdreg $0xC0  }
0xab: {  	_ =	task [dreg:s7], $0x5FFFF  }
0xac: {  	[dreg:$0x1] =	wrdreg $0xFFFFFFFF  }
0xad: {  	[dreg:$0x0] =	wrdreg $0x60  }
0xae: {  	[dreg:$0x2] =	wrdreg s24  }
0xaf: {  	[dreg:$0x3] =	wrdreg s2  }
0xb0: {  	[dreg:$0x4] =	wrdreg $0x130000  }
0xb1: {  	[dreg:$0x5] =	wrdreg $0x90000  }
0xb2: {  	[dreg:$0x6] =	wrdreg $0x1D3000  }
0xb3: {  	[dreg:$0x7] =	wrdreg $0x9  }
0xb4: {  	_ =	task.clear_ibuf [dreg:s7], $0x8FFFF;
	_ =	strace $0x90000046  }
0xb5: {  	s29 =	simm.s32 $0x9;
	_ =	strace $0x80000048  }
0xb6: {  	_ =	swait.ge [sflag:s29], $0x1  }
0xb7: {  	[sflag:s29] =	ssyncadd.s32 $0xFFFFFFFF  }
0xb8: {  	_ =	strace $0x90000048  }
0xb9: {  	_ =	sfence  }
0xba: {  	s30 =	sld [smem:$0x0];
	_ =	sdelay $0x2  }
0xbb: {  	s31 =	sshll.u32 s1, $0xD;
	s1 =	sshrl.u32 s1, $0x2  }
0xbc: {  	s3 =	sand.u32 $0x4000, s31;
	s1 =	sadd.s32 s1, s30  }
0xbd: {  	s0 =	sor.u32 s3, s0;
	s1 =	sshll.u32 s1, $0x11  }
0xbe: {  	s0 =	sor.u32 s1, s0  }
0xbf: {  	s0 =	sadd.s32 $0x8F2B, s0  }
0xc0: {  	[sflag:s0] =	ssyncadd.remote.s32 $0x1  }
0xc1: {  	_ =	sfence.sel $0xFFFF  }
0xc2: {  	[dreg:$0x0] =	wrdreg $0xFFFFFFFF;
	(pc) =	sbr.abs _section_cstart, $3  }
0xc3: {  	[dreg:$0x1] =	wrdreg $0xFFFFFFFF  }
0xc4: {  	_ =	task.clear_ibuf [dreg:s7], $0x2FFFF;
	_ =	strace $0x9FFFFFFF  }
0xc5: {  	(tm) =	ssettm $0x7FFFFFFF  }
tec
execute0_lowered:
.L_overlay_start_1:
0x0: {  	(tag) =	ssettag $0x1  }
0x1: {  	s0 =	rddreg [dreg:$0x0]  }
0x2: {  	s1 =	rddreg [dreg:$0x1]  }
0x3: {  	s2 =	rddreg [dreg:$0x2];
	s3 =	srdreg.scid  }
0x4: {  	s15 =	stileid.u32;
	s4 =	rddreg [dreg:$0x3]  }
0x5: {  	s5 =	rddreg [dreg:$0x4];
	s6 =	simm.s32 $0x0;
	s9 =	smul.u32 $0xA000, s15  }
0x6: {  	s28 =	simm.s32 $0x1D000;
	s29 =	simm.s32 $0x2;
	s10 =	smul.u32 $0x280, s15  }
0x7: {  	s30 =	simm.s32 $0x3;
	s3 =	sand.u32 $0x1, s3;
	s12 =	smul.u32 $0x28000, s15  }
0x8: {  	s31 =	simm.s32 $0x4;
	[smem:$0x7FF] =	sst s6;
	s8 =	smul.u32 $0xA0000, s3  }
0x9: {  	s7 =	sadd.s32 $0x2200, s0;
	s11 =	smul.u32 $0x2800, s3;
	s3 =	ssub.s32 $0x2, s3  }
0xa: {  	s15 =	smul.u32 $0x5000, s15;
	_ =	strace $0x80000047;
	s20 =	sshrl.u32 s3, $0x1  }
0xb: {  	s21 =	sshrl.u32 s12, $0x2;
	s14 =	sadd.s32 s10, s5;
	s8 =	sadd.s32 s9, s8  }
0xc: {  	s11 =	sadd.s32 s10, s11;
	s3 =	ssub.s32 s3, s20;
	s20 =	simm.s32 $0x6  }
0xd: {  	s10 =	simm.s32 $0x0;
	s8 =	sshrl.u32 s8, $0x3;
	s19 =	sshrl.u32 s11, $0x3  }
0xe: {  	s11 =	sadd.s32 s21, s2;
	s18 =	smax.u32 s3, $0x1;
	s3 =	simm.s32 $0x4F00  }
0xf: {  	s13 =	sadd.s32 s8, s0;
	s0 =	sadd.s32 s19, s0;
	s22 =	sadd.s32 $0x2000, s11  }
0x10: {  	s8 =	sadd.s32 s9, s2;
	s23 =	sadd.s32 $0x4000, s11;
	[dreg:$0x6] =	wrdreg s22  }
0x11: {  	s24 =	sadd.s32 $0x6000, s11;
	s11 =	sadd.s32 $0x8000, s11;
	[dreg:$0x7] =	wrdreg s23  }
0x12: {  	s9 =	sadd.s32 s9, s4;
	s19 =	simm.s32 $0x5000;
	[dreg:$0x8] =	wrdreg s24  }
0x13: {  	[dreg:$0x9] =	wrdreg s11;
	s25 =	sadd.s32 $0xC200, s13;
	s26 =	sadd.s32 $0x34C00, s13  }
0x14: {  	s0 =	sadd.s32 $0x34200, s0;
	s21 =	sshrl.u32 s9, $0x3;
	[dreg:$0xa] =	wrdreg s25  }
0x15: {  	s22 =	simm.s32 $0x1D080;
	s23 =	simm.s32 $0x2800;
	[dreg:$0xb] =	wrdreg s26  }
0x16: {  	s24 =	simm.s32 $0x80;
	s9 =	simm.s32 $0x5;
	[dreg:$0xc] =	wrdreg s0  }
0x17: {  	v0 =	vimm.f32 $0.0e+00;
	v1 =	vimm.f32 $1.000000000e+00;
	s25 =	simm.s32 $0x7000;
	s26 =	simm.s32 $0x1;
	s0 =	simm.s32 $0x4F80  }
.LBB2_1:
0x18: {  	s11 =	sand.u32 $0x7F00, s6  }
0x19: {  	s12 =	sand.u32 $0x30, s6;
	s13 =	sshrl.u32 s11, $0x2  }
0x1a: {  	s11 =	simm.s32 $0x40;
	s13 =	sor.u32 s12, s13;
	s12 =	simm.s32 $0x0  }
.LBB2_2:
0x1b: {  	p0 =	sne.s32 s11, $0x7FC0  }
0x1c: {  	[tilespmem:s13+$0x5000] =	vst v0;
	s12 =	sadd.s32 $0x10, s12;
	s13 =	smov.u32 s11;
	s11 =	sadd.s32 $0x40, s11  }
.Ltmp0:
0x1d: {  	(pc) =	sbr.rel @p0 .LBB2_2-.Ltmp0, $4  }
0x1e: {  	_ = 	snop  }
0x1f: {  	s13 =	sand.u32 $0x7F00, s13  }
0x20: {  	s16 =	sand.u32 $0x30, s12;
	s13 =	sshrl.u32 s13, $0x2  }
0x21: {  	s13 =	sor.u32 s16, s13  }
0x22: {  	[tilespmem:s13+$0x5000] =	vst v0  }
0x23: {  	[spmem:s8] =	stream.linear.scatter [tilespmem:s19], [sflag:$0x6], $0x2000, $0x38;
	[tilespmem:$0x1D580] =	vst v63  }
0x24: {  	_ =	swait.ge [sflag:s20], $0x2000  }
0x25: {  	[sflag:s20] =	ssyncset.done $0x0  }
0x26: {  	s11 =	rddreg [dreg:$0x6];
	[sflag:s20] =	ssyncadd.s32 $0xFFFFE000  }
0x27: {  	[spmem:s11] =	stream.linear.scatter [tilespmem:s19], [sflag:$0x6], $0x2000, $0x38;
	[tilespmem:$0x1D580] =	vst v63  }
0x28: {  	_ =	swait.ge [sflag:s20], $0x2000  }
0x29: {  	[sflag:s20] =	ssyncset.done $0x0  }
0x2a: {  	s12 =	rddreg [dreg:$0x7];
	[sflag:s20] =	ssyncadd.s32 $0xFFFFE000  }
0x2b: {  	[spmem:s12] =	stream.linear.scatter [tilespmem:s19], [sflag:$0x6], $0x2000, $0x38;
	[tilespmem:$0x1D580] =	vst v63  }
0x2c: {  	_ =	swait.ge [sflag:s20], $0x2000  }
0x2d: {  	[sflag:s20] =	ssyncset.done $0x0  }
0x2e: {  	s13 =	rddreg [dreg:$0x8];
	[sflag:s20] =	ssyncadd.s32 $0xFFFFE000  }
0x2f: {  	[spmem:s13] =	stream.linear.scatter [tilespmem:s19], [sflag:$0x6], $0x2000, $0x38;
	[tilespmem:$0x1D580] =	vst v63  }
0x30: {  	_ =	swait.ge [sflag:s20], $0x2000  }
0x31: {  	[sflag:s20] =	ssyncset.done $0x0  }
0x32: {  	s16 =	rddreg [dreg:$0x9];
	[sflag:s20] =	ssyncadd.s32 $0xFFFFE000  }
0x33: {  	[spmem:s16] =	stream.linear.scatter [tilespmem:s19], [sflag:$0x6], $0x2000, $0x38;
	[tilespmem:$0x1D580] =	vst v63  }
0x34: {  	s17 =	stileid.u32;
	_ =	swait.ge [sflag:s20], $0x2000  }
0x35: {  	s11 =	sshll.u32 s17, $0x6;
	[sflag:s20] =	ssyncset.done $0x0  }
0x36: {  	s11 =	sor.u32 $0x1C06, s11;
	s12 =	rddreg [dreg:$0xa];
	[sflag:s20] =	ssyncadd.s32 $0xFFFFE000  }
0x37: {  	[spmem:s21], [sflag:s11] =	dma.local [hbm:s12], $0x1400  }
0x38: {  	_ =	swait.ge [sflag:s20], $0x1400  }
0x39: {  	[sflag:s20] =	ssyncset.done $0x0  }
0x3a: {  	[sflag:s20] =	ssyncadd.s32 $0xFFFFEC00  }
0x3b: {  	[tilespmem:$0x1D000] =	vst v1  }
0x3c: {  	[tilespmem:$0x1D010] =	vst v1  }
0x3d: {  	[tilespmem:$0x1D020] =	vst v1  }
0x3e: {  	[tilespmem:$0x1D030] =	vst v1  }
0x3f: {  	[tilespmem:$0x1D040] =	vst v1  }
0x40: {  	[tilespmem:$0x1D050] =	vst v1  }
0x41: {  	[tilespmem:$0x1D060] =	vst v1  }
0x42: {  	[tilespmem:$0x1D070] =	vst v1  }
0x43: {  	[tilespmem:$0x1D080] =	vst v0  }
0x44: {  	[tilespmem:$0x1D090] =	vst v0  }
0x45: {  	[tilespmem:$0x1D0A0] =	vst v0  }
0x46: {  	[tilespmem:$0x1D0B0] =	vst v0  }
0x47: {  	[tilespmem:$0x1D0C0] =	vst v0  }
0x48: {  	[tilespmem:$0x1D0D0] =	vst v0  }
0x49: {  	[tilespmem:$0x1D0E0] =	vst v0  }
0x4a: {  	[tilespmem:$0x1D0F0] =	vst v0  }
0x4b: {  	[tilespmem:$0x1D100] =	vst v0  }
0x4c: {  	[tilespmem:$0x1D110] =	vst v0  }
0x4d: {  	[tilespmem:$0x1D120] =	vst v0  }
0x4e: {  	[tilespmem:$0x1D130] =	vst v0  }
0x4f: {  	[tilespmem:$0x1D140] =	vst v0  }
0x50: {  	[tilespmem:$0x1D150] =	vst v0  }
0x51: {  	[tilespmem:$0x1D160] =	vst v0  }
0x52: {  	[tilespmem:$0x1D170] =	vst v0  }
0x53: {  	[tilespmem:$0x1D180] =	vst v0  }
0x54: {  	[tilespmem:$0x1D190] =	vst v0  }
0x55: {  	[tilespmem:$0x1D1A0] =	vst v0  }
0x56: {  	[tilespmem:$0x1D1B0] =	vst v0  }
0x57: {  	[tilespmem:$0x1D1C0] =	vst v0  }
0x58: {  	[tilespmem:$0x1D1D0] =	vst v0  }
0x59: {  	[tilespmem:$0x1D1E0] =	vst v0  }
0x5a: {  	[tilespmem:$0x1D1F0] =	vst v0  }
0x5b: {  	[tilespmem:$0x1D200] =	vst v0  }
0x5c: {  	[tilespmem:$0x1D210] =	vst v0  }
0x5d: {  	[tilespmem:$0x1D220] =	vst v0  }
0x5e: {  	[tilespmem:$0x1D230] =	vst v0  }
0x5f: {  	[tilespmem:$0x1D240] =	vst v0  }
0x60: {  	[tilespmem:$0x1D250] =	vst v0  }
0x61: {  	[tilespmem:$0x1D260] =	vst v0  }
0x62: {  	[tilespmem:$0x1D270] =	vst v0  }
0x63: {  	[tilespmem:$0x1D280] =	vst v0  }
0x64: {  	[tilespmem:$0x1D290] =	vst v0  }
0x65: {  	[tilespmem:$0x1D2A0] =	vst v0  }
0x66: {  	[tilespmem:$0x1D2B0] =	vst v0  }
0x67: {  	[tilespmem:$0x1D2C0] =	vst v0  }
0x68: {  	[tilespmem:$0x1D2D0] =	vst v0  }
0x69: {  	[tilespmem:$0x1D2E0] =	vst v0  }
0x6a: {  	[tilespmem:$0x1D2F0] =	vst v0  }
0x6b: {  	[spmem:s14] =	stream.linear.scatter [tilespmem:s22], [sflag:$0x6], $0x280, $0x38;
	[tilespmem:$0x1D580] =	vst v63  }
0x6c: {  	_ =	swait.ge [sflag:s20], $0x280  }
0x6d: {  	[sflag:s20] =	ssyncset.done $0x0  }
0x6e: {  	p1 =	por $0x1, $0x1;
	[sflag:s20] =	ssyncadd.s32 $0xFFFFFD80  }
0x6f: {  	s13 =	simm.s32 $0x0;
	s12 =	simm.s32 $0x0;
	[bflag:$0x0] =	sbarrier.arrive $0xFFFF  }
.LBB2_4:
0x70: {  	s13 =	sadd.s32 s15, s13  }
0x71: {  	s13 =	sshrl.u32 s13, $0x3  }
0x72: {  	s16 =	sadd.s32 s1, s13  }
0x73: {  	[tilespmem:s12], [sflag:$0x6] =	stream.linear.gather [hbm4b:s16+s12], $0x2800, $0x38;
	[tilespmem:$0x1D580] =	vst v63  }
0x74: {  	_ =	swait.ge [sflag:s20], $0x2800  }
0x75: {  	[sflag:s20] =	ssyncset.done $0x0  }
0x76: {  	s13 =	sadd.s32 s7, s13;
	[sflag:s20] =	ssyncadd.s32 $0xFFFFD800  }
0x77: {  	[tilespmem:s23], [sflag:$0x6] =	stream.linear.gather [hbm4b:s13+s12], $0x2800, $0x38;
	[tilespmem:$0x1D580] =	vst v63  }
0x78: {  	_ =	swait.ge [sflag:s20], $0x2800  }
0x79: {  	[sflag:s20] =	ssyncset.done $0x0  }
0x7a: {  	[sflag:s20] =	ssyncadd.s32 $0xFFFFD800  }
0x7b: {  	[tilespmem:s19], [sflag:$0x1] =	stream.indirect.gather [spmem:s4], $0x40, s12, s24, $0xb8;
	[tilespmem:$0x1D580] =	vst v63  }
0x7c: {  	_ = 	snop  }
0x7d: {  	[tilespmem:s25], [sflag:$0x2] =	stream.indirect.gather [spmem:s4], $0x40, s24, s24, $0xb8;
	[tilespmem:$0x1D580] =	vst v63  }
0x7e: {  	_ =	swait.ge [sflag:s26], $0x2000  }
0x7f: {  	[sflag:s26] =	ssyncset.done $0x0  }
0x80: {  	s17 =	simm.s32 $0x2800;
	[sflag:s26] =	ssyncadd.s32 $0xFFFFE000  }
0x81: {  	[spmem:s2] =	stream.indirect.scatter.add.f32 [tilespmem:s19], [sflag:$0x3], $0x40, s17, s24, $0xb8;
	[tilespmem:$0x1D580] =	vst v63  }
0x82: {  	_ = 	snop  }
0x83: {  	[spmem:s5] =	stream.indirect.scatter.add.f32 [tilespmem:s28], [sflag:$0x5], $0x1, s17, s24, $0xb8;
	[tilespmem:$0x1D580] =	vst v63  }
0x84: {  	_ =	swait.ge [sflag:s29], $0x2000  }
0x85: {  	[sflag:s29] =	ssyncset.done $0x0  }
0x86: {  	s16 =	simm.s32 $0x2880;
	[sflag:s29] =	ssyncadd.s32 $0xFFFFE000  }
0x87: {  	[spmem:s2] =	stream.indirect.scatter.add.f32 [tilespmem:s25], [sflag:$0x4], $0x40, s16, s24, $0xb8;
	[tilespmem:$0x1D580] =	vst v63  }
0x88: {  	_ = 	snop  }
0x89: {  	[spmem:s5] =	stream.indirect.scatter.add.f32 [tilespmem:s28], [sflag:$0x5], $0x1, s16, s24, $0xb8;
	[tilespmem:$0x1D580] =	vst v63  }
0x8a: {  	_ =	swait.ge [sflag:s30], $0x2000  }
0x8b: {  	[sflag:s30] =	ssyncset.done $0x0  }
0x8c: {  	s17 =	simm.s32 $0x100;
	[sflag:s30] =	ssyncadd.s32 $0xFFFFE000  }
0x8d: {  	[tilespmem:s19], [sflag:$0x1] =	stream.indirect.gather [spmem:s4], $0x40, s17, s24, $0xb8;
	[tilespmem:$0x1D580] =	vst v63  }
0x8e: {  	_ =	swait.ge [sflag:s31], $0x2000  }
0x8f: {  	p0 =	por p1, p1;
	[sflag:s31] =	ssyncset.done $0x0  }
0x90: {  	s13 =	simm.s32 $0x400;
	s16 =	simm.s32 $0x180;
	[sflag:s31] =	ssyncadd.s32 $0xFFFFE000  }
.LBB2_5:
0x91: {  	[tilespmem:s25], [sflag:$0x2] =	stream.indirect.gather [spmem:s4], $0x40, s16, s24, $0xb8;
	[tilespmem:$0x1D580] =	vst v63  }
0x92: {  	s16 =	smov.u32 s13  }
0x93: {  	p1 =	sne.s32 s13, $0x9800;
	s13 =	sadd.s32 $0x400, s13;
	_ =	swait.ge [sflag:s26], $0x2000  }
0x94: {  	s16 =	sshra.s32 s16, $0x2;
	[sflag:s26] =	ssyncset.done $0x0  }
0x95: {  	s17 =	sadd.s32 $0x2800, s16;
	[sflag:s26] =	ssyncadd.s32 $0xFFFFE000  }
0x96: {  	[spmem:s2] =	stream.indirect.scatter.add.f32 [tilespmem:s19], [sflag:$0x3], $0x40, s17, s24, $0xb8;
	[tilespmem:$0x1D580] =	vst v63  }
0x97: {  	_ = 	snop  }
0x98: {  	[spmem:s5] =	stream.indirect.scatter.add.f32 [tilespmem:s28], [sflag:$0x5], $0x1, s17, s24, $0xb8;
	[tilespmem:$0x1D580] =	vst v63  }
0x99: {  	_ =	swait.ge [sflag:s29], $0x2000  }
0x9a: {  	[sflag:s29] =	ssyncset.done $0x0  }
0x9b: {  	s17 =	sadd.s32 $0x2880, s16;
	[sflag:s29] =	ssyncadd.s32 $0xFFFFE000  }
0x9c: {  	[spmem:s2] =	stream.indirect.scatter.add.f32 [tilespmem:s25], [sflag:$0x4], $0x40, s17, s24, $0xb8;
	[tilespmem:$0x1D580] =	vst v63  }
0x9d: {  	_ = 	snop  }
0x9e: {  	[spmem:s5] =	stream.indirect.scatter.add.f32 [tilespmem:s28], [sflag:$0x5], $0x1, s17, s24, $0xb8;
	[tilespmem:$0x1D580] =	vst v63  }
0x9f: {  	_ =	swait.ge [sflag:s30], $0x2000  }
0xa0: {  	[sflag:s30] =	ssyncset.done $0x0  }
.Ltmp1:
0xa1: {  	s17 =	sadd.s32 $0x100, s16;
	[sflag:s30] =	ssyncadd.s32 $0xFFFFE000;
	(pc) =	sbr.rel @p1 .LBB2_5-.Ltmp1, $4  }
0xa2: {  	[tilespmem:s19], [sflag:$0x1] =	stream.indirect.gather [spmem:s4], $0x40, s17, s24, $0xb8;
	[tilespmem:$0x1D580] =	vst v63  }
0xa3: {  	_ =	swait.ge [sflag:s31], $0x2000  }
0xa4: {  	[sflag:s31] =	ssyncset.done $0x0  }
0xa5: {  	s16 =	sadd.s32 $0x180, s16;
	[sflag:s31] =	ssyncadd.s32 $0xFFFFE000  }
0xa6: {  	[tilespmem:s25], [sflag:$0x2] =	stream.indirect.gather [spmem:s4], $0x40, s16, s24, $0xb8;
	[tilespmem:$0x1D580] =	vst v63  }
0xa7: {  	_ =	swait.ge [sflag:s26], $0x2000  }
0xa8: {  	[sflag:s26] =	ssyncset.done $0x0  }
0xa9: {  	[sflag:s26] =	ssyncadd.s32 $0xFFFFE000  }
0xaa: {  	[spmem:s2] =	stream.indirect.scatter.add.f32 [tilespmem:s19], [sflag:$0x3], $0x40, s3, s24, $0xb8;
	[tilespmem:$0x1D580] =	vst v63  }
0xab: {  	_ =	swait.ge [sflag:s29], $0x2000  }
0xac: {  	[sflag:s29] =	ssyncset.done $0x0  }
0xad: {  	[sflag:s29] =	ssyncadd.s32 $0xFFFFE000  }
0xae: {  	[spmem:s2] =	stream.indirect.scatter.add.f32 [tilespmem:s25], [sflag:$0x4], $0x40, s0, s24, $0xb8;
	[tilespmem:$0x1D580] =	vst v63  }
0xaf: {  	_ = 	snop  }
0xb0: {  	[spmem:s5] =	stream.indirect.scatter.add.f32 [tilespmem:s28], [sflag:$0x5], $0x1, s3, s24, $0xb8;
	[tilespmem:$0x1D580] =	vst v63  }
0xb1: {  	_ = 	snop  }
0xb2: {  	[spmem:s5] =	stream.indirect.scatter.add.f32 [tilespmem:s28], [sflag:$0x5], $0x1, s0, s24, $0xb8;
	[tilespmem:$0x1D580] =	vst v63  }
0xb3: {  	_ =	swait.ge [sflag:s9], $0x80  }
0xb4: {  	[sflag:s9] =	ssyncset.done $0x0  }
0xb5: {  	[sflag:s9] =	ssyncadd.s32 $0xFFFFFF80  }
0xb6: {  	_ =	swait.ge [sflag:s9], $0x80  }
0xb7: {  	[sflag:s9] =	ssyncset.done $0x0  }
0xb8: {  	[sflag:s9] =	ssyncadd.s32 $0xFFFFFF80  }
0xb9: {  	_ =	swait.ge [sflag:s9], $0x80  }
0xba: {  	[sflag:s9] =	ssyncset.done $0x0  }
0xbb: {  	[sflag:s9] =	ssyncadd.s32 $0xFFFFFF80  }
0xbc: {  	_ =	swait.ge [sflag:s9], $0x80  }
0xbd: {  	[sflag:s9] =	ssyncset.done $0x0  }
0xbe: {  	[sflag:s9] =	ssyncadd.s32 $0xFFFFFF80  }
0xbf: {  	_ =	swait.ge [sflag:s9], $0x80  }
0xc0: {  	[sflag:s9] =	ssyncset.done $0x0  }
0xc1: {  	[sflag:s9] =	ssyncadd.s32 $0xFFFFFF80  }
0xc2: {  	_ =	swait.ge [sflag:s9], $0x80  }
0xc3: {  	[sflag:s9] =	ssyncset.done $0x0  }
0xc4: {  	[sflag:s9] =	ssyncadd.s32 $0xFFFFFF80  }
0xc5: {  	_ =	swait.ge [sflag:s9], $0x80  }
0xc6: {  	[sflag:s9] =	ssyncset.done $0x0  }
0xc7: {  	[sflag:s9] =	ssyncadd.s32 $0xFFFFFF80  }
0xc8: {  	_ =	swait.ge [sflag:s9], $0x80  }
0xc9: {  	[sflag:s9] =	ssyncset.done $0x0  }
0xca: {  	[sflag:s9] =	ssyncadd.s32 $0xFFFFFF80  }
0xcb: {  	_ =	swait.ge [sflag:s9], $0x80  }
0xcc: {  	[sflag:s9] =	ssyncset.done $0x0  }
0xcd: {  	[sflag:s9] =	ssyncadd.s32 $0xFFFFFF80  }
0xce: {  	_ =	swait.ge [sflag:s9], $0x80  }
0xcf: {  	[sflag:s9] =	ssyncset.done $0x0  }
0xd0: {  	[sflag:s9] =	ssyncadd.s32 $0xFFFFFF80  }
0xd1: {  	_ =	swait.ge [sflag:s9], $0x80  }
0xd2: {  	[sflag:s9] =	ssyncset.done $0x0  }
0xd3: {  	[sflag:s9] =	ssyncadd.s32 $0xFFFFFF80  }
0xd4: {  	_ =	swait.ge [sflag:s9], $0x80  }
0xd5: {  	[sflag:s9] =	ssyncset.done $0x0  }
0xd6: {  	[sflag:s9] =	ssyncadd.s32 $0xFFFFFF80  }
0xd7: {  	_ =	swait.ge [sflag:s9], $0x80  }
0xd8: {  	[sflag:s9] =	ssyncset.done $0x0  }
0xd9: {  	[sflag:s9] =	ssyncadd.s32 $0xFFFFFF80  }
0xda: {  	_ =	swait.ge [sflag:s9], $0x80  }
0xdb: {  	[sflag:s9] =	ssyncset.done $0x0  }
0xdc: {  	[sflag:s9] =	ssyncadd.s32 $0xFFFFFF80  }
0xdd: {  	_ =	swait.ge [sflag:s9], $0x80  }
0xde: {  	[sflag:s9] =	ssyncset.done $0x0  }
0xdf: {  	[sflag:s9] =	ssyncadd.s32 $0xFFFFFF80  }
0xe0: {  	_ =	swait.ge [sflag:s9], $0x80  }
0xe1: {  	[sflag:s9] =	ssyncset.done $0x0  }
0xe2: {  	[sflag:s9] =	ssyncadd.s32 $0xFFFFFF80  }
0xe3: {  	_ =	swait.ge [sflag:s9], $0x80  }
0xe4: {  	[sflag:s9] =	ssyncset.done $0x0  }
0xe5: {  	[sflag:s9] =	ssyncadd.s32 $0xFFFFFF80  }
0xe6: {  	_ =	swait.ge [sflag:s9], $0x80  }
0xe7: {  	[sflag:s9] =	ssyncset.done $0x0  }
0xe8: {  	[sflag:s9] =	ssyncadd.s32 $0xFFFFFF80  }
0xe9: {  	_ =	swait.ge [sflag:s9], $0x80  }
0xea: {  	[sflag:s9] =	ssyncset.done $0x0  }
0xeb: {  	[sflag:s9] =	ssyncadd.s32 $0xFFFFFF80  }
0xec: {  	_ =	swait.ge [sflag:s9], $0x80  }
0xed: {  	[sflag:s9] =	ssyncset.done $0x0  }
0xee: {  	[sflag:s9] =	ssyncadd.s32 $0xFFFFFF80  }
0xef: {  	_ =	swait.ge [sflag:s9], $0x80  }
0xf0: {  	[sflag:s9] =	ssyncset.done $0x0  }
0xf1: {  	[sflag:s9] =	ssyncadd.s32 $0xFFFFFF80  }
0xf2: {  	_ =	swait.ge [sflag:s9], $0x80  }
0xf3: {  	[sflag:s9] =	ssyncset.done $0x0  }
0xf4: {  	[sflag:s9] =	ssyncadd.s32 $0xFFFFFF80  }
0xf5: {  	_ =	swait.ge [sflag:s9], $0x80  }
0xf6: {  	[sflag:s9] =	ssyncset.done $0x0  }
0xf7: {  	[sflag:s9] =	ssyncadd.s32 $0xFFFFFF80  }
0xf8: {  	_ =	swait.ge [sflag:s9], $0x80  }
0xf9: {  	[sflag:s9] =	ssyncset.done $0x0  }
0xfa: {  	[sflag:s9] =	ssyncadd.s32 $0xFFFFFF80  }
0xfb: {  	_ =	swait.ge [sflag:s9], $0x80  }
0xfc: {  	[sflag:s9] =	ssyncset.done $0x0  }
0xfd: {  	[sflag:s9] =	ssyncadd.s32 $0xFFFFFF80  }
0xfe: {  	_ =	swait.ge [sflag:s9], $0x80  }
0xff: {  	[sflag:s9] =	ssyncset.done $0x0  }
0x100: {  	[sflag:s9] =	ssyncadd.s32 $0xFFFFFF80  }
0x101: {  	_ =	swait.ge [sflag:s9], $0x80  }
0x102: {  	[sflag:s9] =	ssyncset.done $0x0  }
0x103: {  	[sflag:s9] =	ssyncadd.s32 $0xFFFFFF80  }
0x104: {  	_ =	swait.ge [sflag:s9], $0x80  }
0x105: {  	[sflag:s9] =	ssyncset.done $0x0  }
0x106: {  	[sflag:s9] =	ssyncadd.s32 $0xFFFFFF80  }
0x107: {  	_ =	swait.ge [sflag:s9], $0x80  }
0x108: {  	[sflag:s9] =	ssyncset.done $0x0  }
0x109: {  	[sflag:s9] =	ssyncadd.s32 $0xFFFFFF80  }
0x10a: {  	_ =	swait.ge [sflag:s9], $0x80  }
0x10b: {  	[sflag:s9] =	ssyncset.done $0x0  }
0x10c: {  	[sflag:s9] =	ssyncadd.s32 $0xFFFFFF80  }
0x10d: {  	_ =	swait.ge [sflag:s9], $0x80  }
0x10e: {  	[sflag:s9] =	ssyncset.done $0x0  }
0x10f: {  	[sflag:s9] =	ssyncadd.s32 $0xFFFFFF80  }
0x110: {  	_ =	swait.ge [sflag:s9], $0x80  }
0x111: {  	[sflag:s9] =	ssyncset.done $0x0  }
0x112: {  	[sflag:s9] =	ssyncadd.s32 $0xFFFFFF80  }
0x113: {  	_ =	swait.ge [sflag:s9], $0x80  }
0x114: {  	[sflag:s9] =	ssyncset.done $0x0  }
0x115: {  	[sflag:s9] =	ssyncadd.s32 $0xFFFFFF80  }
0x116: {  	_ =	swait.ge [sflag:s9], $0x80  }
0x117: {  	[sflag:s9] =	ssyncset.done $0x0  }
0x118: {  	[sflag:s9] =	ssyncadd.s32 $0xFFFFFF80  }
0x119: {  	_ =	swait.ge [sflag:s9], $0x80  }
0x11a: {  	[sflag:s9] =	ssyncset.done $0x0  }
0x11b: {  	[sflag:s9] =	ssyncadd.s32 $0xFFFFFF80  }
0x11c: {  	_ =	swait.ge [sflag:s9], $0x80  }
0x11d: {  	[sflag:s9] =	ssyncset.done $0x0  }
0x11e: {  	[sflag:s9] =	ssyncadd.s32 $0xFFFFFF80  }
0x11f: {  	_ =	swait.ge [sflag:s9], $0x80  }
0x120: {  	[sflag:s9] =	ssyncset.done $0x0  }
0x121: {  	[sflag:s9] =	ssyncadd.s32 $0xFFFFFF80  }
0x122: {  	_ =	swait.ge [sflag:s9], $0x80  }
0x123: {  	[sflag:s9] =	ssyncset.done $0x0  }
0x124: {  	[sflag:s9] =	ssyncadd.s32 $0xFFFFFF80  }
0x125: {  	_ =	swait.ge [sflag:s9], $0x80  }
0x126: {  	[sflag:s9] =	ssyncset.done $0x0  }
0x127: {  	[sflag:s9] =	ssyncadd.s32 $0xFFFFFF80  }
0x128: {  	_ =	swait.ge [sflag:s9], $0x80  }
0x129: {  	[sflag:s9] =	ssyncset.done $0x0  }
0x12a: {  	[sflag:s9] =	ssyncadd.s32 $0xFFFFFF80  }
0x12b: {  	_ =	swait.ge [sflag:s9], $0x80  }
0x12c: {  	[sflag:s9] =	ssyncset.done $0x0  }
0x12d: {  	[sflag:s9] =	ssyncadd.s32 $0xFFFFFF80  }
0x12e: {  	_ =	swait.ge [sflag:s9], $0x80  }
0x12f: {  	[sflag:s9] =	ssyncset.done $0x0  }
0x130: {  	[sflag:s9] =	ssyncadd.s32 $0xFFFFFF80  }
0x131: {  	_ =	swait.ge [sflag:s9], $0x80  }
0x132: {  	[sflag:s9] =	ssyncset.done $0x0  }
0x133: {  	[sflag:s9] =	ssyncadd.s32 $0xFFFFFF80  }
0x134: {  	_ =	swait.ge [sflag:s9], $0x80  }
0x135: {  	[sflag:s9] =	ssyncset.done $0x0  }
0x136: {  	[sflag:s9] =	ssyncadd.s32 $0xFFFFFF80  }
0x137: {  	_ =	swait.ge [sflag:s9], $0x80  }
0x138: {  	[sflag:s9] =	ssyncset.done $0x0  }
0x139: {  	[sflag:s9] =	ssyncadd.s32 $0xFFFFFF80  }
0x13a: {  	_ =	swait.ge [sflag:s9], $0x80  }
0x13b: {  	[sflag:s9] =	ssyncset.done $0x0  }
0x13c: {  	[sflag:s9] =	ssyncadd.s32 $0xFFFFFF80  }
0x13d: {  	_ =	swait.ge [sflag:s9], $0x80  }
0x13e: {  	[sflag:s9] =	ssyncset.done $0x0  }
0x13f: {  	[sflag:s9] =	ssyncadd.s32 $0xFFFFFF80  }
0x140: {  	_ =	swait.ge [sflag:s9], $0x80  }
0x141: {  	[sflag:s9] =	ssyncset.done $0x0  }
0x142: {  	[sflag:s9] =	ssyncadd.s32 $0xFFFFFF80  }
0x143: {  	_ =	swait.ge [sflag:s9], $0x80  }
0x144: {  	[sflag:s9] =	ssyncset.done $0x0  }
0x145: {  	[sflag:s9] =	ssyncadd.s32 $0xFFFFFF80  }
0x146: {  	_ =	swait.ge [sflag:s9], $0x80  }
0x147: {  	[sflag:s9] =	ssyncset.done $0x0  }
0x148: {  	[sflag:s9] =	ssyncadd.s32 $0xFFFFFF80  }
0x149: {  	_ =	swait.ge [sflag:s9], $0x80  }
0x14a: {  	[sflag:s9] =	ssyncset.done $0x0  }
0x14b: {  	[sflag:s9] =	ssyncadd.s32 $0xFFFFFF80  }
0x14c: {  	_ =	swait.ge [sflag:s9], $0x80  }
0x14d: {  	[sflag:s9] =	ssyncset.done $0x0  }
0x14e: {  	[sflag:s9] =	ssyncadd.s32 $0xFFFFFF80  }
0x14f: {  	_ =	swait.ge [sflag:s9], $0x80  }
0x150: {  	[sflag:s9] =	ssyncset.done $0x0  }
0x151: {  	[sflag:s9] =	ssyncadd.s32 $0xFFFFFF80  }
0x152: {  	_ =	swait.ge [sflag:s9], $0x80  }
0x153: {  	[sflag:s9] =	ssyncset.done $0x0  }
0x154: {  	[sflag:s9] =	ssyncadd.s32 $0xFFFFFF80  }
0x155: {  	_ =	swait.ge [sflag:s9], $0x80  }
0x156: {  	[sflag:s9] =	ssyncset.done $0x0  }
0x157: {  	[sflag:s9] =	ssyncadd.s32 $0xFFFFFF80  }
0x158: {  	_ =	swait.ge [sflag:s9], $0x80  }
0x159: {  	[sflag:s9] =	ssyncset.done $0x0  }
0x15a: {  	[sflag:s9] =	ssyncadd.s32 $0xFFFFFF80  }
0x15b: {  	_ =	swait.ge [sflag:s9], $0x80  }
0x15c: {  	[sflag:s9] =	ssyncset.done $0x0  }
0x15d: {  	[sflag:s9] =	ssyncadd.s32 $0xFFFFFF80  }
0x15e: {  	_ =	swait.ge [sflag:s9], $0x80  }
0x15f: {  	[sflag:s9] =	ssyncset.done $0x0  }
0x160: {  	[sflag:s9] =	ssyncadd.s32 $0xFFFFFF80  }
0x161: {  	_ =	swait.ge [sflag:s9], $0x80  }
0x162: {  	[sflag:s9] =	ssyncset.done $0x0  }
0x163: {  	[sflag:s9] =	ssyncadd.s32 $0xFFFFFF80  }
0x164: {  	_ =	swait.ge [sflag:s9], $0x80  }
0x165: {  	[sflag:s9] =	ssyncset.done $0x0  }
0x166: {  	[sflag:s9] =	ssyncadd.s32 $0xFFFFFF80  }
0x167: {  	_ =	swait.ge [sflag:s9], $0x80  }
0x168: {  	[sflag:s9] =	ssyncset.done $0x0  }
0x169: {  	[sflag:s9] =	ssyncadd.s32 $0xFFFFFF80  }
0x16a: {  	_ =	swait.ge [sflag:s9], $0x80  }
0x16b: {  	[sflag:s9] =	ssyncset.done $0x0  }
0x16c: {  	[sflag:s9] =	ssyncadd.s32 $0xFFFFFF80  }
0x16d: {  	_ =	swait.ge [sflag:s9], $0x80  }
0x16e: {  	[sflag:s9] =	ssyncset.done $0x0  }
0x16f: {  	[sflag:s9] =	ssyncadd.s32 $0xFFFFFF80  }
0x170: {  	_ =	swait.ge [sflag:s9], $0x80  }
0x171: {  	[sflag:s9] =	ssyncset.done $0x0  }
0x172: {  	[sflag:s9] =	ssyncadd.s32 $0xFFFFFF80  }
0x173: {  	_ =	swait.ge [sflag:s9], $0x80  }
0x174: {  	[sflag:s9] =	ssyncset.done $0x0  }
0x175: {  	[sflag:s9] =	ssyncadd.s32 $0xFFFFFF80  }
0x176: {  	_ =	swait.ge [sflag:s9], $0x80  }
0x177: {  	[sflag:s9] =	ssyncset.done $0x0  }
0x178: {  	[sflag:s9] =	ssyncadd.s32 $0xFFFFFF80  }
0x179: {  	_ =	swait.ge [sflag:s9], $0x80  }
0x17a: {  	[sflag:s9] =	ssyncset.done $0x0  }
0x17b: {  	[sflag:s9] =	ssyncadd.s32 $0xFFFFFF80  }
0x17c: {  	_ =	swait.ge [sflag:s9], $0x80  }
0x17d: {  	[sflag:s9] =	ssyncset.done $0x0  }
0x17e: {  	[sflag:s9] =	ssyncadd.s32 $0xFFFFFF80  }
0x17f: {  	_ =	swait.ge [sflag:s9], $0x80  }
0x180: {  	[sflag:s9] =	ssyncset.done $0x0  }
0x181: {  	[sflag:s9] =	ssyncadd.s32 $0xFFFFFF80  }
0x182: {  	_ =	swait.ge [sflag:s9], $0x80  }
0x183: {  	[sflag:s9] =	ssyncset.done $0x0  }
0x184: {  	[sflag:s9] =	ssyncadd.s32 $0xFFFFFF80  }
0x185: {  	_ =	swait.ge [sflag:s9], $0x80  }
0x186: {  	[sflag:s9] =	ssyncset.done $0x0  }
0x187: {  	[sflag:s9] =	ssyncadd.s32 $0xFFFFFF80  }
0x188: {  	_ =	swait.ge [sflag:s9], $0x80  }
0x189: {  	[sflag:s9] =	ssyncset.done $0x0  }
0x18a: {  	[sflag:s9] =	ssyncadd.s32 $0xFFFFFF80  }
0x18b: {  	_ =	swait.ge [sflag:s9], $0x80  }
0x18c: {  	[sflag:s9] =	ssyncset.done $0x0  }
0x18d: {  	[sflag:s9] =	ssyncadd.s32 $0xFFFFFF80  }
0x18e: {  	_ =	swait.ge [sflag:s9], $0x80  }
0x18f: {  	[sflag:s9] =	ssyncset.done $0x0  }
0x190: {  	[sflag:s9] =	ssyncadd.s32 $0xFFFFFF80  }
0x191: {  	_ =	swait.ge [sflag:s9], $0x80  }
0x192: {  	[sflag:s9] =	ssyncset.done $0x0  }
0x193: {  	[sflag:s9] =	ssyncadd.s32 $0xFFFFFF80  }
0x194: {  	_ =	swait.ge [sflag:s9], $0x80  }
0x195: {  	[sflag:s9] =	ssyncset.done $0x0  }
0x196: {  	[sflag:s9] =	ssyncadd.s32 $0xFFFFFF80  }
0x197: {  	_ =	swait.ge [sflag:s9], $0x80  }
0x198: {  	[sflag:s9] =	ssyncset.done $0x0  }
0x199: {  	[sflag:s9] =	ssyncadd.s32 $0xFFFFFF80  }
0x19a: {  	_ =	swait.ge [sflag:s9], $0x80  }
0x19b: {  	[sflag:s9] =	ssyncset.done $0x0  }
0x19c: {  	[sflag:s9] =	ssyncadd.s32 $0xFFFFFF80  }
0x19d: {  	_ =	swait.ge [sflag:s9], $0x80  }
0x19e: {  	[sflag:s9] =	ssyncset.done $0x0  }
0x19f: {  	[sflag:s9] =	ssyncadd.s32 $0xFFFFFF80  }
0x1a0: {  	_ =	swait.ge [sflag:s9], $0x80  }
0x1a1: {  	[sflag:s9] =	ssyncset.done $0x0  }
0x1a2: {  	[sflag:s9] =	ssyncadd.s32 $0xFFFFFF80  }
0x1a3: {  	_ =	swait.ge [sflag:s30], $0x2000  }
.Ltmp2:
0x1a4: {  	[sflag:s30] =	ssyncset.done $0x0;
	(pc) =	sbr.rel @p0 .LBB2_4-.Ltmp2, $4  }
0x1a5: {  	[sflag:s30] =	ssyncadd.s32 $0xFFFFE000  }
0x1a6: {  	_ =	swait.ge [sflag:s31], $0x2000  }
0x1a7: {  	[sflag:s31] =	ssyncset.done $0x0  }
0x1a8: {  	s13 =	simm.s32 $0x2800;
	p1 =	por $0x0, $0x0;
	[sflag:s31] =	ssyncadd.s32 $0xFFFFE000  }
0x1a9: {  	[bflag:$0x0] =	sbarrier.arrive $0xFFFF  }
0x1aa: {  	s12 =	sshrl.u32 s8, $0x3;
	s13 =	rddreg [dreg:$0xb]  }
0x1ab: {  	[hbm:s13], [sflag:s11] =	dma.local [spmem:s12], $0x1400  }
0x1ac: {  	_ =	swait.ge [sflag:s20], $0x1400  }
0x1ad: {  	[sflag:s20] =	ssyncset.done $0x0  }
0x1ae: {  	[sflag:s20] =	ssyncadd.s32 $0xFFFFEC00  }
0x1af: {  	[tilespmem:s22], [sflag:$0x6] =	stream.linear.gather [spmem:s14], $0x280, $0x38;
	[tilespmem:$0x1D580] =	vst v63  }
0x1b0: {  	s10 =	sadd.s32 $0x1, s10;
	_ =	swait.ge [sflag:s20], $0x280  }
0x1b1: {  	p0 =	sne.s32 s10, s18;
	[sflag:s20] =	ssyncset.done $0x0  }
.Ltmp3:
0x1b2: {  	s17 =	rddreg [dreg:$0xc];
	[sflag:s20] =	ssyncadd.s32 $0xFFFFFD80;
	(pc) =	sbr.rel @p0 .LBB2_1-.Ltmp3, $4  }
0x1b3: {  	[hbm4b:s17+s6] =	stream.linear.scatter [tilespmem:s22], [sflag:$0x6], $0x280, $0x38;
	[tilespmem:$0x1D580] =	vst v63  }
0x1b4: {  	_ =	swait.ge [sflag:s20], $0x280  }
0x1b5: {  	[sflag:s20] =	ssyncset.done $0x0  }
0x1b6: {  	[sflag:s20] =	ssyncadd.s32 $0xFFFFFD80  }
0x1b7: {  	_ =	sfence.sel $0x180000  }
0x1b8: {  	[bflag:$0x0] =	sbarrier.arrive $0xFFFF  }
0x1b9: {  	_ =	strace $0x90000047  }
0x1ba: {  	s0 =	stileid.u32;
	[bflag:$0x2] =	sbarrier.arrive $0xFFFF  }
0x1bb: {  	p0 =	sne.s32 s0, $0x0;
	s0 =	rddreg [dreg:$0x5]  }
0x1bc: {  	s0 =	sadd.s32 @!p0 $0x100000, s0  }
0x1bd: {  	[sflag:s0] =	ssyncadd.tile.s32 @!p0 $0x1;
	_ =	shalt  }
.Lfunc_end2:
_tile_overlayer_lowered:
.L_overlay_start_2:
0x1be: {  	(tag) =	ssettag $0x2  }
0x1bf: {  	s0 =	rddreg [dreg:$0x0];
	s2 =	stileid.u32  }
0x1c0: {  	s1 =	rddreg [dreg:$0x1];
	p0 =	sne.s32 s2, $0x0  }
0x1c1: {  	s3 =	rddreg [dreg:$0x2];
	[bflag:$0x3] =	sbarrier.arrive $0xFFFF;
	s2 =	simm.s32 @!p0 $0x1C06  }
0x1c2: {  	[timem:s3], [sflag:s2] =	dma.local @!p0 [hbm:s0], s1  }
0x1c3: {  	s0 =	simm.s32 @!p0 $0x6  }
0x1c4: {  	_ =	swait.ge @!p0 [sflag:s0], s1  }
0x1c5: {  	s1 =	ssub.s32 @!p0 $0x0, s1;
	[sflag:s0] =	ssyncset.done @!p0 $0x0  }
0x1c6: {  	[sflag:s0] =	ssyncadd.s32 @!p0 s1  }
0x1c7: {  	[bflag:$0x3] =	sbarrier.arrive $0xFFFF  }
0x1c8: {  	_ =	shalt  }

</sc_bundles>
